<compile_context>
chip_gen: v7x
topology: tpu7x:2x2x1
jax: 0.10.2.dev20260603
libtpu: 0.0.44.dev20260713+nightly
codegen_flags: <defaults>
</compile_context>

<pallas_src>
import functools

import jax
import jax.numpy as jnp
from jax import lax
from jax.experimental import pallas as pl
from jax.experimental.pallas import tpu as pltpu
from jax.experimental.pallas import tpu_sc as plsc

N = 10000
E = 320000
D = 128
NC = 2
NS = 16
NW = NC * NS
KC = 128
NCH = 78
EPW = NCH * KC
XTRA = (E - NW * EPW) // KC

RPT = 624
RTAIL = N - NS * RPT

W1ROW = 34
W2ROW = 8

_mesh = plsc.VectorSubcoreMesh(core_axis_name="c", subcore_axis_name="s")


def _leaky(v):
    return jnp.where(v > 0, v, v * jnp.float32(0.2))


def _elu(v):
    return jnp.where(v > 0, v, jnp.exp(v) - jnp.float32(1.0))


def _tc1_body(x_ref, w1_ref, asrc_ref, adst_ref, h1_ref, asad_ref):
    h = jnp.dot(x_ref[...], w1_ref[...], preferred_element_type=jnp.float32)
    h1_ref[...] = h
    as0 = jnp.sum(h[:, 0:16] * asrc_ref[0, :][None, :], axis=1, keepdims=True)
    as1 = jnp.sum(h[:, 16:32] * asrc_ref[1, :][None, :], axis=1, keepdims=True)
    ad0 = jnp.sum(h[:, 0:16] * adst_ref[0, :][None, :], axis=1, keepdims=True)
    ad1 = jnp.sum(h[:, 16:32] * adst_ref[1, :][None, :], axis=1, keepdims=True)
    asad_ref[...] = jnp.concatenate([as0, as1, ad0, ad1], axis=1)


def _tc1(x, W1, att_src1, att_dst1):
    return pl.pallas_call(
        _tc1_body,
        out_shape=[
            jax.ShapeDtypeStruct((N, 32), jnp.float32),
            jax.ShapeDtypeStruct((N, 4), jnp.float32),
        ],
    )(x, W1, att_src1, att_dst1)


def _sc1_body(src_hbm, dst_hbm, h1_hbm, asad_hbm, out_hbm,
              srcv_a, dstv_a, gbuf_a, payv_a,
              srcv_b, dstv_b, gbuf_b, payv_b,
              asadv, shacc, gsem, sem_a, sem_b):
    cid = lax.axis_index("c")
    sid = lax.axis_index("s")
    wid = sid * NC + cid
    iota16 = lax.iota(jnp.int32, 16)
    zero16 = jnp.zeros((16,), jnp.float32)

    pltpu.sync_copy(asad_hbm, asadv)

    def _zrow(r, carry):
        payv_a[r, pl.ds(0, 16)] = zero16
        payv_a[r, pl.ds(16, 16)] = zero16
        payv_a[r, pl.ds(18, 16)] = zero16
        return carry
    lax.fori_loop(0, KC, _zrow, 0)
    for k in range(4):
        pltpu.sync_copy(payv_a, shacc.at[pl.ds(sid * RPT + k * KC, KC)])
    pltpu.sync_copy(payv_a.at[pl.ds(0, RPT - 4 * KC)],
                    shacc.at[pl.ds(sid * RPT + 4 * KC, RPT - 4 * KC)])

    @pl.when(sid == NS - 1)
    def _ztail():
        pltpu.sync_copy(payv_a.at[pl.ds(0, RTAIL)],
                        shacc.at[pl.ds(NS * RPT, RTAIL)])
    plsc.subcore_barrier()

    c_as0 = jnp.zeros((16,), jnp.int32)
    c_as1 = jnp.full((16,), 1, jnp.int32)
    c_ad0 = jnp.full((16,), 2, jnp.int32)
    c_ad1 = jnp.full((16,), 3, jnp.int32)
    c_w0 = jnp.full((16,), 32, jnp.int32)
    c_w1 = jnp.full((16,), 33, jnp.int32)

    def _fill(base, srcv, dstv, gbuf, payv):
        pltpu.sync_copy(src_hbm.at[pl.ds(base, KC)], srcv)
        pltpu.sync_copy(dst_hbm.at[pl.ds(base, KC)], dstv)
        pltpu.async_copy(h1_hbm.at[srcv], gbuf, gsem).wait()

        def _vec(j, icarry):
            jb = j * 16
            sidx = srcv[pl.ds(jb, 16)]
            didx = dstv[pl.ds(jb, 16)]
            es0 = plsc.load_gather(asadv, [sidx, c_as0])
            es1 = plsc.load_gather(asadv, [sidx, c_as1])
            ed0 = plsc.load_gather(asadv, [didx, c_ad0])
            ed1 = plsc.load_gather(asadv, [didx, c_ad1])
            w0 = jnp.exp(_leaky(es0 + ed0))
            w1 = jnp.exp(_leaky(es1 + ed1))
            rows = jb + iota16
            plsc.store_scatter(payv, [rows, c_w0], w0)
            plsc.store_scatter(payv, [rows, c_w1], w1)
            for cc in range(16):
                col0 = jnp.full((16,), cc, jnp.int32)
                col1 = jnp.full((16,), cc + 16, jnp.int32)
                g0 = plsc.load_gather(gbuf, [rows, col0])
                g1 = plsc.load_gather(gbuf, [rows, col1])
                plsc.store_scatter(payv, [rows, col0], w0 * g0)
                plsc.store_scatter(payv, [rows, col1], w1 * g1)
            return icarry
        lax.fori_loop(0, KC // 16, _vec, 0)

    def _pair(i, carry):
        @pl.when(i > 0)
        def _wa():
            pltpu.make_async_copy(payv_a, shacc.at[dstv_a], sem_a).wait()
        _fill(wid * EPW + (2 * i) * KC, srcv_a, dstv_a, gbuf_a, payv_a)

        @pl.when(i > 0)
        def _wb():
            pltpu.make_async_copy(payv_b, shacc.at[dstv_b], sem_b).wait()
        pltpu.async_copy(payv_a, shacc.at[dstv_a], sem_a, add=True)
        _fill(wid * EPW + (2 * i + 1) * KC, srcv_b, dstv_b, gbuf_b, payv_b)
        pltpu.async_copy(payv_b, shacc.at[dstv_b], sem_b, add=True)
        return carry
    lax.fori_loop(0, NCH // 2, _pair, 0)
    pltpu.make_async_copy(payv_a, shacc.at[dstv_a], sem_a).wait()
    pltpu.make_async_copy(payv_b, shacc.at[dstv_b], sem_b).wait()

    @pl.when(wid < XTRA)
    def _extra():
        _fill(NW * EPW + wid * KC, srcv_a, dstv_a, gbuf_a, payv_a)
        pltpu.sync_copy(payv_a, shacc.at[dstv_a], add=True)
    plsc.subcore_barrier()

    pltpu.sync_copy(shacc.at[pl.ds(sid * RPT, RPT)],
                    out_hbm.at[cid, pl.ds(sid * RPT, RPT)])

    @pl.when(sid == NS - 1)
    def _otail():
        pltpu.sync_copy(shacc.at[pl.ds(NS * RPT, RTAIL)],
                        out_hbm.at[cid, pl.ds(NS * RPT, RTAIL)])


@functools.partial(
    pl.kernel,
    out_type=jax.ShapeDtypeStruct((NC, N, W1ROW), jnp.float32),
    mesh=_mesh,
    compiler_params=pltpu.CompilerParams(use_tc_tiling_on_sc=False, needs_layout_passes=False),
    scratch_types=[
        pltpu.VMEM((KC,), jnp.int32),
        pltpu.VMEM((KC,), jnp.int32),
        pltpu.VMEM((KC, 32), jnp.float32),
        pltpu.VMEM((KC, W1ROW), jnp.float32),
        pltpu.VMEM((KC,), jnp.int32),
        pltpu.VMEM((KC,), jnp.int32),
        pltpu.VMEM((KC, 32), jnp.float32),
        pltpu.VMEM((KC, W1ROW), jnp.float32),
        pltpu.VMEM((N, 4), jnp.float32),
        pltpu.VMEM_SHARED((N, W1ROW), jnp.float32),
        pltpu.SemaphoreType.DMA,
        pltpu.SemaphoreType.DMA,
        pltpu.SemaphoreType.DMA,
    ],
)
def _sc1(src_hbm, dst_hbm, h1_hbm, asad_hbm, out_hbm, *scratch):
    _sc1_body(src_hbm, dst_hbm, h1_hbm, asad_hbm, out_hbm, *scratch)


def _tc2_body(acc_a, acc_b, h1_ref, asad_ref, b1_ref, w2_ref,
              asrc2_ref, adst2_ref, tab2_ref):
    h1 = h1_ref[...]
    asad = asad_ref[...]
    ws0 = jnp.exp(_leaky(asad[:, 0:1] + asad[:, 2:3]))
    ws1 = jnp.exp(_leaky(asad[:, 1:2] + asad[:, 3:4]))
    num0 = acc_a[:, 0:16] + acc_b[:, 0:16] + ws0 * h1[:, 0:16]
    num1 = acc_a[:, 16:32] + acc_b[:, 16:32] + ws1 * h1[:, 16:32]
    den0 = acc_a[:, 32:33] + acc_b[:, 32:33] + ws0
    den1 = acc_a[:, 33:34] + acc_b[:, 33:34] + ws1
    o0 = num0 / (den0 + jnp.float32(1e-16))
    o1 = num1 / (den1 + jnp.float32(1e-16))
    hmid = _elu(jnp.concatenate([o0, o1], axis=1) + b1_ref[...])
    h2 = jnp.dot(hmid, w2_ref[...], preferred_element_type=jnp.float32)
    as2 = jnp.sum(h2 * asrc2_ref[0, :][None, :], axis=1, keepdims=True)
    ad2 = jnp.sum(h2 * adst2_ref[0, :][None, :], axis=1, keepdims=True)
    tab2_ref[...] = jnp.concatenate([h2, as2, ad2], axis=1)


def _tc2(acc_a, acc_b, h1, asad, b1, W2, att_src2, att_dst2):
    return pl.pallas_call(
        _tc2_body,
        out_shape=jax.ShapeDtypeStruct((N, 4), jnp.float32),
    )(acc_a, acc_b, h1, asad, b1, W2, att_src2, att_dst2)


def _sc2_body(src_hbm, dst_hbm, tab_hbm, out_hbm,
              srcv, dstv, payv, tabv, shacc, sem):
    cid = lax.axis_index("c")
    sid = lax.axis_index("s")
    wid = sid * NC + cid
    iota16 = lax.iota(jnp.int32, 16)
    zero16 = jnp.zeros((16,), jnp.float32)

    pltpu.sync_copy(tab_hbm, tabv)

    def _z(i, carry):
        fi = i * 16 + iota16
        plsc.store_scatter(payv, [lax.shift_right_logical(fi, 3),
                                  lax.bitwise_and(fi, 7)], zero16)
        return carry
    lax.fori_loop(0, KC * W2ROW // 16, _z, 0)
    for k in range(4):
        pltpu.sync_copy(payv, shacc.at[pl.ds(sid * RPT + k * KC, KC)])
    pltpu.sync_copy(payv.at[pl.ds(0, RPT - 4 * KC)],
                    shacc.at[pl.ds(sid * RPT + 4 * KC, RPT - 4 * KC)])

    @pl.when(sid == NS - 1)
    def _ztail():
        pltpu.sync_copy(payv.at[pl.ds(0, RTAIL)],
                        shacc.at[pl.ds(NS * RPT, RTAIL)])
    plsc.subcore_barrier()

    c_h0 = jnp.zeros((16,), jnp.int32)
    c_h1 = jnp.full((16,), 1, jnp.int32)
    c_as = jnp.full((16,), 2, jnp.int32)
    c_ad = jnp.full((16,), 3, jnp.int32)
    p_0 = jnp.zeros((16,), jnp.int32)
    p_1 = jnp.full((16,), 1, jnp.int32)
    p_2 = jnp.full((16,), 2, jnp.int32)

    def _do_chunk(base):
        pltpu.sync_copy(src_hbm.at[pl.ds(base, KC)], srcv)
        pltpu.sync_copy(dst_hbm.at[pl.ds(base, KC)], dstv)

        def _vec(j, icarry):
            jb = j * 16
            sidx = srcv[pl.ds(jb, 16)]
            didx = dstv[pl.ds(jb, 16)]
            h20 = plsc.load_gather(tabv, [sidx, c_h0])
            h21 = plsc.load_gather(tabv, [sidx, c_h1])
            as2 = plsc.load_gather(tabv, [sidx, c_as])
            ad2 = plsc.load_gather(tabv, [didx, c_ad])
            w = jnp.exp(_leaky(as2 + ad2))
            rows = jb + iota16
            plsc.store_scatter(payv, [rows, p_0], w * h20)
            plsc.store_scatter(payv, [rows, p_1], w * h21)
            plsc.store_scatter(payv, [rows, p_2], w)
            return icarry
        lax.fori_loop(0, KC // 16, _vec, 0)

        pltpu.sync_copy(payv, shacc.at[dstv], add=True)

    def _chunk(c, carry):
        _do_chunk(wid * EPW + c * KC)
        return carry
    lax.fori_loop(0, NCH, _chunk, 0)

    @pl.when(wid < XTRA)
    def _extra():
        _do_chunk(NW * EPW + wid * KC)
    plsc.subcore_barrier()

    pltpu.sync_copy(shacc.at[pl.ds(sid * RPT, RPT)],
                    out_hbm.at[cid, pl.ds(sid * RPT, RPT)])

    @pl.when(sid == NS - 1)
    def _otail():
        pltpu.sync_copy(shacc.at[pl.ds(NS * RPT, RTAIL)],
                        out_hbm.at[cid, pl.ds(NS * RPT, RTAIL)])


@functools.partial(
    pl.kernel,
    out_type=jax.ShapeDtypeStruct((NC, N, W2ROW), jnp.float32),
    mesh=_mesh,
    compiler_params=pltpu.CompilerParams(use_tc_tiling_on_sc=False, needs_layout_passes=False),
    scratch_types=[
        pltpu.VMEM((KC,), jnp.int32),
        pltpu.VMEM((KC,), jnp.int32),
        pltpu.VMEM((KC, W2ROW), jnp.float32),
        pltpu.VMEM((N, 4), jnp.float32),
        pltpu.VMEM_SHARED((N, W2ROW), jnp.float32),
        pltpu.SemaphoreType.DMA,
    ],
)
def _sc2(src_hbm, dst_hbm, tab_hbm, out_hbm, *scratch):
    _sc2_body(src_hbm, dst_hbm, tab_hbm, out_hbm, *scratch)


def _tc3_body(acc_a, acc_b, tab2_ref, b2_ref, lw1_ref, lb1_ref,
              lw2_ref, lb2_ref, out_ref):
    t2 = tab2_ref[...]
    ws = jnp.exp(_leaky(t2[:, 2:3] + t2[:, 3:4]))
    num = acc_a[:, 0:2] + acc_b[:, 0:2] + ws * t2[:, 0:2]
    den = acc_a[:, 2:3] + acc_b[:, 2:3] + ws
    g = num / (den + jnp.float32(1e-16)) + b2_ref[...]
    t = _elu(jnp.dot(g, lw1_ref[...], preferred_element_type=jnp.float32)
             + lb1_ref[...])
    y = jnp.dot(t, lw2_ref[...], preferred_element_type=jnp.float32) + lb2_ref[...]
    out_ref[...] = jnp.mean(y, axis=0, keepdims=True)


def _tc3(acc_a, acc_b, tab2, b2, lw1, lb1, lw2, lb2):
    return pl.pallas_call(
        _tc3_body,
        out_shape=jax.ShapeDtypeStruct((1, 2), jnp.float32),
    )(acc_a, acc_b, tab2, b2, lw1, lb1, lw2, lb2)


def kernel(x, edge_index, W1, att_src1, att_dst1, b1, W2, att_src2,
           att_dst2, b2, lw1, lb1, lw2, lb2):
    src = edge_index[0]
    dst = edge_index[1]
    h1, asad1 = _tc1(x, W1, att_src1, att_dst1)
    acc1 = _sc1(src, dst, h1, asad1)
    tab2 = _tc2(acc1[0], acc1[1], h1, asad1, b1.reshape(1, -1), W2,
                att_src2, att_dst2)
    acc2 = _sc2(src, dst, tab2)
    return _tc3(acc2[0], acc2[1], tab2, b2.reshape(1, -1), lw1,
                lb1.reshape(1, -1), lw2, lb2.reshape(1, -1))

# --- scband reference (transcript-rebuilt; emitter-appended) ---
"""Pipeline reference for scband-gnn-76476187672878 (READ-ONLY COPY).

The authoritative reference and input builder live on the scoring server;
editing this copy changes nothing except your own understanding.
"""

import jax, jax.numpy as jnp
import numpy as np

N = 10000
E = 320000
D = 128
H1 = 2
C1 = 16
C2 = 2
HID = 16


def gat_conv(x, edge_index, W, a_src, a_dst, b, heads, outc, concat):
    n = x.shape[0]
    h = (x @ W).reshape(n, heads, outc)
    as_ = (h * a_src[None]).sum(-1)  # [n, heads]
    ad_ = (h * a_dst[None]).sum(-1)  # [n, heads]
    loop = jnp.arange(n, dtype=edge_index.dtype)
    src = jnp.concatenate([edge_index[0], loop])
    dst = jnp.concatenate([edge_index[1], loop])
    alpha = as_[src] + ad_[dst]
    alpha = jax.nn.leaky_relu(alpha, 0.2)
    amax = jax.ops.segment_max(alpha, dst, num_segments=n)
    alpha = jnp.exp(alpha - jax.lax.stop_gradient(amax)[dst])
    denom = jax.ops.segment_sum(alpha, dst, num_segments=n)
    alpha = alpha / (denom[dst] + 1e-16)
    out = jax.ops.segment_sum(h[src] * alpha[..., None], dst, num_segments=n)
    if concat:
        out = out.reshape(n, heads * outc)
    else:
        out = out.mean(axis=1)
    return out + b


def setup_inputs(seed: int = 0):
    key = jax.random.key(seed)
    ks = jax.random.split(key, 16)
    x = jax.random.normal(ks[0], (N, D), dtype=jnp.float32)
    edge_index = jax.random.randint(ks[1], (2, E), 0, N, dtype=jnp.int32)
    W1 = jax.random.normal(ks[2], (D, H1 * C1), dtype=jnp.float32) * 0.1
    att_src1 = jax.random.normal(ks[3], (H1, C1), dtype=jnp.float32) * 0.1
    att_dst1 = jax.random.normal(ks[4], (H1, C1), dtype=jnp.float32) * 0.1
    b1 = jnp.zeros((H1 * C1,), dtype=jnp.float32)
    W2 = jax.random.normal(ks[5], (H1 * C1, 1 * C2), dtype=jnp.float32) * 0.1
    att_src2 = jax.random.normal(ks[6], (1, C2), dtype=jnp.float32) * 0.1
    att_dst2 = jax.random.normal(ks[7], (1, C2), dtype=jnp.float32) * 0.1
    b2 = jnp.zeros((C2,), dtype=jnp.float32)
    lw1 = jax.random.normal(ks[8], (C2, HID), dtype=jnp.float32) * 0.1
    lb1 = jnp.zeros((HID,), dtype=jnp.float32)
    lw2 = jax.random.normal(ks[9], (HID, C2), dtype=jnp.float32) * 0.1
    lb2 = jnp.zeros((C2,), dtype=jnp.float32)
    return {"x": x, "edge_index": edge_index, "W1": W1, "att_src1": att_src1,
            "att_dst1": att_dst1, "b1": b1, "W2": W2, "att_src2": att_src2,
            "att_dst2": att_dst2, "b2": b2, "lw1": lw1, "lb1": lb1,
            "lw2": lw2, "lb2": lb2}


def reference(x, edge_index, W1, att_src1, att_dst1, b1, W2, att_src2, att_dst2, b2, lw1, lb1, lw2, lb2):
    h = gat_conv(x, edge_index, W1, att_src1, att_dst1, b1, H1, C1, True)
    h = jax.nn.elu(h)
    h = gat_conv(h, edge_index, W2, att_src2, att_dst2, b2, 1, C2, False)
    # dropout is identity in eval mode
    h = jax.nn.elu(h @ lw1 + lb1)
    h = h @ lw2 + lb2
    # to_dense_batch with a single graph -> [1, N, C2]; global mean pool over nodes
    out = h.mean(axis=0, keepdims=True)  # [1, C2]
    return out

if __name__ == "__main__":
    import jax
    _d = setup_inputs()
    print(jax.jit(kernel)(*tuple(_d.values())))

</pallas_src>

<mosaic_0001>
#map = affine_map<(d0, d1) -> (0)>
#map1 = affine_map<(d0, d1) -> (0, 0)>
#map2 = affine_map<(d0, d1) -> (0, 0, 0)>
module attributes {stable_mosaic.version = 14 : i64} {
  func.func @_sc1(%arg0: i32, %arg1: i32, %arg2: memref<320000xi32, #tpu.memory_space<hbm>>, %arg3: memref<320000xi32, #tpu.memory_space<hbm>>, %arg4: memref<10000x32xf32, #tpu.memory_space<hbm>>, %arg5: memref<10000x4xf32, #tpu.memory_space<hbm>>, %arg6: memref<2x10000x34xf32, #tpu.memory_space<hbm>>, %arg7: memref<128xi32, #tpu.memory_space<vmem>>, %arg8: memref<128xi32, #tpu.memory_space<vmem>>, %arg9: memref<128x32xf32, #tpu.memory_space<vmem>>, %arg10: memref<128x34xf32, #tpu.memory_space<vmem>>, %arg11: memref<128xi32, #tpu.memory_space<vmem>>, %arg12: memref<128xi32, #tpu.memory_space<vmem>>, %arg13: memref<128x32xf32, #tpu.memory_space<vmem>>, %arg14: memref<128x34xf32, #tpu.memory_space<vmem>>, %arg15: memref<10000x4xf32, #tpu.memory_space<vmem>>, %arg16: memref<10000x34xf32, #tpu.memory_space<vmem_shared>>, %arg17: memref<!tpu.dma_semaphore, #tpu.memory_space<semaphore_mem>>, %arg18: memref<!tpu.dma_semaphore, #tpu.memory_space<semaphore_mem>>, %arg19: memref<!tpu.dma_semaphore, #tpu.memory_space<semaphore_mem>>) attributes {dimension_semantics = [#tpu.dimension_semantics<core_parallel>, #tpu.dimension_semantics<subcore_parallel>], iteration_bounds = array<i64: 2, 16>, scalar_prefetch = 0 : i64, scratch_operands = 13 : i64, tpu.core_type = #tpu.core_type<sc_vector_subcore>, window_params = [{transform_indices = #map}, {transform_indices = #map}, {transform_indices = #map1}, {transform_indices = #map1}, {transform_indices = #map2}]} {
    %mul3A = arith.constant 2 : i32
    %mul3A_0 = arith.muli %arg1, %mul3A : i32
    %add3A = arith.addi %mul3A_0, %arg0 : i32
    %iota3A = tpu.iota {dimensions = array<i32: 0>} : vector<16xi32>
    %broadcast_in_dim3A = arith.constant 0.000000e+00 : f32
    %broadcast_in_dim3A_1 = vector.broadcast %broadcast_in_dim3A : f32 to vector<16xf32>
    "tpu.region"() ({
      %run_scoped3A = tpu.sem_alloc : memref<!tpu.dma_semaphore, #tpu.memory_space<semaphore_mem>>
      tpu.enqueue_dma source(%arg5 : memref<10000x4xf32, #tpu.memory_space<hbm>>) target(%arg15 : memref<10000x4xf32, #tpu.memory_space<vmem>>) target_semaphore(%run_scoped3A : memref<!tpu.dma_semaphore, #tpu.memory_space<semaphore_mem>>)
      tpu.wait_dma2 semaphore(%run_scoped3A : memref<!tpu.dma_semaphore, #tpu.memory_space<semaphore_mem>>) src(%arg5 : memref<10000x4xf32, #tpu.memory_space<hbm>>) dst(%arg15 : memref<10000x4xf32, #tpu.memory_space<vmem>>)
      tpu.yield
    }) : () -> ()
    %scan3A = arith.constant 0 : i32
    %scan3A_2 = arith.constant 0 : i32
    %scan3A_3 = arith.constant 128 : i32
    %scan3A_4 = arith.addi %scan3A_2, %scan3A_3 : i32
    %scan3A_5 = arith.constant 1 : i32
    scf.for %scan3A_66 = %scan3A_2 to %scan3A_4 step %scan3A_5  : i32 {
      %swap3A = arith.index_cast %scan3A_66 : i32 to index
      %swap3A_67 = arith.constant 0 : index
      %swap3A_68 = tpu.vector_load %arg10[%swap3A, %swap3A_67] {strides = array<i32>} : memref<128x34xf32, #tpu.memory_space<vmem>>, vector<16xf32>,
      tpu.vector_store %arg10[%swap3A, %swap3A_67], %broadcast_in_dim3A_1 {strides = array<i32>} : memref<128x34xf32, #tpu.memory_space<vmem>>, vector<16xf32>,
      %swap3A_69 = arith.index_cast %scan3A_66 : i32 to index
      %swap3A_70 = arith.constant 16 : index
      %swap3A_71 = tpu.vector_load %arg10[%swap3A_69, %swap3A_70] {strides = array<i32>} : memref<128x34xf32, #tpu.memory_space<vmem>>, vector<16xf32>,
      tpu.vector_store %arg10[%swap3A_69, %swap3A_70], %broadcast_in_dim3A_1 {strides = array<i32>} : memref<128x34xf32, #tpu.memory_space<vmem>>, vector<16xf32>,
      %swap3A_72 = arith.index_cast %scan3A_66 : i32 to index
      %swap3A_73 = arith.constant 18 : index
      %swap3A_74 = tpu.vector_load %arg10[%swap3A_72, %swap3A_73] {strides = array<i32>} : memref<128x34xf32, #tpu.memory_space<vmem>>, vector<16xf32>,
      tpu.vector_store %arg10[%swap3A_72, %swap3A_73], %broadcast_in_dim3A_1 {strides = array<i32>} : memref<128x34xf32, #tpu.memory_space<vmem>>, vector<16xf32>,
    }
    %scan3A_6 = arith.constant 128 : i32
    %mul3A_7 = arith.constant 624 : i32
    %mul3A_8 = arith.muli %arg1, %mul3A_7 : i32
    %add3A_9 = arith.constant 0 : i32
    %add3A_10 = arith.addi %mul3A_8, %add3A_9 : i32
    "tpu.region"() ({
      %run_scoped3A = tpu.sem_alloc : memref<!tpu.dma_semaphore, #tpu.memory_space<semaphore_mem>>
      %dma_start3A = arith.constant 0 : i32
      %dma_start3A_66 = tpu.memref_slice %arg16[%add3A_10, %dma_start3A] : memref<10000x34xf32, #tpu.memory_space<vmem_shared>> -> memref<128x34xf32, #tpu.memory_space<vmem_shared>>
      %dma_start3A_67 = arith.constant 0 : i32
      %dma_start3A_68 = tpu.memref_slice %arg16[%add3A_10, %dma_start3A_67] : memref<10000x34xf32, #tpu.memory_space<vmem_shared>> -> memref<128x34xf32, #tpu.memory_space<vmem_shared>>
      tpu.enqueue_dma source(%arg10 : memref<128x34xf32, #tpu.memory_space<vmem>>) target(%dma_start3A_68 : memref<128x34xf32, #tpu.memory_space<vmem_shared>>) target_semaphore(%run_scoped3A : memref<!tpu.dma_semaphore, #tpu.memory_space<semaphore_mem>>)
      %dma_wait3A_69 = arith.constant 0 : i32
      %dma_wait3A_70 = tpu.memref_slice %arg16[%add3A_10, %dma_wait3A_69] : memref<10000x34xf32, #tpu.memory_space<vmem_shared>> -> memref<128x34xf32, #tpu.memory_space<vmem_shared>>
      %dma_wait3A_71 = arith.constant 0 : i32
      %dma_wait3A_72 = tpu.memref_slice %arg16[%add3A_10, %dma_wait3A_71] : memref<10000x34xf32, #tpu.memory_space<vmem_shared>> -> memref<128x34xf32, #tpu.memory_space<vmem_shared>>
      tpu.wait_dma2 semaphore(%run_scoped3A : memref<!tpu.dma_semaphore, #tpu.memory_space<semaphore_mem>>) src(%arg10 : memref<128x34xf32, #tpu.memory_space<vmem>>) dst(%dma_wait3A_72 : memref<128x34xf32, #tpu.memory_space<vmem_shared>>)
      tpu.yield
    }) : () -> ()
    %mul3A_11 = arith.constant 624 : i32
    %mul3A_12 = arith.muli %arg1, %mul3A_11 : i32
    %add3A_13 = arith.constant 128 : i32
    %add3A_14 = arith.addi %mul3A_12, %add3A_13 : i32
    "tpu.region"() ({
      %run_scoped3A = tpu.sem_alloc : memref<!tpu.dma_semaphore, #tpu.memory_space<semaphore_mem>>
      %dma_start3A = arith.constant 0 : i32
      %dma_start3A_66 = tpu.memref_slice %arg16[%add3A_14, %dma_start3A] : memref<10000x34xf32, #tpu.memory_space<vmem_shared>> -> memref<128x34xf32, #tpu.memory_space<vmem_shared>>
      %dma_start3A_67 = arith.constant 0 : i32
      %dma_start3A_68 = tpu.memref_slice %arg16[%add3A_14, %dma_start3A_67] : memref<10000x34xf32, #tpu.memory_space<vmem_shared>> -> memref<128x34xf32, #tpu.memory_space<vmem_shared>>
      tpu.enqueue_dma source(%arg10 : memref<128x34xf32, #tpu.memory_space<vmem>>) target(%dma_start3A_68 : memref<128x34xf32, #tpu.memory_space<vmem_shared>>) target_semaphore(%run_scoped3A : memref<!tpu.dma_semaphore, #tpu.memory_space<semaphore_mem>>)
      %dma_wait3A_69 = arith.constant 0 : i32
      %dma_wait3A_70 = tpu.memref_slice %arg16[%add3A_14, %dma_wait3A_69] : memref<10000x34xf32, #tpu.memory_space<vmem_shared>> -> memref<128x34xf32, #tpu.memory_space<vmem_shared>>
      %dma_wait3A_71 = arith.constant 0 : i32
      %dma_wait3A_72 = tpu.memref_slice %arg16[%add3A_14, %dma_wait3A_71] : memref<10000x34xf32, #tpu.memory_space<vmem_shared>> -> memref<128x34xf32, #tpu.memory_space<vmem_shared>>
      tpu.wait_dma2 semaphore(%run_scoped3A : memref<!tpu.dma_semaphore, #tpu.memory_space<semaphore_mem>>) src(%arg10 : memref<128x34xf32, #tpu.memory_space<vmem>>) dst(%dma_wait3A_72 : memref<128x34xf32, #tpu.memory_space<vmem_shared>>)
      tpu.yield
    }) : () -> ()
    %mul3A_15 = arith.constant 624 : i32
    %mul3A_16 = arith.muli %arg1, %mul3A_15 : i32
    %add3A_17 = arith.constant 256 : i32
    %add3A_18 = arith.addi %mul3A_16, %add3A_17 : i32
    "tpu.region"() ({
      %run_scoped3A = tpu.sem_alloc : memref<!tpu.dma_semaphore, #tpu.memory_space<semaphore_mem>>
      %dma_start3A = arith.constant 0 : i32
      %dma_start3A_66 = tpu.memref_slice %arg16[%add3A_18, %dma_start3A] : memref<10000x34xf32, #tpu.memory_space<vmem_shared>> -> memref<128x34xf32, #tpu.memory_space<vmem_shared>>
      %dma_start3A_67 = arith.constant 0 : i32
      %dma_start3A_68 = tpu.memref_slice %arg16[%add3A_18, %dma_start3A_67] : memref<10000x34xf32, #tpu.memory_space<vmem_shared>> -> memref<128x34xf32, #tpu.memory_space<vmem_shared>>
      tpu.enqueue_dma source(%arg10 : memref<128x34xf32, #tpu.memory_space<vmem>>) target(%dma_start3A_68 : memref<128x34xf32, #tpu.memory_space<vmem_shared>>) target_semaphore(%run_scoped3A : memref<!tpu.dma_semaphore, #tpu.memory_space<semaphore_mem>>)
      %dma_wait3A_69 = arith.constant 0 : i32
      %dma_wait3A_70 = tpu.memref_slice %arg16[%add3A_18, %dma_wait3A_69] : memref<10000x34xf32, #tpu.memory_space<vmem_shared>> -> memref<128x34xf32, #tpu.memory_space<vmem_shared>>
      %dma_wait3A_71 = arith.constant 0 : i32
      %dma_wait3A_72 = tpu.memref_slice %arg16[%add3A_18, %dma_wait3A_71] : memref<10000x34xf32, #tpu.memory_space<vmem_shared>> -> memref<128x34xf32, #tpu.memory_space<vmem_shared>>
      tpu.wait_dma2 semaphore(%run_scoped3A : memref<!tpu.dma_semaphore, #tpu.memory_space<semaphore_mem>>) src(%arg10 : memref<128x34xf32, #tpu.memory_space<vmem>>) dst(%dma_wait3A_72 : memref<128x34xf32, #tpu.memory_space<vmem_shared>>)
      tpu.yield
    }) : () -> ()
    %mul3A_19 = arith.constant 624 : i32
    %mul3A_20 = arith.muli %arg1, %mul3A_19 : i32
    %add3A_21 = arith.constant 384 : i32
    %add3A_22 = arith.addi %mul3A_20, %add3A_21 : i32
    "tpu.region"() ({
      %run_scoped3A = tpu.sem_alloc : memref<!tpu.dma_semaphore, #tpu.memory_space<semaphore_mem>>
      %dma_start3A = arith.constant 0 : i32
      %dma_start3A_66 = tpu.memref_slice %arg16[%add3A_22, %dma_start3A] : memref<10000x34xf32, #tpu.memory_space<vmem_shared>> -> memref<128x34xf32, #tpu.memory_space<vmem_shared>>
      %dma_start3A_67 = arith.constant 0 : i32
      %dma_start3A_68 = tpu.memref_slice %arg16[%add3A_22, %dma_start3A_67] : memref<10000x34xf32, #tpu.memory_space<vmem_shared>> -> memref<128x34xf32, #tpu.memory_space<vmem_shared>>
      tpu.enqueue_dma source(%arg10 : memref<128x34xf32, #tpu.memory_space<vmem>>) target(%dma_start3A_68 : memref<128x34xf32, #tpu.memory_space<vmem_shared>>) target_semaphore(%run_scoped3A : memref<!tpu.dma_semaphore, #tpu.memory_space<semaphore_mem>>)
      %dma_wait3A_69 = arith.constant 0 : i32
      %dma_wait3A_70 = tpu.memref_slice %arg16[%add3A_22, %dma_wait3A_69] : memref<10000x34xf32, #tpu.memory_space<vmem_shared>> -> memref<128x34xf32, #tpu.memory_space<vmem_shared>>
      %dma_wait3A_71 = arith.constant 0 : i32
      %dma_wait3A_72 = tpu.memref_slice %arg16[%add3A_22, %dma_wait3A_71] : memref<10000x34xf32, #tpu.memory_space<vmem_shared>> -> memref<128x34xf32, #tpu.memory_space<vmem_shared>>
      tpu.wait_dma2 semaphore(%run_scoped3A : memref<!tpu.dma_semaphore, #tpu.memory_space<semaphore_mem>>) src(%arg10 : memref<128x34xf32, #tpu.memory_space<vmem>>) dst(%dma_wait3A_72 : memref<128x34xf32, #tpu.memory_space<vmem_shared>>)
      tpu.yield
    }) : () -> ()
    %mul3A_23 = arith.constant 624 : i32
    %mul3A_24 = arith.muli %arg1, %mul3A_23 : i32
    %add3A_25 = arith.constant 512 : i32
    %add3A_26 = arith.addi %mul3A_24, %add3A_25 : i32
    "tpu.region"() ({
      %run_scoped3A = tpu.sem_alloc : memref<!tpu.dma_semaphore, #tpu.memory_space<semaphore_mem>>
      %dma_start3A = arith.constant 0 : i32
      %dma_start3A_66 = arith.constant 0 : i32
      %dma_start3A_67 = tpu.memref_slice %arg10[%dma_start3A, %dma_start3A_66] : memref<128x34xf32, #tpu.memory_space<vmem>> -> memref<112x34xf32, #tpu.memory_space<vmem>>
      %dma_start3A_68 = arith.constant 0 : i32
      %dma_start3A_69 = tpu.memref_slice %arg16[%add3A_26, %dma_start3A_68] : memref<10000x34xf32, #tpu.memory_space<vmem_shared>> -> memref<112x34xf32, #tpu.memory_space<vmem_shared>>
      %dma_start3A_70 = arith.constant 0 : i32
      %dma_start3A_71 = tpu.memref_slice %arg16[%add3A_26, %dma_start3A_70] : memref<10000x34xf32, #tpu.memory_space<vmem_shared>> -> memref<112x34xf32, #tpu.memory_space<vmem_shared>>
      %dma_start3A_72 = arith.constant 0 : i32
      %dma_start3A_73 = arith.constant 0 : i32
      %dma_start3A_74 = tpu.memref_slice %arg10[%dma_start3A_72, %dma_start3A_73] : memref<128x34xf32, #tpu.memory_space<vmem>> -> memref<112x34xf32, #tpu.memory_space<vmem>>
      tpu.enqueue_dma source(%dma_start3A_74 : memref<112x34xf32, #tpu.memory_space<vmem>>) target(%dma_start3A_71 : memref<112x34xf32, #tpu.memory_space<vmem_shared>>) target_semaphore(%run_scoped3A : memref<!tpu.dma_semaphore, #tpu.memory_space<semaphore_mem>>)
      %dma_wait3A_75 = arith.constant 0 : i32
      %dma_wait3A_76 = arith.constant 0 : i32
      %dma_wait3A_77 = tpu.memref_slice %arg10[%dma_wait3A_75, %dma_wait3A_76] : memref<128x34xf32, #tpu.memory_space<vmem>> -> memref<112x34xf32, #tpu.memory_space<vmem>>
      %dma_wait3A_78 = arith.constant 0 : i32
      %dma_wait3A_79 = tpu.memref_slice %arg16[%add3A_26, %dma_wait3A_78] : memref<10000x34xf32, #tpu.memory_space<vmem_shared>> -> memref<112x34xf32, #tpu.memory_space<vmem_shared>>
      %dma_wait3A_80 = arith.constant 0 : i32
      %dma_wait3A_81 = tpu.memref_slice %arg16[%add3A_26, %dma_wait3A_80] : memref<10000x34xf32, #tpu.memory_space<vmem_shared>> -> memref<112x34xf32, #tpu.memory_space<vmem_shared>>
      %dma_wait3A_82 = arith.constant 0 : i32
      %dma_wait3A_83 = arith.constant 0 : i32
      %dma_wait3A_84 = tpu.memref_slice %arg10[%dma_wait3A_82, %dma_wait3A_83] : memref<128x34xf32, #tpu.memory_space<vmem>> -> memref<112x34xf32, #tpu.memory_space<vmem>>
      tpu.wait_dma2 semaphore(%run_scoped3A : memref<!tpu.dma_semaphore, #tpu.memory_space<semaphore_mem>>) src(%dma_wait3A_84 : memref<112x34xf32, #tpu.memory_space<vmem>>) dst(%dma_wait3A_81 : memref<112x34xf32, #tpu.memory_space<vmem_shared>>)
      tpu.yield
    }) : () -> ()
    %eq3A = arith.constant 15 : i32
    %eq3A_27 = arith.cmpi eq, %arg1, %eq3A : i32
    %convert_element_type3A = arith.extui %eq3A_27 : i1 to i32
    %cond3A = arith.constant 0 : i32
    %cond3A_28 = arith.cmpi ne, %convert_element_type3A, %cond3A : i32
    scf.if %cond3A_28 {
      "tpu.region"() ({
        %run_scoped3A = tpu.sem_alloc : memref<!tpu.dma_semaphore, #tpu.memory_space<semaphore_mem>>
        %dma_start3A = arith.constant 0 : i32
        %dma_start3A_66 = arith.constant 0 : i32
        %dma_start3A_67 = tpu.memref_slice %arg10[%dma_start3A, %dma_start3A_66] : memref<128x34xf32, #tpu.memory_space<vmem>> -> memref<16x34xf32, #tpu.memory_space<vmem>>
        %dma_start3A_68 = arith.constant 9984 : i32
        %dma_start3A_69 = arith.constant 0 : i32
        %dma_start3A_70 = tpu.memref_slice %arg16[%dma_start3A_68, %dma_start3A_69] : memref<10000x34xf32, #tpu.memory_space<vmem_shared>> -> memref<16x34xf32, #tpu.memory_space<vmem_shared>>
        %dma_start3A_71 = arith.constant 9984 : i32
        %dma_start3A_72 = arith.constant 0 : i32
        %dma_start3A_73 = tpu.memref_slice %arg16[%dma_start3A_71, %dma_start3A_72] : memref<10000x34xf32, #tpu.memory_space<vmem_shared>> -> memref<16x34xf32, #tpu.memory_space<vmem_shared>>
        %dma_start3A_74 = arith.constant 0 : i32
        %dma_start3A_75 = arith.constant 0 : i32
        %dma_start3A_76 = tpu.memref_slice %arg10[%dma_start3A_74, %dma_start3A_75] : memref<128x34xf32, #tpu.memory_space<vmem>> -> memref<16x34xf32, #tpu.memory_space<vmem>>
        tpu.enqueue_dma source(%dma_start3A_76 : memref<16x34xf32, #tpu.memory_space<vmem>>) target(%dma_start3A_73 : memref<16x34xf32, #tpu.memory_space<vmem_shared>>) target_semaphore(%run_scoped3A : memref<!tpu.dma_semaphore, #tpu.memory_space<semaphore_mem>>)
        %dma_wait3A_77 = arith.constant 0 : i32
        %dma_wait3A_78 = arith.constant 0 : i32
        %dma_wait3A_79 = tpu.memref_slice %arg10[%dma_wait3A_77, %dma_wait3A_78] : memref<128x34xf32, #tpu.memory_space<vmem>> -> memref<16x34xf32, #tpu.memory_space<vmem>>
        %dma_wait3A_80 = arith.constant 9984 : i32
        %dma_wait3A_81 = arith.constant 0 : i32
        %dma_wait3A_82 = tpu.memref_slice %arg16[%dma_wait3A_80, %dma_wait3A_81] : memref<10000x34xf32, #tpu.memory_space<vmem_shared>> -> memref<16x34xf32, #tpu.memory_space<vmem_shared>>
        %dma_wait3A_83 = arith.constant 9984 : i32
        %dma_wait3A_84 = arith.constant 0 : i32
        %dma_wait3A_85 = tpu.memref_slice %arg16[%dma_wait3A_83, %dma_wait3A_84] : memref<10000x34xf32, #tpu.memory_space<vmem_shared>> -> memref<16x34xf32, #tpu.memory_space<vmem_shared>>
        %dma_wait3A_86 = arith.constant 0 : i32
        %dma_wait3A_87 = arith.constant 0 : i32
        %dma_wait3A_88 = tpu.memref_slice %arg10[%dma_wait3A_86, %dma_wait3A_87] : memref<128x34xf32, #tpu.memory_space<vmem>> -> memref<16x34xf32, #tpu.memory_space<vmem>>
        tpu.wait_dma2 semaphore(%run_scoped3A : memref<!tpu.dma_semaphore, #tpu.memory_space<semaphore_mem>>) src(%dma_wait3A_88 : memref<16x34xf32, #tpu.memory_space<vmem>>) dst(%dma_wait3A_85 : memref<16x34xf32, #tpu.memory_space<vmem_shared>>)
        tpu.yield
      }) : () -> ()
    } else {
    }
    %barrier3A = arith.constant 0 : index
    tpu.barrier barrier_id(%barrier3A)
    %broadcast_in_dim3A_29 = arith.constant 0 : i32
    %broadcast_in_dim3A_30 = vector.broadcast %broadcast_in_dim3A_29 : i32 to vector<16xi32>
    %broadcast_in_dim3A_31 = arith.constant 1 : i32
    %broadcast_in_dim3A_32 = vector.broadcast %broadcast_in_dim3A_31 : i32 to vector<16xi32>
    %broadcast_in_dim3A_33 = arith.constant 2 : i32
    %broadcast_in_dim3A_34 = vector.broadcast %broadcast_in_dim3A_33 : i32 to vector<16xi32>
    %broadcast_in_dim3A_35 = arith.constant 3 : i32
    %broadcast_in_dim3A_36 = vector.broadcast %broadcast_in_dim3A_35 : i32 to vector<16xi32>
    %broadcast_in_dim3A_37 = arith.constant 32 : i32
    %broadcast_in_dim3A_38 = vector.broadcast %broadcast_in_dim3A_37 : i32 to vector<16xi32>
    %broadcast_in_dim3A_39 = arith.constant 33 : i32
    %broadcast_in_dim3A_40 = vector.broadcast %broadcast_in_dim3A_39 : i32 to vector<16xi32>
    %scan3A_41 = arith.constant 0 : i32
    %scan3A_42 = arith.constant 0 : i32
    %scan3A_43 = arith.constant 39 : i32
    %scan3A_44 = arith.addi %scan3A_42, %scan3A_43 : i32
    %scan3A_45 = arith.constant 1 : i32
    scf.for %scan3A_66 = %scan3A_42 to %scan3A_44 step %scan3A_45  : i32 {
      %gt3A = arith.constant 0 : i32
      %gt3A_67 = arith.cmpi sgt, %scan3A_66, %gt3A : i32
      %convert_element_type3A_68 = arith.extui %gt3A_67 : i1 to i32
      %cond3A_69 = arith.constant 0 : i32
      %cond3A_70 = arith.cmpi ne, %convert_element_type3A_68, %cond3A_69 : i32
      scf.if %cond3A_70 {
        %dma_wait3A_121 = arith.constant 0 : i32
        %dma_wait3A_122 = arith.constant 0 : i32
        %dma_wait3A_123 = tpu.memref_slice %arg16[%dma_wait3A_121, %dma_wait3A_122] : memref<10000x34xf32, #tpu.memory_space<vmem_shared>> -> memref<10000x34xf32, #tpu.memory_space<vmem_shared>>
        tpu.wait_indirect_dma semaphore(%arg18 : memref<!tpu.dma_semaphore, #tpu.memory_space<semaphore_mem>>) src(%arg10 : memref<128x34xf32, #tpu.memory_space<vmem>>) dst(%dma_wait3A_123 : memref<10000x34xf32, #tpu.memory_space<vmem_shared>>)
      } else {
      }
      %mul3A_71 = arith.constant 9984 : i32
      %mul3A_72 = arith.muli %add3A, %mul3A_71 : i32
      %mul3A_73 = arith.constant 2 : i32
      %mul3A_74 = arith.muli %mul3A_73, %scan3A_66 : i32
      %mul3A_75 = arith.constant 128 : i32
      %mul3A_76 = arith.muli %mul3A_74, %mul3A_75 : i32
      %add3A_77 = arith.addi %mul3A_72, %mul3A_76 : i32
      "tpu.region"() ({
        %run_scoped3A = tpu.sem_alloc : memref<!tpu.dma_semaphore, #tpu.memory_space<semaphore_mem>>
        %dma_start3A_121 = tpu.memref_slice %arg2[%add3A_77] : memref<320000xi32, #tpu.memory_space<hbm>> -> memref<128xi32, #tpu.memory_space<hbm>>
        %dma_start3A_122 = tpu.memref_slice %arg2[%add3A_77] : memref<320000xi32, #tpu.memory_space<hbm>> -> memref<128xi32, #tpu.memory_space<hbm>>
        tpu.enqueue_dma source(%dma_start3A_122 : memref<128xi32, #tpu.memory_space<hbm>>) target(%arg7 : memref<128xi32, #tpu.memory_space<vmem>>) target_semaphore(%run_scoped3A : memref<!tpu.dma_semaphore, #tpu.memory_space<semaphore_mem>>)
        %dma_wait3A_123 = tpu.memref_slice %arg2[%add3A_77] : memref<320000xi32, #tpu.memory_space<hbm>> -> memref<128xi32, #tpu.memory_space<hbm>>
        %dma_wait3A_124 = tpu.memref_slice %arg2[%add3A_77] : memref<320000xi32, #tpu.memory_space<hbm>> -> memref<128xi32, #tpu.memory_space<hbm>>
        tpu.wait_dma2 semaphore(%run_scoped3A : memref<!tpu.dma_semaphore, #tpu.memory_space<semaphore_mem>>) src(%dma_wait3A_124 : memref<128xi32, #tpu.memory_space<hbm>>) dst(%arg7 : memref<128xi32, #tpu.memory_space<vmem>>)
        tpu.yield
      }) : () -> ()
      "tpu.region"() ({
        %run_scoped3A = tpu.sem_alloc : memref<!tpu.dma_semaphore, #tpu.memory_space<semaphore_mem>>
        %dma_start3A_121 = tpu.memref_slice %arg3[%add3A_77] : memref<320000xi32, #tpu.memory_space<hbm>> -> memref<128xi32, #tpu.memory_space<hbm>>
        %dma_start3A_122 = tpu.memref_slice %arg3[%add3A_77] : memref<320000xi32, #tpu.memory_space<hbm>> -> memref<128xi32, #tpu.memory_space<hbm>>
        tpu.enqueue_dma source(%dma_start3A_122 : memref<128xi32, #tpu.memory_space<hbm>>) target(%arg8 : memref<128xi32, #tpu.memory_space<vmem>>) target_semaphore(%run_scoped3A : memref<!tpu.dma_semaphore, #tpu.memory_space<semaphore_mem>>)
        %dma_wait3A_123 = tpu.memref_slice %arg3[%add3A_77] : memref<320000xi32, #tpu.memory_space<hbm>> -> memref<128xi32, #tpu.memory_space<hbm>>
        %dma_wait3A_124 = tpu.memref_slice %arg3[%add3A_77] : memref<320000xi32, #tpu.memory_space<hbm>> -> memref<128xi32, #tpu.memory_space<hbm>>
        tpu.wait_dma2 semaphore(%run_scoped3A : memref<!tpu.dma_semaphore, #tpu.memory_space<semaphore_mem>>) src(%dma_wait3A_124 : memref<128xi32, #tpu.memory_space<hbm>>) dst(%arg8 : memref<128xi32, #tpu.memory_space<vmem>>)
        tpu.yield
      }) : () -> ()
      %dma_start3A = arith.constant 0 : i32
      %dma_start3A_78 = arith.constant 0 : i32
      %dma_start3A_79 = tpu.memref_slice %arg4[%dma_start3A, %dma_start3A_78] : memref<10000x32xf32, #tpu.memory_space<hbm>> -> memref<10000x32xf32, #tpu.memory_space<hbm>>
      tpu.enqueue_indirect_dma source(%dma_start3A_79 : memref<10000x32xf32, #tpu.memory_space<hbm>>) target(%arg9 : memref<128x32xf32, #tpu.memory_space<vmem>>) offsets(%arg7 : memref<128xi32, #tpu.memory_space<vmem>>) semaphore(%arg17 : memref<!tpu.dma_semaphore, #tpu.memory_space<semaphore_mem>>)
      %dma_wait3A_80 = arith.constant 0 : i32
      %dma_wait3A_81 = arith.constant 0 : i32
      %dma_wait3A_82 = tpu.memref_slice %arg4[%dma_wait3A_80, %dma_wait3A_81] : memref<10000x32xf32, #tpu.memory_space<hbm>> -> memref<10000x32xf32, #tpu.memory_space<hbm>>
      tpu.wait_indirect_dma semaphore(%arg17 : memref<!tpu.dma_semaphore, #tpu.memory_space<semaphore_mem>>) src(%dma_wait3A_82 : memref<10000x32xf32, #tpu.memory_space<hbm>>) dst(%arg9 : memref<128x32xf32, #tpu.memory_space<vmem>>)
      %scan3A_83 = arith.constant 0 : i32
      %scan3A_84 = arith.constant 0 : i32
      %scan3A_85 = arith.constant 8 : i32
      %scan3A_86 = arith.addi %scan3A_84, %scan3A_85 : i32
      %scan3A_87 = arith.constant 1 : i32
      scf.for %scan3A_121 = %scan3A_84 to %scan3A_86 step %scan3A_87  : i32 {
        %mul3A_122 = arith.constant 16 : i32
        %mul3A_123 = arith.muli %scan3A_121, %mul3A_122 : i32
        %get3A = arith.index_cast %mul3A_123 : i32 to index
        %get3A_124 = tpu.vector_load %arg7[%get3A] {strides = array<i32>} : memref<128xi32, #tpu.memory_space<vmem>>, vector<16xi32>,
        %get3A_125 = arith.index_cast %mul3A_123 : i32 to index
        %get3A_126 = tpu.vector_load %arg8[%get3A_125] {strides = array<i32>} : memref<128xi32, #tpu.memory_space<vmem>>, vector<16xi32>,
        %gather3A = tpu.vector_load_idx %arg15[%get3A_124, %broadcast_in_dim3A_30] : memref<10000x4xf32, #tpu.memory_space<vmem>>[vector<16xi32>, vector<16xi32>], vector<16xf32>,
        %gather3A_127 = tpu.vector_load_idx %arg15[%get3A_124, %broadcast_in_dim3A_32] : memref<10000x4xf32, #tpu.memory_space<vmem>>[vector<16xi32>, vector<16xi32>], vector<16xf32>,
        %gather3A_128 = tpu.vector_load_idx %arg15[%get3A_126, %broadcast_in_dim3A_34] : memref<10000x4xf32, #tpu.memory_space<vmem>>[vector<16xi32>, vector<16xi32>], vector<16xf32>,
        %gather3A_129 = tpu.vector_load_idx %arg15[%get3A_126, %broadcast_in_dim3A_36] : memref<10000x4xf32, #tpu.memory_space<vmem>>[vector<16xi32>, vector<16xi32>], vector<16xf32>,
        %add3A_130 = arith.addf %gather3A, %gather3A_128 : vector<16xf32>
        %gt3A_131 = arith.constant 0.000000e+00 : f32
        %gt3A_132 = vector.broadcast %gt3A_131 : f32 to vector<16xf32>
        %gt3A_133 = arith.cmpf ogt, %add3A_130, %gt3A_132 : vector<16xf32>
        %mul3A_134 = arith.constant 2.000000e-01 : f32
        %mul3A_135 = vector.broadcast %mul3A_134 : f32 to vector<16xf32>
        %mul3A_136 = arith.mulf %add3A_130, %mul3A_135 : vector<16xf32>
        %select_n3A = arith.select %gt3A_133, %add3A_130, %mul3A_136 : vector<16xi1>, vector<16xf32>
        %exp3A = math.exp %select_n3A : vector<16xf32>
        %add3A_137 = arith.addf %gather3A_127, %gather3A_129 : vector<16xf32>
        %gt3A_138 = arith.constant 0.000000e+00 : f32
        %gt3A_139 = vector.broadcast %gt3A_138 : f32 to vector<16xf32>
        %gt3A_140 = arith.cmpf ogt, %add3A_137, %gt3A_139 : vector<16xf32>
        %mul3A_141 = arith.constant 2.000000e-01 : f32
        %mul3A_142 = vector.broadcast %mul3A_141 : f32 to vector<16xf32>
        %mul3A_143 = arith.mulf %add3A_137, %mul3A_142 : vector<16xf32>
        %select_n3A_144 = arith.select %gt3A_140, %add3A_137, %mul3A_143 : vector<16xi1>, vector<16xf32>
        %exp3A_145 = math.exp %select_n3A_144 : vector<16xf32>
        %add3A_146 = vector.broadcast %mul3A_123 : i32 to vector<16xi32>
        %add3A_147 = arith.addi %add3A_146, %iota3A : vector<16xi32>
        tpu.vector_store_idx %arg10[%add3A_147, %broadcast_in_dim3A_38], %exp3A : memref<128x34xf32, #tpu.memory_space<vmem>>[vector<16xi32>, vector<16xi32>], vector<16xf32>,
        tpu.vector_store_idx %arg10[%add3A_147, %broadcast_in_dim3A_40], %exp3A_145 : memref<128x34xf32, #tpu.memory_space<vmem>>[vector<16xi32>, vector<16xi32>], vector<16xf32>,
        %broadcast_in_dim3A_148 = arith.constant 0 : i32
        %broadcast_in_dim3A_149 = vector.broadcast %broadcast_in_dim3A_148 : i32 to vector<16xi32>
        %broadcast_in_dim3A_150 = arith.constant 16 : i32
        %broadcast_in_dim3A_151 = vector.broadcast %broadcast_in_dim3A_150 : i32 to vector<16xi32>
        %gather3A_152 = tpu.vector_load_idx %arg9[%add3A_147, %broadcast_in_dim3A_149] : memref<128x32xf32, #tpu.memory_space<vmem>>[vector<16xi32>, vector<16xi32>], vector<16xf32>,
        %gather3A_153 = tpu.vector_load_idx %arg9[%add3A_147, %broadcast_in_dim3A_151] : memref<128x32xf32, #tpu.memory_space<vmem>>[vector<16xi32>, vector<16xi32>], vector<16xf32>,
        %mul3A_154 = arith.mulf %exp3A, %gather3A_152 : vector<16xf32>
        tpu.vector_store_idx %arg10[%add3A_147, %broadcast_in_dim3A_149], %mul3A_154 : memref<128x34xf32, #tpu.memory_space<vmem>>[vector<16xi32>, vector<16xi32>], vector<16xf32>,
        %mul3A_155 = arith.mulf %exp3A_145, %gather3A_153 : vector<16xf32>
        tpu.vector_store_idx %arg10[%add3A_147, %broadcast_in_dim3A_151], %mul3A_155 : memref<128x34xf32, #tpu.memory_space<vmem>>[vector<16xi32>, vector<16xi32>], vector<16xf32>,
        %broadcast_in_dim3A_156 = arith.constant 1 : i32
        %broadcast_in_dim3A_157 = vector.broadcast %broadcast_in_dim3A_156 : i32 to vector<16xi32>
        %broadcast_in_dim3A_158 = arith.constant 17 : i32
        %broadcast_in_dim3A_159 = vector.broadcast %broadcast_in_dim3A_158 : i32 to vector<16xi32>
        %gather3A_160 = tpu.vector_load_idx %arg9[%add3A_147, %broadcast_in_dim3A_157] : memref<128x32xf32, #tpu.memory_space<vmem>>[vector<16xi32>, vector<16xi32>], vector<16xf32>,
        %gather3A_161 = tpu.vector_load_idx %arg9[%add3A_147, %broadcast_in_dim3A_159] : memref<128x32xf32, #tpu.memory_space<vmem>>[vector<16xi32>, vector<16xi32>], vector<16xf32>,
        %mul3A_162 = arith.mulf %exp3A, %gather3A_160 : vector<16xf32>
        tpu.vector_store_idx %arg10[%add3A_147, %broadcast_in_dim3A_157], %mul3A_162 : memref<128x34xf32, #tpu.memory_space<vmem>>[vector<16xi32>, vector<16xi32>], vector<16xf32>,
        %mul3A_163 = arith.mulf %exp3A_145, %gather3A_161 : vector<16xf32>
        tpu.vector_store_idx %arg10[%add3A_147, %broadcast_in_dim3A_159], %mul3A_163 : memref<128x34xf32, #tpu.memory_space<vmem>>[vector<16xi32>, vector<16xi32>], vector<16xf32>,
        %broadcast_in_dim3A_164 = arith.constant 2 : i32
        %broadcast_in_dim3A_165 = vector.broadcast %broadcast_in_dim3A_164 : i32 to vector<16xi32>
        %broadcast_in_dim3A_166 = arith.constant 18 : i32
        %broadcast_in_dim3A_167 = vector.broadcast %broadcast_in_dim3A_166 : i32 to vector<16xi32>
        %gather3A_168 = tpu.vector_load_idx %arg9[%add3A_147, %broadcast_in_dim3A_165] : memref<128x32xf32, #tpu.memory_space<vmem>>[vector<16xi32>, vector<16xi32>], vector<16xf32>,
        %gather3A_169 = tpu.vector_load_idx %arg9[%add3A_147, %broadcast_in_dim3A_167] : memref<128x32xf32, #tpu.memory_space<vmem>>[vector<16xi32>, vector<16xi32>], vector<16xf32>,
        %mul3A_170 = arith.mulf %exp3A, %gather3A_168 : vector<16xf32>
        tpu.vector_store_idx %arg10[%add3A_147, %broadcast_in_dim3A_165], %mul3A_170 : memref<128x34xf32, #tpu.memory_space<vmem>>[vector<16xi32>, vector<16xi32>], vector<16xf32>,
        %mul3A_171 = arith.mulf %exp3A_145, %gather3A_169 : vector<16xf32>
        tpu.vector_store_idx %arg10[%add3A_147, %broadcast_in_dim3A_167], %mul3A_171 : memref<128x34xf32, #tpu.memory_space<vmem>>[vector<16xi32>, vector<16xi32>], vector<16xf32>,
        %broadcast_in_dim3A_172 = arith.constant 3 : i32
        %broadcast_in_dim3A_173 = vector.broadcast %broadcast_in_dim3A_172 : i32 to vector<16xi32>
        %broadcast_in_dim3A_174 = arith.constant 19 : i32
        %broadcast_in_dim3A_175 = vector.broadcast %broadcast_in_dim3A_174 : i32 to vector<16xi32>
        %gather3A_176 = tpu.vector_load_idx %arg9[%add3A_147, %broadcast_in_dim3A_173] : memref<128x32xf32, #tpu.memory_space<vmem>>[vector<16xi32>, vector<16xi32>], vector<16xf32>,
        %gather3A_177 = tpu.vector_load_idx %arg9[%add3A_147, %broadcast_in_dim3A_175] : memref<128x32xf32, #tpu.memory_space<vmem>>[vector<16xi32>, vector<16xi32>], vector<16xf32>,
        %mul3A_178 = arith.mulf %exp3A, %gather3A_176 : vector<16xf32>
        tpu.vector_store_idx %arg10[%add3A_147, %broadcast_in_dim3A_173], %mul3A_178 : memref<128x34xf32, #tpu.memory_space<vmem>>[vector<16xi32>, vector<16xi32>], vector<16xf32>,
        %mul3A_179 = arith.mulf %exp3A_145, %gather3A_177 : vector<16xf32>
        tpu.vector_store_idx %arg10[%add3A_147, %broadcast_in_dim3A_175], %mul3A_179 : memref<128x34xf32, #tpu.memory_space<vmem>>[vector<16xi32>, vector<16xi32>], vector<16xf32>,
        %broadcast_in_dim3A_180 = arith.constant 4 : i32
        %broadcast_in_dim3A_181 = vector.broadcast %broadcast_in_dim3A_180 : i32 to vector<16xi32>
        %broadcast_in_dim3A_182 = arith.constant 20 : i32
        %broadcast_in_dim3A_183 = vector.broadcast %broadcast_in_dim3A_182 : i32 to vector<16xi32>
        %gather3A_184 = tpu.vector_load_idx %arg9[%add3A_147, %broadcast_in_dim3A_181] : memref<128x32xf32, #tpu.memory_space<vmem>>[vector<16xi32>, vector<16xi32>], vector<16xf32>,
        %gather3A_185 = tpu.vector_load_idx %arg9[%add3A_147, %broadcast_in_dim3A_183] : memref<128x32xf32, #tpu.memory_space<vmem>>[vector<16xi32>, vector<16xi32>], vector<16xf32>,
        %mul3A_186 = arith.mulf %exp3A, %gather3A_184 : vector<16xf32>
        tpu.vector_store_idx %arg10[%add3A_147, %broadcast_in_dim3A_181], %mul3A_186 : memref<128x34xf32, #tpu.memory_space<vmem>>[vector<16xi32>, vector<16xi32>], vector<16xf32>,
        %mul3A_187 = arith.mulf %exp3A_145, %gather3A_185 : vector<16xf32>
        tpu.vector_store_idx %arg10[%add3A_147, %broadcast_in_dim3A_183], %mul3A_187 : memref<128x34xf32, #tpu.memory_space<vmem>>[vector<16xi32>, vector<16xi32>], vector<16xf32>,
        %broadcast_in_dim3A_188 = arith.constant 5 : i32
        %broadcast_in_dim3A_189 = vector.broadcast %broadcast_in_dim3A_188 : i32 to vector<16xi32>
        %broadcast_in_dim3A_190 = arith.constant 21 : i32
        %broadcast_in_dim3A_191 = vector.broadcast %broadcast_in_dim3A_190 : i32 to vector<16xi32>
        %gather3A_192 = tpu.vector_load_idx %arg9[%add3A_147, %broadcast_in_dim3A_189] : memref<128x32xf32, #tpu.memory_space<vmem>>[vector<16xi32>, vector<16xi32>], vector<16xf32>,
        %gather3A_193 = tpu.vector_load_idx %arg9[%add3A_147, %broadcast_in_dim3A_191] : memref<128x32xf32, #tpu.memory_space<vmem>>[vector<16xi32>, vector<16xi32>], vector<16xf32>,
        %mul3A_194 = arith.mulf %exp3A, %gather3A_192 : vector<16xf32>
        tpu.vector_store_idx %arg10[%add3A_147, %broadcast_in_dim3A_189], %mul3A_194 : memref<128x34xf32, #tpu.memory_space<vmem>>[vector<16xi32>, vector<16xi32>], vector<16xf32>,
        %mul3A_195 = arith.mulf %exp3A_145, %gather3A_193 : vector<16xf32>
        tpu.vector_store_idx %arg10[%add3A_147, %broadcast_in_dim3A_191], %mul3A_195 : memref<128x34xf32, #tpu.memory_space<vmem>>[vector<16xi32>, vector<16xi32>], vector<16xf32>,
        %broadcast_in_dim3A_196 = arith.constant 6 : i32
        %broadcast_in_dim3A_197 = vector.broadcast %broadcast_in_dim3A_196 : i32 to vector<16xi32>
        %broadcast_in_dim3A_198 = arith.constant 22 : i32
        %broadcast_in_dim3A_199 = vector.broadcast %broadcast_in_dim3A_198 : i32 to vector<16xi32>
        %gather3A_200 = tpu.vector_load_idx %arg9[%add3A_147, %broadcast_in_dim3A_197] : memref<128x32xf32, #tpu.memory_space<vmem>>[vector<16xi32>, vector<16xi32>], vector<16xf32>,
        %gather3A_201 = tpu.vector_load_idx %arg9[%add3A_147, %broadcast_in_dim3A_199] : memref<128x32xf32, #tpu.memory_space<vmem>>[vector<16xi32>, vector<16xi32>], vector<16xf32>,
        %mul3A_202 = arith.mulf %exp3A, %gather3A_200 : vector<16xf32>
        tpu.vector_store_idx %arg10[%add3A_147, %broadcast_in_dim3A_197], %mul3A_202 : memref<128x34xf32, #tpu.memory_space<vmem>>[vector<16xi32>, vector<16xi32>], vector<16xf32>,
        %mul3A_203 = arith.mulf %exp3A_145, %gather3A_201 : vector<16xf32>
        tpu.vector_store_idx %arg10[%add3A_147, %broadcast_in_dim3A_199], %mul3A_203 : memref<128x34xf32, #tpu.memory_space<vmem>>[vector<16xi32>, vector<16xi32>], vector<16xf32>,
        %broadcast_in_dim3A_204 = arith.constant 7 : i32
        %broadcast_in_dim3A_205 = vector.broadcast %broadcast_in_dim3A_204 : i32 to vector<16xi32>
        %broadcast_in_dim3A_206 = arith.constant 23 : i32
        %broadcast_in_dim3A_207 = vector.broadcast %broadcast_in_dim3A_206 : i32 to vector<16xi32>
        %gather3A_208 = tpu.vector_load_idx %arg9[%add3A_147, %broadcast_in_dim3A_205] : memref<128x32xf32, #tpu.memory_space<vmem>>[vector<16xi32>, vector<16xi32>], vector<16xf32>,
        %gather3A_209 = tpu.vector_load_idx %arg9[%add3A_147, %broadcast_in_dim3A_207] : memref<128x32xf32, #tpu.memory_space<vmem>>[vector<16xi32>, vector<16xi32>], vector<16xf32>,
        %mul3A_210 = arith.mulf %exp3A, %gather3A_208 : vector<16xf32>
        tpu.vector_store_idx %arg10[%add3A_147, %broadcast_in_dim3A_205], %mul3A_210 : memref<128x34xf32, #tpu.memory_space<vmem>>[vector<16xi32>, vector<16xi32>], vector<16xf32>,
        %mul3A_211 = arith.mulf %exp3A_145, %gather3A_209 : vector<16xf32>
        tpu.vector_store_idx %arg10[%add3A_147, %broadcast_in_dim3A_207], %mul3A_211 : memref<128x34xf32, #tpu.memory_space<vmem>>[vector<16xi32>, vector<16xi32>], vector<16xf32>,
        %broadcast_in_dim3A_212 = arith.constant 8 : i32
        %broadcast_in_dim3A_213 = vector.broadcast %broadcast_in_dim3A_212 : i32 to vector<16xi32>
        %broadcast_in_dim3A_214 = arith.constant 24 : i32
        %broadcast_in_dim3A_215 = vector.broadcast %broadcast_in_dim3A_214 : i32 to vector<16xi32>
        %gather3A_216 = tpu.vector_load_idx %arg9[%add3A_147, %broadcast_in_dim3A_213] : memref<128x32xf32, #tpu.memory_space<vmem>>[vector<16xi32>, vector<16xi32>], vector<16xf32>,
        %gather3A_217 = tpu.vector_load_idx %arg9[%add3A_147, %broadcast_in_dim3A_215] : memref<128x32xf32, #tpu.memory_space<vmem>>[vector<16xi32>, vector<16xi32>], vector<16xf32>,
        %mul3A_218 = arith.mulf %exp3A, %gather3A_216 : vector<16xf32>
        tpu.vector_store_idx %arg10[%add3A_147, %broadcast_in_dim3A_213], %mul3A_218 : memref<128x34xf32, #tpu.memory_space<vmem>>[vector<16xi32>, vector<16xi32>], vector<16xf32>,
        %mul3A_219 = arith.mulf %exp3A_145, %gather3A_217 : vector<16xf32>
        tpu.vector_store_idx %arg10[%add3A_147, %broadcast_in_dim3A_215], %mul3A_219 : memref<128x34xf32, #tpu.memory_space<vmem>>[vector<16xi32>, vector<16xi32>], vector<16xf32>,
        %broadcast_in_dim3A_220 = arith.constant 9 : i32
        %broadcast_in_dim3A_221 = vector.broadcast %broadcast_in_dim3A_220 : i32 to vector<16xi32>
        %broadcast_in_dim3A_222 = arith.constant 25 : i32
        %broadcast_in_dim3A_223 = vector.broadcast %broadcast_in_dim3A_222 : i32 to vector<16xi32>
        %gather3A_224 = tpu.vector_load_idx %arg9[%add3A_147, %broadcast_in_dim3A_221] : memref<128x32xf32, #tpu.memory_space<vmem>>[vector<16xi32>, vector<16xi32>], vector<16xf32>,
        %gather3A_225 = tpu.vector_load_idx %arg9[%add3A_147, %broadcast_in_dim3A_223] : memref<128x32xf32, #tpu.memory_space<vmem>>[vector<16xi32>, vector<16xi32>], vector<16xf32>,
        %mul3A_226 = arith.mulf %exp3A, %gather3A_224 : vector<16xf32>
        tpu.vector_store_idx %arg10[%add3A_147, %broadcast_in_dim3A_221], %mul3A_226 : memref<128x34xf32, #tpu.memory_space<vmem>>[vector<16xi32>, vector<16xi32>], vector<16xf32>,
        %mul3A_227 = arith.mulf %exp3A_145, %gather3A_225 : vector<16xf32>
        tpu.vector_store_idx %arg10[%add3A_147, %broadcast_in_dim3A_223], %mul3A_227 : memref<128x34xf32, #tpu.memory_space<vmem>>[vector<16xi32>, vector<16xi32>], vector<16xf32>,
        %broadcast_in_dim3A_228 = arith.constant 10 : i32
        %broadcast_in_dim3A_229 = vector.broadcast %broadcast_in_dim3A_228 : i32 to vector<16xi32>
        %broadcast_in_dim3A_230 = arith.constant 26 : i32
        %broadcast_in_dim3A_231 = vector.broadcast %broadcast_in_dim3A_230 : i32 to vector<16xi32>
        %gather3A_232 = tpu.vector_load_idx %arg9[%add3A_147, %broadcast_in_dim3A_229] : memref<128x32xf32, #tpu.memory_space<vmem>>[vector<16xi32>, vector<16xi32>], vector<16xf32>,
        %gather3A_233 = tpu.vector_load_idx %arg9[%add3A_147, %broadcast_in_dim3A_231] : memref<128x32xf32, #tpu.memory_space<vmem>>[vector<16xi32>, vector<16xi32>], vector<16xf32>,
        %mul3A_234 = arith.mulf %exp3A, %gather3A_232 : vector<16xf32>
        tpu.vector_store_idx %arg10[%add3A_147, %broadcast_in_dim3A_229], %mul3A_234 : memref<128x34xf32, #tpu.memory_space<vmem>>[vector<16xi32>, vector<16xi32>], vector<16xf32>,
        %mul3A_235 = arith.mulf %exp3A_145, %gather3A_233 : vector<16xf32>
        tpu.vector_store_idx %arg10[%add3A_147, %broadcast_in_dim3A_231], %mul3A_235 : memref<128x34xf32, #tpu.memory_space<vmem>>[vector<16xi32>, vector<16xi32>], vector<16xf32>,
        %broadcast_in_dim3A_236 = arith.constant 11 : i32
        %broadcast_in_dim3A_237 = vector.broadcast %broadcast_in_dim3A_236 : i32 to vector<16xi32>
        %broadcast_in_dim3A_238 = arith.constant 27 : i32
        %broadcast_in_dim3A_239 = vector.broadcast %broadcast_in_dim3A_238 : i32 to vector<16xi32>
        %gather3A_240 = tpu.vector_load_idx %arg9[%add3A_147, %broadcast_in_dim3A_237] : memref<128x32xf32, #tpu.memory_space<vmem>>[vector<16xi32>, vector<16xi32>], vector<16xf32>,
        %gather3A_241 = tpu.vector_load_idx %arg9[%add3A_147, %broadcast_in_dim3A_239] : memref<128x32xf32, #tpu.memory_space<vmem>>[vector<16xi32>, vector<16xi32>], vector<16xf32>,
        %mul3A_242 = arith.mulf %exp3A, %gather3A_240 : vector<16xf32>
        tpu.vector_store_idx %arg10[%add3A_147, %broadcast_in_dim3A_237], %mul3A_242 : memref<128x34xf32, #tpu.memory_space<vmem>>[vector<16xi32>, vector<16xi32>], vector<16xf32>,
        %mul3A_243 = arith.mulf %exp3A_145, %gather3A_241 : vector<16xf32>
        tpu.vector_store_idx %arg10[%add3A_147, %broadcast_in_dim3A_239], %mul3A_243 : memref<128x34xf32, #tpu.memory_space<vmem>>[vector<16xi32>, vector<16xi32>], vector<16xf32>,
        %broadcast_in_dim3A_244 = arith.constant 12 : i32
        %broadcast_in_dim3A_245 = vector.broadcast %broadcast_in_dim3A_244 : i32 to vector<16xi32>
        %broadcast_in_dim3A_246 = arith.constant 28 : i32
        %broadcast_in_dim3A_247 = vector.broadcast %broadcast_in_dim3A_246 : i32 to vector<16xi32>
        %gather3A_248 = tpu.vector_load_idx %arg9[%add3A_147, %broadcast_in_dim3A_245] : memref<128x32xf32, #tpu.memory_space<vmem>>[vector<16xi32>, vector<16xi32>], vector<16xf32>,
        %gather3A_249 = tpu.vector_load_idx %arg9[%add3A_147, %broadcast_in_dim3A_247] : memref<128x32xf32, #tpu.memory_space<vmem>>[vector<16xi32>, vector<16xi32>], vector<16xf32>,
        %mul3A_250 = arith.mulf %exp3A, %gather3A_248 : vector<16xf32>
        tpu.vector_store_idx %arg10[%add3A_147, %broadcast_in_dim3A_245], %mul3A_250 : memref<128x34xf32, #tpu.memory_space<vmem>>[vector<16xi32>, vector<16xi32>], vector<16xf32>,
        %mul3A_251 = arith.mulf %exp3A_145, %gather3A_249 : vector<16xf32>
        tpu.vector_store_idx %arg10[%add3A_147, %broadcast_in_dim3A_247], %mul3A_251 : memref<128x34xf32, #tpu.memory_space<vmem>>[vector<16xi32>, vector<16xi32>], vector<16xf32>,
        %broadcast_in_dim3A_252 = arith.constant 13 : i32
        %broadcast_in_dim3A_253 = vector.broadcast %broadcast_in_dim3A_252 : i32 to vector<16xi32>
        %broadcast_in_dim3A_254 = arith.constant 29 : i32
        %broadcast_in_dim3A_255 = vector.broadcast %broadcast_in_dim3A_254 : i32 to vector<16xi32>
        %gather3A_256 = tpu.vector_load_idx %arg9[%add3A_147, %broadcast_in_dim3A_253] : memref<128x32xf32, #tpu.memory_space<vmem>>[vector<16xi32>, vector<16xi32>], vector<16xf32>,
        %gather3A_257 = tpu.vector_load_idx %arg9[%add3A_147, %broadcast_in_dim3A_255] : memref<128x32xf32, #tpu.memory_space<vmem>>[vector<16xi32>, vector<16xi32>], vector<16xf32>,
        %mul3A_258 = arith.mulf %exp3A, %gather3A_256 : vector<16xf32>
        tpu.vector_store_idx %arg10[%add3A_147, %broadcast_in_dim3A_253], %mul3A_258 : memref<128x34xf32, #tpu.memory_space<vmem>>[vector<16xi32>, vector<16xi32>], vector<16xf32>,
        %mul3A_259 = arith.mulf %exp3A_145, %gather3A_257 : vector<16xf32>
        tpu.vector_store_idx %arg10[%add3A_147, %broadcast_in_dim3A_255], %mul3A_259 : memref<128x34xf32, #tpu.memory_space<vmem>>[vector<16xi32>, vector<16xi32>], vector<16xf32>,
        %broadcast_in_dim3A_260 = arith.constant 14 : i32
        %broadcast_in_dim3A_261 = vector.broadcast %broadcast_in_dim3A_260 : i32 to vector<16xi32>
        %broadcast_in_dim3A_262 = arith.constant 30 : i32
        %broadcast_in_dim3A_263 = vector.broadcast %broadcast_in_dim3A_262 : i32 to vector<16xi32>
        %gather3A_264 = tpu.vector_load_idx %arg9[%add3A_147, %broadcast_in_dim3A_261] : memref<128x32xf32, #tpu.memory_space<vmem>>[vector<16xi32>, vector<16xi32>], vector<16xf32>,
        %gather3A_265 = tpu.vector_load_idx %arg9[%add3A_147, %broadcast_in_dim3A_263] : memref<128x32xf32, #tpu.memory_space<vmem>>[vector<16xi32>, vector<16xi32>], vector<16xf32>,
        %mul3A_266 = arith.mulf %exp3A, %gather3A_264 : vector<16xf32>
        tpu.vector_store_idx %arg10[%add3A_147, %broadcast_in_dim3A_261], %mul3A_266 : memref<128x34xf32, #tpu.memory_space<vmem>>[vector<16xi32>, vector<16xi32>], vector<16xf32>,
        %mul3A_267 = arith.mulf %exp3A_145, %gather3A_265 : vector<16xf32>
        tpu.vector_store_idx %arg10[%add3A_147, %broadcast_in_dim3A_263], %mul3A_267 : memref<128x34xf32, #tpu.memory_space<vmem>>[vector<16xi32>, vector<16xi32>], vector<16xf32>,
        %broadcast_in_dim3A_268 = arith.constant 15 : i32
        %broadcast_in_dim3A_269 = vector.broadcast %broadcast_in_dim3A_268 : i32 to vector<16xi32>
        %broadcast_in_dim3A_270 = arith.constant 31 : i32
        %broadcast_in_dim3A_271 = vector.broadcast %broadcast_in_dim3A_270 : i32 to vector<16xi32>
        %gather3A_272 = tpu.vector_load_idx %arg9[%add3A_147, %broadcast_in_dim3A_269] : memref<128x32xf32, #tpu.memory_space<vmem>>[vector<16xi32>, vector<16xi32>], vector<16xf32>,
        %gather3A_273 = tpu.vector_load_idx %arg9[%add3A_147, %broadcast_in_dim3A_271] : memref<128x32xf32, #tpu.memory_space<vmem>>[vector<16xi32>, vector<16xi32>], vector<16xf32>,
        %mul3A_274 = arith.mulf %exp3A, %gather3A_272 : vector<16xf32>
        tpu.vector_store_idx %arg10[%add3A_147, %broadcast_in_dim3A_269], %mul3A_274 : memref<128x34xf32, #tpu.memory_space<vmem>>[vector<16xi32>, vector<16xi32>], vector<16xf32>,
        %mul3A_275 = arith.mulf %exp3A_145, %gather3A_273 : vector<16xf32>
        tpu.vector_store_idx %arg10[%add3A_147, %broadcast_in_dim3A_271], %mul3A_275 : memref<128x34xf32, #tpu.memory_space<vmem>>[vector<16xi32>, vector<16xi32>], vector<16xf32>,
      }
      %scan3A_88 = arith.constant 8 : i32
      %gt3A_89 = arith.constant 0 : i32
      %gt3A_90 = arith.cmpi sgt, %scan3A_66, %gt3A_89 : i32
      %convert_element_type3A_91 = arith.extui %gt3A_90 : i1 to i32
      %cond3A_92 = arith.constant 0 : i32
      %cond3A_93 = arith.cmpi ne, %convert_element_type3A_91, %cond3A_92 : i32
      scf.if %cond3A_93 {
        %dma_wait3A_121 = arith.constant 0 : i32
        %dma_wait3A_122 = arith.constant 0 : i32
        %dma_wait3A_123 = tpu.memref_slice %arg16[%dma_wait3A_121, %dma_wait3A_122] : memref<10000x34xf32, #tpu.memory_space<vmem_shared>> -> memref<10000x34xf32, #tpu.memory_space<vmem_shared>>
        tpu.wait_indirect_dma semaphore(%arg19 : memref<!tpu.dma_semaphore, #tpu.memory_space<semaphore_mem>>) src(%arg14 : memref<128x34xf32, #tpu.memory_space<vmem>>) dst(%dma_wait3A_123 : memref<10000x34xf32, #tpu.memory_space<vmem_shared>>)
      } else {
      }
      %dma_start3A_94 = arith.constant 0 : i32
      %dma_start3A_95 = arith.constant 0 : i32
      %dma_start3A_96 = tpu.memref_slice %arg16[%dma_start3A_94, %dma_start3A_95] : memref<10000x34xf32, #tpu.memory_space<vmem_shared>> -> memref<10000x34xf32, #tpu.memory_space<vmem_shared>>
      tpu.enqueue_indirect_dma source(%arg10 : memref<128x34xf32, #tpu.memory_space<vmem>>) target(%dma_start3A_96 : memref<10000x34xf32, #tpu.memory_space<vmem_shared>>) offsets(%arg8 : memref<128xi32, #tpu.memory_space<vmem>>) semaphore(%arg18 : memref<!tpu.dma_semaphore, #tpu.memory_space<semaphore_mem>>) {add = true}
      %mul3A_97 = arith.constant 9984 : i32
      %mul3A_98 = arith.muli %add3A, %mul3A_97 : i32
      %mul3A_99 = arith.constant 2 : i32
      %mul3A_100 = arith.muli %mul3A_99, %scan3A_66 : i32
      %add3A_101 = arith.constant 1 : i32
      %add3A_102 = arith.addi %mul3A_100, %add3A_101 : i32
      %mul3A_103 = arith.constant 128 : i32
      %mul3A_104 = arith.muli %add3A_102, %mul3A_103 : i32
      %add3A_105 = arith.addi %mul3A_98, %mul3A_104 : i32
      "tpu.region"() ({
        %run_scoped3A = tpu.sem_alloc : memref<!tpu.dma_semaphore, #tpu.memory_space<semaphore_mem>>
        %dma_start3A_121 = tpu.memref_slice %arg2[%add3A_105] : memref<320000xi32, #tpu.memory_space<hbm>> -> memref<128xi32, #tpu.memory_space<hbm>>
        %dma_start3A_122 = tpu.memref_slice %arg2[%add3A_105] : memref<320000xi32, #tpu.memory_space<hbm>> -> memref<128xi32, #tpu.memory_space<hbm>>
        tpu.enqueue_dma source(%dma_start3A_122 : memref<128xi32, #tpu.memory_space<hbm>>) target(%arg11 : memref<128xi32, #tpu.memory_space<vmem>>) target_semaphore(%run_scoped3A : memref<!tpu.dma_semaphore, #tpu.memory_space<semaphore_mem>>)
        %dma_wait3A_123 = tpu.memref_slice %arg2[%add3A_105] : memref<320000xi32, #tpu.memory_space<hbm>> -> memref<128xi32, #tpu.memory_space<hbm>>
        %dma_wait3A_124 = tpu.memref_slice %arg2[%add3A_105] : memref<320000xi32, #tpu.memory_space<hbm>> -> memref<128xi32, #tpu.memory_space<hbm>>
        tpu.wait_dma2 semaphore(%run_scoped3A : memref<!tpu.dma_semaphore, #tpu.memory_space<semaphore_mem>>) src(%dma_wait3A_124 : memref<128xi32, #tpu.memory_space<hbm>>) dst(%arg11 : memref<128xi32, #tpu.memory_space<vmem>>)
        tpu.yield
      }) : () -> ()
      "tpu.region"() ({
        %run_scoped3A = tpu.sem_alloc : memref<!tpu.dma_semaphore, #tpu.memory_space<semaphore_mem>>
        %dma_start3A_121 = tpu.memref_slice %arg3[%add3A_105] : memref<320000xi32, #tpu.memory_space<hbm>> -> memref<128xi32, #tpu.memory_space<hbm>>
        %dma_start3A_122 = tpu.memref_slice %arg3[%add3A_105] : memref<320000xi32, #tpu.memory_space<hbm>> -> memref<128xi32, #tpu.memory_space<hbm>>
        tpu.enqueue_dma source(%dma_start3A_122 : memref<128xi32, #tpu.memory_space<hbm>>) target(%arg12 : memref<128xi32, #tpu.memory_space<vmem>>) target_semaphore(%run_scoped3A : memref<!tpu.dma_semaphore, #tpu.memory_space<semaphore_mem>>)
        %dma_wait3A_123 = tpu.memref_slice %arg3[%add3A_105] : memref<320000xi32, #tpu.memory_space<hbm>> -> memref<128xi32, #tpu.memory_space<hbm>>
        %dma_wait3A_124 = tpu.memref_slice %arg3[%add3A_105] : memref<320000xi32, #tpu.memory_space<hbm>> -> memref<128xi32, #tpu.memory_space<hbm>>
        tpu.wait_dma2 semaphore(%run_scoped3A : memref<!tpu.dma_semaphore, #tpu.memory_space<semaphore_mem>>) src(%dma_wait3A_124 : memref<128xi32, #tpu.memory_space<hbm>>) dst(%arg12 : memref<128xi32, #tpu.memory_space<vmem>>)
        tpu.yield
      }) : () -> ()
      %dma_start3A_106 = arith.constant 0 : i32
      %dma_start3A_107 = arith.constant 0 : i32
      %dma_start3A_108 = tpu.memref_slice %arg4[%dma_start3A_106, %dma_start3A_107] : memref<10000x32xf32, #tpu.memory_space<hbm>> -> memref<10000x32xf32, #tpu.memory_space<hbm>>
      tpu.enqueue_indirect_dma source(%dma_start3A_108 : memref<10000x32xf32, #tpu.memory_space<hbm>>) target(%arg13 : memref<128x32xf32, #tpu.memory_space<vmem>>) offsets(%arg11 : memref<128xi32, #tpu.memory_space<vmem>>) semaphore(%arg17 : memref<!tpu.dma_semaphore, #tpu.memory_space<semaphore_mem>>)
      %dma_wait3A_109 = arith.constant 0 : i32
      %dma_wait3A_110 = arith.constant 0 : i32
      %dma_wait3A_111 = tpu.memref_slice %arg4[%dma_wait3A_109, %dma_wait3A_110] : memref<10000x32xf32, #tpu.memory_space<hbm>> -> memref<10000x32xf32, #tpu.memory_space<hbm>>
      tpu.wait_indirect_dma semaphore(%arg17 : memref<!tpu.dma_semaphore, #tpu.memory_space<semaphore_mem>>) src(%dma_wait3A_111 : memref<10000x32xf32, #tpu.memory_space<hbm>>) dst(%arg13 : memref<128x32xf32, #tpu.memory_space<vmem>>)
      %scan3A_112 = arith.constant 0 : i32
      %scan3A_113 = arith.constant 0 : i32
      %scan3A_114 = arith.constant 8 : i32
      %scan3A_115 = arith.addi %scan3A_113, %scan3A_114 : i32
      %scan3A_116 = arith.constant 1 : i32
      scf.for %scan3A_121 = %scan3A_113 to %scan3A_115 step %scan3A_116  : i32 {
        %mul3A_122 = arith.constant 16 : i32
        %mul3A_123 = arith.muli %scan3A_121, %mul3A_122 : i32
        %get3A = arith.index_cast %mul3A_123 : i32 to index
        %get3A_124 = tpu.vector_load %arg11[%get3A] {strides = array<i32>} : memref<128xi32, #tpu.memory_space<vmem>>, vector<16xi32>,
        %get3A_125 = arith.index_cast %mul3A_123 : i32 to index
        %get3A_126 = tpu.vector_load %arg12[%get3A_125] {strides = array<i32>} : memref<128xi32, #tpu.memory_space<vmem>>, vector<16xi32>,
        %gather3A = tpu.vector_load_idx %arg15[%get3A_124, %broadcast_in_dim3A_30] : memref<10000x4xf32, #tpu.memory_space<vmem>>[vector<16xi32>, vector<16xi32>], vector<16xf32>,
        %gather3A_127 = tpu.vector_load_idx %arg15[%get3A_124, %broadcast_in_dim3A_32] : memref<10000x4xf32, #tpu.memory_space<vmem>>[vector<16xi32>, vector<16xi32>], vector<16xf32>,
        %gather3A_128 = tpu.vector_load_idx %arg15[%get3A_126, %broadcast_in_dim3A_34] : memref<10000x4xf32, #tpu.memory_space<vmem>>[vector<16xi32>, vector<16xi32>], vector<16xf32>,
        %gather3A_129 = tpu.vector_load_idx %arg15[%get3A_126, %broadcast_in_dim3A_36] : memref<10000x4xf32, #tpu.memory_space<vmem>>[vector<16xi32>, vector<16xi32>], vector<16xf32>,
        %add3A_130 = arith.addf %gather3A, %gather3A_128 : vector<16xf32>
        %gt3A_131 = arith.constant 0.000000e+00 : f32
        %gt3A_132 = vector.broadcast %gt3A_131 : f32 to vector<16xf32>
        %gt3A_133 = arith.cmpf ogt, %add3A_130, %gt3A_132 : vector<16xf32>
        %mul3A_134 = arith.constant 2.000000e-01 : f32
        %mul3A_135 = vector.broadcast %mul3A_134 : f32 to vector<16xf32>
        %mul3A_136 = arith.mulf %add3A_130, %mul3A_135 : vector<16xf32>
        %select_n3A = arith.select %gt3A_133, %add3A_130, %mul3A_136 : vector<16xi1>, vector<16xf32>
        %exp3A = math.exp %select_n3A : vector<16xf32>
        %add3A_137 = arith.addf %gather3A_127, %gather3A_129 : vector<16xf32>
        %gt3A_138 = arith.constant 0.000000e+00 : f32
        %gt3A_139 = vector.broadcast %gt3A_138 : f32 to vector<16xf32>
        %gt3A_140 = arith.cmpf ogt, %add3A_137, %gt3A_139 : vector<16xf32>
        %mul3A_141 = arith.constant 2.000000e-01 : f32
        %mul3A_142 = vector.broadcast %mul3A_141 : f32 to vector<16xf32>
        %mul3A_143 = arith.mulf %add3A_137, %mul3A_142 : vector<16xf32>
        %select_n3A_144 = arith.select %gt3A_140, %add3A_137, %mul3A_143 : vector<16xi1>, vector<16xf32>
        %exp3A_145 = math.exp %select_n3A_144 : vector<16xf32>
        %add3A_146 = vector.broadcast %mul3A_123 : i32 to vector<16xi32>
        %add3A_147 = arith.addi %add3A_146, %iota3A : vector<16xi32>
        tpu.vector_store_idx %arg14[%add3A_147, %broadcast_in_dim3A_38], %exp3A : memref<128x34xf32, #tpu.memory_space<vmem>>[vector<16xi32>, vector<16xi32>], vector<16xf32>,
        tpu.vector_store_idx %arg14[%add3A_147, %broadcast_in_dim3A_40], %exp3A_145 : memref<128x34xf32, #tpu.memory_space<vmem>>[vector<16xi32>, vector<16xi32>], vector<16xf32>,
        %broadcast_in_dim3A_148 = arith.constant 0 : i32
        %broadcast_in_dim3A_149 = vector.broadcast %broadcast_in_dim3A_148 : i32 to vector<16xi32>
        %broadcast_in_dim3A_150 = arith.constant 16 : i32
        %broadcast_in_dim3A_151 = vector.broadcast %broadcast_in_dim3A_150 : i32 to vector<16xi32>
        %gather3A_152 = tpu.vector_load_idx %arg13[%add3A_147, %broadcast_in_dim3A_149] : memref<128x32xf32, #tpu.memory_space<vmem>>[vector<16xi32>, vector<16xi32>], vector<16xf32>,
        %gather3A_153 = tpu.vector_load_idx %arg13[%add3A_147, %broadcast_in_dim3A_151] : memref<128x32xf32, #tpu.memory_space<vmem>>[vector<16xi32>, vector<16xi32>], vector<16xf32>,
        %mul3A_154 = arith.mulf %exp3A, %gather3A_152 : vector<16xf32>
        tpu.vector_store_idx %arg14[%add3A_147, %broadcast_in_dim3A_149], %mul3A_154 : memref<128x34xf32, #tpu.memory_space<vmem>>[vector<16xi32>, vector<16xi32>], vector<16xf32>,
        %mul3A_155 = arith.mulf %exp3A_145, %gather3A_153 : vector<16xf32>
        tpu.vector_store_idx %arg14[%add3A_147, %broadcast_in_dim3A_151], %mul3A_155 : memref<128x34xf32, #tpu.memory_space<vmem>>[vector<16xi32>, vector<16xi32>], vector<16xf32>,
        %broadcast_in_dim3A_156 = arith.constant 1 : i32
        %broadcast_in_dim3A_157 = vector.broadcast %broadcast_in_dim3A_156 : i32 to vector<16xi32>
        %broadcast_in_dim3A_158 = arith.constant 17 : i32
        %broadcast_in_dim3A_159 = vector.broadcast %broadcast_in_dim3A_158 : i32 to vector<16xi32>
        %gather3A_160 = tpu.vector_load_idx %arg13[%add3A_147, %broadcast_in_dim3A_157] : memref<128x32xf32, #tpu.memory_space<vmem>>[vector<16xi32>, vector<16xi32>], vector<16xf32>,
        %gather3A_161 = tpu.vector_load_idx %arg13[%add3A_147, %broadcast_in_dim3A_159] : memref<128x32xf32, #tpu.memory_space<vmem>>[vector<16xi32>, vector<16xi32>], vector<16xf32>,
        %mul3A_162 = arith.mulf %exp3A, %gather3A_160 : vector<16xf32>
        tpu.vector_store_idx %arg14[%add3A_147, %broadcast_in_dim3A_157], %mul3A_162 : memref<128x34xf32, #tpu.memory_space<vmem>>[vector<16xi32>, vector<16xi32>], vector<16xf32>,
        %mul3A_163 = arith.mulf %exp3A_145, %gather3A_161 : vector<16xf32>
        tpu.vector_store_idx %arg14[%add3A_147, %broadcast_in_dim3A_159], %mul3A_163 : memref<128x34xf32, #tpu.memory_space<vmem>>[vector<16xi32>, vector<16xi32>], vector<16xf32>,
        %broadcast_in_dim3A_164 = arith.constant 2 : i32
        %broadcast_in_dim3A_165 = vector.broadcast %broadcast_in_dim3A_164 : i32 to vector<16xi32>
        %broadcast_in_dim3A_166 = arith.constant 18 : i32
        %broadcast_in_dim3A_167 = vector.broadcast %broadcast_in_dim3A_166 : i32 to vector<16xi32>
        %gather3A_168 = tpu.vector_load_idx %arg13[%add3A_147, %broadcast_in_dim3A_165] : memref<128x32xf32, #tpu.memory_space<vmem>>[vector<16xi32>, vector<16xi32>], vector<16xf32>,
        %gather3A_169 = tpu.vector_load_idx %arg13[%add3A_147, %broadcast_in_dim3A_167] : memref<128x32xf32, #tpu.memory_space<vmem>>[vector<16xi32>, vector<16xi32>], vector<16xf32>,
        %mul3A_170 = arith.mulf %exp3A, %gather3A_168 : vector<16xf32>
        tpu.vector_store_idx %arg14[%add3A_147, %broadcast_in_dim3A_165], %mul3A_170 : memref<128x34xf32, #tpu.memory_space<vmem>>[vector<16xi32>, vector<16xi32>], vector<16xf32>,
        %mul3A_171 = arith.mulf %exp3A_145, %gather3A_169 : vector<16xf32>
        tpu.vector_store_idx %arg14[%add3A_147, %broadcast_in_dim3A_167], %mul3A_171 : memref<128x34xf32, #tpu.memory_space<vmem>>[vector<16xi32>, vector<16xi32>], vector<16xf32>,
        %broadcast_in_dim3A_172 = arith.constant 3 : i32
        %broadcast_in_dim3A_173 = vector.broadcast %broadcast_in_dim3A_172 : i32 to vector<16xi32>
        %broadcast_in_dim3A_174 = arith.constant 19 : i32
        %broadcast_in_dim3A_175 = vector.broadcast %broadcast_in_dim3A_174 : i32 to vector<16xi32>
        %gather3A_176 = tpu.vector_load_idx %arg13[%add3A_147, %broadcast_in_dim3A_173] : memref<128x32xf32, #tpu.memory_space<vmem>>[vector<16xi32>, vector<16xi32>], vector<16xf32>,
        %gather3A_177 = tpu.vector_load_idx %arg13[%add3A_147, %broadcast_in_dim3A_175] : memref<128x32xf32, #tpu.memory_space<vmem>>[vector<16xi32>, vector<16xi32>], vector<16xf32>,
        %mul3A_178 = arith.mulf %exp3A, %gather3A_176 : vector<16xf32>
        tpu.vector_store_idx %arg14[%add3A_147, %broadcast_in_dim3A_173], %mul3A_178 : memref<128x34xf32, #tpu.memory_space<vmem>>[vector<16xi32>, vector<16xi32>], vector<16xf32>,
        %mul3A_179 = arith.mulf %exp3A_145, %gather3A_177 : vector<16xf32>
        tpu.vector_store_idx %arg14[%add3A_147, %broadcast_in_dim3A_175], %mul3A_179 : memref<128x34xf32, #tpu.memory_space<vmem>>[vector<16xi32>, vector<16xi32>], vector<16xf32>,
        %broadcast_in_dim3A_180 = arith.constant 4 : i32
        %broadcast_in_dim3A_181 = vector.broadcast %broadcast_in_dim3A_180 : i32 to vector<16xi32>
        %broadcast_in_dim3A_182 = arith.constant 20 : i32
        %broadcast_in_dim3A_183 = vector.broadcast %broadcast_in_dim3A_182 : i32 to vector<16xi32>
        %gather3A_184 = tpu.vector_load_idx %arg13[%add3A_147, %broadcast_in_dim3A_181] : memref<128x32xf32, #tpu.memory_space<vmem>>[vector<16xi32>, vector<16xi32>], vector<16xf32>,
        %gather3A_185 = tpu.vector_load_idx %arg13[%add3A_147, %broadcast_in_dim3A_183] : memref<128x32xf32, #tpu.memory_space<vmem>>[vector<16xi32>, vector<16xi32>], vector<16xf32>,
        %mul3A_186 = arith.mulf %exp3A, %gather3A_184 : vector<16xf32>
        tpu.vector_store_idx %arg14[%add3A_147, %broadcast_in_dim3A_181], %mul3A_186 : memref<128x34xf32, #tpu.memory_space<vmem>>[vector<16xi32>, vector<16xi32>], vector<16xf32>,
        %mul3A_187 = arith.mulf %exp3A_145, %gather3A_185 : vector<16xf32>
        tpu.vector_store_idx %arg14[%add3A_147, %broadcast_in_dim3A_183], %mul3A_187 : memref<128x34xf32, #tpu.memory_space<vmem>>[vector<16xi32>, vector<16xi32>], vector<16xf32>,
        %broadcast_in_dim3A_188 = arith.constant 5 : i32
        %broadcast_in_dim3A_189 = vector.broadcast %broadcast_in_dim3A_188 : i32 to vector<16xi32>
        %broadcast_in_dim3A_190 = arith.constant 21 : i32
        %broadcast_in_dim3A_191 = vector.broadcast %broadcast_in_dim3A_190 : i32 to vector<16xi32>
        %gather3A_192 = tpu.vector_load_idx %arg13[%add3A_147, %broadcast_in_dim3A_189] : memref<128x32xf32, #tpu.memory_space<vmem>>[vector<16xi32>, vector<16xi32>], vector<16xf32>,
        %gather3A_193 = tpu.vector_load_idx %arg13[%add3A_147, %broadcast_in_dim3A_191] : memref<128x32xf32, #tpu.memory_space<vmem>>[vector<16xi32>, vector<16xi32>], vector<16xf32>,
        %mul3A_194 = arith.mulf %exp3A, %gather3A_192 : vector<16xf32>
        tpu.vector_store_idx %arg14[%add3A_147, %broadcast_in_dim3A_189], %mul3A_194 : memref<128x34xf32, #tpu.memory_space<vmem>>[vector<16xi32>, vector<16xi32>], vector<16xf32>,
        %mul3A_195 = arith.mulf %exp3A_145, %gather3A_193 : vector<16xf32>
        tpu.vector_store_idx %arg14[%add3A_147, %broadcast_in_dim3A_191], %mul3A_195 : memref<128x34xf32, #tpu.memory_space<vmem>>[vector<16xi32>, vector<16xi32>], vector<16xf32>,
        %broadcast_in_dim3A_196 = arith.constant 6 : i32
        %broadcast_in_dim3A_197 = vector.broadcast %broadcast_in_dim3A_196 : i32 to vector<16xi32>
        %broadcast_in_dim3A_198 = arith.constant 22 : i32
        %broadcast_in_dim3A_199 = vector.broadcast %broadcast_in_dim3A_198 : i32 to vector<16xi32>
        %gather3A_200 = tpu.vector_load_idx %arg13[%add3A_147, %broadcast_in_dim3A_197] : memref<128x32xf32, #tpu.memory_space<vmem>>[vector<16xi32>, vector<16xi32>], vector<16xf32>,
        %gather3A_201 = tpu.vector_load_idx %arg13[%add3A_147, %broadcast_in_dim3A_199] : memref<128x32xf32, #tpu.memory_space<vmem>>[vector<16xi32>, vector<16xi32>], vector<16xf32>,
        %mul3A_202 = arith.mulf %exp3A, %gather3A_200 : vector<16xf32>
        tpu.vector_store_idx %arg14[%add3A_147, %broadcast_in_dim3A_197], %mul3A_202 : memref<128x34xf32, #tpu.memory_space<vmem>>[vector<16xi32>, vector<16xi32>], vector<16xf32>,
        %mul3A_203 = arith.mulf %exp3A_145, %gather3A_201 : vector<16xf32>
        tpu.vector_store_idx %arg14[%add3A_147, %broadcast_in_dim3A_199], %mul3A_203 : memref<128x34xf32, #tpu.memory_space<vmem>>[vector<16xi32>, vector<16xi32>], vector<16xf32>,
        %broadcast_in_dim3A_204 = arith.constant 7 : i32
        %broadcast_in_dim3A_205 = vector.broadcast %broadcast_in_dim3A_204 : i32 to vector<16xi32>
        %broadcast_in_dim3A_206 = arith.constant 23 : i32
        %broadcast_in_dim3A_207 = vector.broadcast %broadcast_in_dim3A_206 : i32 to vector<16xi32>
        %gather3A_208 = tpu.vector_load_idx %arg13[%add3A_147, %broadcast_in_dim3A_205] : memref<128x32xf32, #tpu.memory_space<vmem>>[vector<16xi32>, vector<16xi32>], vector<16xf32>,
        %gather3A_209 = tpu.vector_load_idx %arg13[%add3A_147, %broadcast_in_dim3A_207] : memref<128x32xf32, #tpu.memory_space<vmem>>[vector<16xi32>, vector<16xi32>], vector<16xf32>,
        %mul3A_210 = arith.mulf %exp3A, %gather3A_208 : vector<16xf32>
        tpu.vector_store_idx %arg14[%add3A_147, %broadcast_in_dim3A_205], %mul3A_210 : memref<128x34xf32, #tpu.memory_space<vmem>>[vector<16xi32>, vector<16xi32>], vector<16xf32>,
        %mul3A_211 = arith.mulf %exp3A_145, %gather3A_209 : vector<16xf32>
        tpu.vector_store_idx %arg14[%add3A_147, %broadcast_in_dim3A_207], %mul3A_211 : memref<128x34xf32, #tpu.memory_space<vmem>>[vector<16xi32>, vector<16xi32>], vector<16xf32>,
        %broadcast_in_dim3A_212 = arith.constant 8 : i32
        %broadcast_in_dim3A_213 = vector.broadcast %broadcast_in_dim3A_212 : i32 to vector<16xi32>
        %broadcast_in_dim3A_214 = arith.constant 24 : i32
        %broadcast_in_dim3A_215 = vector.broadcast %broadcast_in_dim3A_214 : i32 to vector<16xi32>
        %gather3A_216 = tpu.vector_load_idx %arg13[%add3A_147, %broadcast_in_dim3A_213] : memref<128x32xf32, #tpu.memory_space<vmem>>[vector<16xi32>, vector<16xi32>], vector<16xf32>,
        %gather3A_217 = tpu.vector_load_idx %arg13[%add3A_147, %broadcast_in_dim3A_215] : memref<128x32xf32, #tpu.memory_space<vmem>>[vector<16xi32>, vector<16xi32>], vector<16xf32>,
        %mul3A_218 = arith.mulf %exp3A, %gather3A_216 : vector<16xf32>
        tpu.vector_store_idx %arg14[%add3A_147, %broadcast_in_dim3A_213], %mul3A_218 : memref<128x34xf32, #tpu.memory_space<vmem>>[vector<16xi32>, vector<16xi32>], vector<16xf32>,
        %mul3A_219 = arith.mulf %exp3A_145, %gather3A_217 : vector<16xf32>
        tpu.vector_store_idx %arg14[%add3A_147, %broadcast_in_dim3A_215], %mul3A_219 : memref<128x34xf32, #tpu.memory_space<vmem>>[vector<16xi32>, vector<16xi32>], vector<16xf32>,
        %broadcast_in_dim3A_220 = arith.constant 9 : i32
        %broadcast_in_dim3A_221 = vector.broadcast %broadcast_in_dim3A_220 : i32 to vector<16xi32>
        %broadcast_in_dim3A_222 = arith.constant 25 : i32
        %broadcast_in_dim3A_223 = vector.broadcast %broadcast_in_dim3A_222 : i32 to vector<16xi32>
        %gather3A_224 = tpu.vector_load_idx %arg13[%add3A_147, %broadcast_in_dim3A_221] : memref<128x32xf32, #tpu.memory_space<vmem>>[vector<16xi32>, vector<16xi32>], vector<16xf32>,
        %gather3A_225 = tpu.vector_load_idx %arg13[%add3A_147, %broadcast_in_dim3A_223] : memref<128x32xf32, #tpu.memory_space<vmem>>[vector<16xi32>, vector<16xi32>], vector<16xf32>,
        %mul3A_226 = arith.mulf %exp3A, %gather3A_224 : vector<16xf32>
        tpu.vector_store_idx %arg14[%add3A_147, %broadcast_in_dim3A_221], %mul3A_226 : memref<128x34xf32, #tpu.memory_space<vmem>>[vector<16xi32>, vector<16xi32>], vector<16xf32>,
        %mul3A_227 = arith.mulf %exp3A_145, %gather3A_225 : vector<16xf32>
        tpu.vector_store_idx %arg14[%add3A_147, %broadcast_in_dim3A_223], %mul3A_227 : memref<128x34xf32, #tpu.memory_space<vmem>>[vector<16xi32>, vector<16xi32>], vector<16xf32>,
        %broadcast_in_dim3A_228 = arith.constant 10 : i32
        %broadcast_in_dim3A_229 = vector.broadcast %broadcast_in_dim3A_228 : i32 to vector<16xi32>
        %broadcast_in_dim3A_230 = arith.constant 26 : i32
        %broadcast_in_dim3A_231 = vector.broadcast %broadcast_in_dim3A_230 : i32 to vector<16xi32>
        %gather3A_232 = tpu.vector_load_idx %arg13[%add3A_147, %broadcast_in_dim3A_229] : memref<128x32xf32, #tpu.memory_space<vmem>>[vector<16xi32>, vector<16xi32>], vector<16xf32>,
        %gather3A_233 = tpu.vector_load_idx %arg13[%add3A_147, %broadcast_in_dim3A_231] : memref<128x32xf32, #tpu.memory_space<vmem>>[vector<16xi32>, vector<16xi32>], vector<16xf32>,
        %mul3A_234 = arith.mulf %exp3A, %gather3A_232 : vector<16xf32>
        tpu.vector_store_idx %arg14[%add3A_147, %broadcast_in_dim3A_229], %mul3A_234 : memref<128x34xf32, #tpu.memory_space<vmem>>[vector<16xi32>, vector<16xi32>], vector<16xf32>,
        %mul3A_235 = arith.mulf %exp3A_145, %gather3A_233 : vector<16xf32>
        tpu.vector_store_idx %arg14[%add3A_147, %broadcast_in_dim3A_231], %mul3A_235 : memref<128x34xf32, #tpu.memory_space<vmem>>[vector<16xi32>, vector<16xi32>], vector<16xf32>,
        %broadcast_in_dim3A_236 = arith.constant 11 : i32
        %broadcast_in_dim3A_237 = vector.broadcast %broadcast_in_dim3A_236 : i32 to vector<16xi32>
        %broadcast_in_dim3A_238 = arith.constant 27 : i32
        %broadcast_in_dim3A_239 = vector.broadcast %broadcast_in_dim3A_238 : i32 to vector<16xi32>
        %gather3A_240 = tpu.vector_load_idx %arg13[%add3A_147, %broadcast_in_dim3A_237] : memref<128x32xf32, #tpu.memory_space<vmem>>[vector<16xi32>, vector<16xi32>], vector<16xf32>,
        %gather3A_241 = tpu.vector_load_idx %arg13[%add3A_147, %broadcast_in_dim3A_239] : memref<128x32xf32, #tpu.memory_space<vmem>>[vector<16xi32>, vector<16xi32>], vector<16xf32>,
        %mul3A_242 = arith.mulf %exp3A, %gather3A_240 : vector<16xf32>
        tpu.vector_store_idx %arg14[%add3A_147, %broadcast_in_dim3A_237], %mul3A_242 : memref<128x34xf32, #tpu.memory_space<vmem>>[vector<16xi32>, vector<16xi32>], vector<16xf32>,
        %mul3A_243 = arith.mulf %exp3A_145, %gather3A_241 : vector<16xf32>
        tpu.vector_store_idx %arg14[%add3A_147, %broadcast_in_dim3A_239], %mul3A_243 : memref<128x34xf32, #tpu.memory_space<vmem>>[vector<16xi32>, vector<16xi32>], vector<16xf32>,
        %broadcast_in_dim3A_244 = arith.constant 12 : i32
        %broadcast_in_dim3A_245 = vector.broadcast %broadcast_in_dim3A_244 : i32 to vector<16xi32>
        %broadcast_in_dim3A_246 = arith.constant 28 : i32
        %broadcast_in_dim3A_247 = vector.broadcast %broadcast_in_dim3A_246 : i32 to vector<16xi32>
        %gather3A_248 = tpu.vector_load_idx %arg13[%add3A_147, %broadcast_in_dim3A_245] : memref<128x32xf32, #tpu.memory_space<vmem>>[vector<16xi32>, vector<16xi32>], vector<16xf32>,
        %gather3A_249 = tpu.vector_load_idx %arg13[%add3A_147, %broadcast_in_dim3A_247] : memref<128x32xf32, #tpu.memory_space<vmem>>[vector<16xi32>, vector<16xi32>], vector<16xf32>,
        %mul3A_250 = arith.mulf %exp3A, %gather3A_248 : vector<16xf32>
        tpu.vector_store_idx %arg14[%add3A_147, %broadcast_in_dim3A_245], %mul3A_250 : memref<128x34xf32, #tpu.memory_space<vmem>>[vector<16xi32>, vector<16xi32>], vector<16xf32>,
        %mul3A_251 = arith.mulf %exp3A_145, %gather3A_249 : vector<16xf32>
        tpu.vector_store_idx %arg14[%add3A_147, %broadcast_in_dim3A_247], %mul3A_251 : memref<128x34xf32, #tpu.memory_space<vmem>>[vector<16xi32>, vector<16xi32>], vector<16xf32>,
        %broadcast_in_dim3A_252 = arith.constant 13 : i32
        %broadcast_in_dim3A_253 = vector.broadcast %broadcast_in_dim3A_252 : i32 to vector<16xi32>
        %broadcast_in_dim3A_254 = arith.constant 29 : i32
        %broadcast_in_dim3A_255 = vector.broadcast %broadcast_in_dim3A_254 : i32 to vector<16xi32>
        %gather3A_256 = tpu.vector_load_idx %arg13[%add3A_147, %broadcast_in_dim3A_253] : memref<128x32xf32, #tpu.memory_space<vmem>>[vector<16xi32>, vector<16xi32>], vector<16xf32>,
        %gather3A_257 = tpu.vector_load_idx %arg13[%add3A_147, %broadcast_in_dim3A_255] : memref<128x32xf32, #tpu.memory_space<vmem>>[vector<16xi32>, vector<16xi32>], vector<16xf32>,
        %mul3A_258 = arith.mulf %exp3A, %gather3A_256 : vector<16xf32>
        tpu.vector_store_idx %arg14[%add3A_147, %broadcast_in_dim3A_253], %mul3A_258 : memref<128x34xf32, #tpu.memory_space<vmem>>[vector<16xi32>, vector<16xi32>], vector<16xf32>,
        %mul3A_259 = arith.mulf %exp3A_145, %gather3A_257 : vector<16xf32>
        tpu.vector_store_idx %arg14[%add3A_147, %broadcast_in_dim3A_255], %mul3A_259 : memref<128x34xf32, #tpu.memory_space<vmem>>[vector<16xi32>, vector<16xi32>], vector<16xf32>,
        %broadcast_in_dim3A_260 = arith.constant 14 : i32
        %broadcast_in_dim3A_261 = vector.broadcast %broadcast_in_dim3A_260 : i32 to vector<16xi32>
        %broadcast_in_dim3A_262 = arith.constant 30 : i32
        %broadcast_in_dim3A_263 = vector.broadcast %broadcast_in_dim3A_262 : i32 to vector<16xi32>
        %gather3A_264 = tpu.vector_load_idx %arg13[%add3A_147, %broadcast_in_dim3A_261] : memref<128x32xf32, #tpu.memory_space<vmem>>[vector<16xi32>, vector<16xi32>], vector<16xf32>,
        %gather3A_265 = tpu.vector_load_idx %arg13[%add3A_147, %broadcast_in_dim3A_263] : memref<128x32xf32, #tpu.memory_space<vmem>>[vector<16xi32>, vector<16xi32>], vector<16xf32>,
        %mul3A_266 = arith.mulf %exp3A, %gather3A_264 : vector<16xf32>
        tpu.vector_store_idx %arg14[%add3A_147, %broadcast_in_dim3A_261], %mul3A_266 : memref<128x34xf32, #tpu.memory_space<vmem>>[vector<16xi32>, vector<16xi32>], vector<16xf32>,
        %mul3A_267 = arith.mulf %exp3A_145, %gather3A_265 : vector<16xf32>
        tpu.vector_store_idx %arg14[%add3A_147, %broadcast_in_dim3A_263], %mul3A_267 : memref<128x34xf32, #tpu.memory_space<vmem>>[vector<16xi32>, vector<16xi32>], vector<16xf32>,
        %broadcast_in_dim3A_268 = arith.constant 15 : i32
        %broadcast_in_dim3A_269 = vector.broadcast %broadcast_in_dim3A_268 : i32 to vector<16xi32>
        %broadcast_in_dim3A_270 = arith.constant 31 : i32
        %broadcast_in_dim3A_271 = vector.broadcast %broadcast_in_dim3A_270 : i32 to vector<16xi32>
        %gather3A_272 = tpu.vector_load_idx %arg13[%add3A_147, %broadcast_in_dim3A_269] : memref<128x32xf32, #tpu.memory_space<vmem>>[vector<16xi32>, vector<16xi32>], vector<16xf32>,
        %gather3A_273 = tpu.vector_load_idx %arg13[%add3A_147, %broadcast_in_dim3A_271] : memref<128x32xf32, #tpu.memory_space<vmem>>[vector<16xi32>, vector<16xi32>], vector<16xf32>,
        %mul3A_274 = arith.mulf %exp3A, %gather3A_272 : vector<16xf32>
        tpu.vector_store_idx %arg14[%add3A_147, %broadcast_in_dim3A_269], %mul3A_274 : memref<128x34xf32, #tpu.memory_space<vmem>>[vector<16xi32>, vector<16xi32>], vector<16xf32>,
        %mul3A_275 = arith.mulf %exp3A_145, %gather3A_273 : vector<16xf32>
        tpu.vector_store_idx %arg14[%add3A_147, %broadcast_in_dim3A_271], %mul3A_275 : memref<128x34xf32, #tpu.memory_space<vmem>>[vector<16xi32>, vector<16xi32>], vector<16xf32>,
      }
      %scan3A_117 = arith.constant 8 : i32
      %dma_start3A_118 = arith.constant 0 : i32
      %dma_start3A_119 = arith.constant 0 : i32
      %dma_start3A_120 = tpu.memref_slice %arg16[%dma_start3A_118, %dma_start3A_119] : memref<10000x34xf32, #tpu.memory_space<vmem_shared>> -> memref<10000x34xf32, #tpu.memory_space<vmem_shared>>
      tpu.enqueue_indirect_dma source(%arg14 : memref<128x34xf32, #tpu.memory_space<vmem>>) target(%dma_start3A_120 : memref<10000x34xf32, #tpu.memory_space<vmem_shared>>) offsets(%arg12 : memref<128xi32, #tpu.memory_space<vmem>>) semaphore(%arg19 : memref<!tpu.dma_semaphore, #tpu.memory_space<semaphore_mem>>) {add = true}
    }
    %scan3A_46 = arith.constant 39 : i32
    %dma_wait3A = arith.constant 0 : i32
    %dma_wait3A_47 = arith.constant 0 : i32
    %dma_wait3A_48 = tpu.memref_slice %arg16[%dma_wait3A, %dma_wait3A_47] : memref<10000x34xf32, #tpu.memory_space<vmem_shared>> -> memref<10000x34xf32, #tpu.memory_space<vmem_shared>>
    tpu.wait_indirect_dma semaphore(%arg18 : memref<!tpu.dma_semaphore, #tpu.memory_space<semaphore_mem>>) src(%arg10 : memref<128x34xf32, #tpu.memory_space<vmem>>) dst(%dma_wait3A_48 : memref<10000x34xf32, #tpu.memory_space<vmem_shared>>)
    %dma_wait3A_49 = arith.constant 0 : i32
    %dma_wait3A_50 = arith.constant 0 : i32
    %dma_wait3A_51 = tpu.memref_slice %arg16[%dma_wait3A_49, %dma_wait3A_50] : memref<10000x34xf32, #tpu.memory_space<vmem_shared>> -> memref<10000x34xf32, #tpu.memory_space<vmem_shared>>
    tpu.wait_indirect_dma semaphore(%arg19 : memref<!tpu.dma_semaphore, #tpu.memory_space<semaphore_mem>>) src(%arg14 : memref<128x34xf32, #tpu.memory_space<vmem>>) dst(%dma_wait3A_51 : memref<10000x34xf32, #tpu.memory_space<vmem_shared>>)
    %lt3A = arith.constant 4 : i32
    %lt3A_52 = arith.cmpi slt, %add3A, %lt3A : i32
    %convert_element_type3A_53 = arith.extui %lt3A_52 : i1 to i32
    %cond3A_54 = arith.constant 0 : i32
    %cond3A_55 = arith.cmpi ne, %convert_element_type3A_53, %cond3A_54 : i32
    scf.if %cond3A_55 {
      %mul3A_66 = arith.constant 128 : i32
      %mul3A_67 = arith.muli %add3A, %mul3A_66 : i32
      %add3A_68 = arith.constant 319488 : i32
      %add3A_69 = arith.addi %add3A_68, %mul3A_67 : i32
      "tpu.region"() ({
        %run_scoped3A = tpu.sem_alloc : memref<!tpu.dma_semaphore, #tpu.memory_space<semaphore_mem>>
        %dma_start3A_81 = tpu.memref_slice %arg2[%add3A_69] : memref<320000xi32, #tpu.memory_space<hbm>> -> memref<128xi32, #tpu.memory_space<hbm>>
        %dma_start3A_82 = tpu.memref_slice %arg2[%add3A_69] : memref<320000xi32, #tpu.memory_space<hbm>> -> memref<128xi32, #tpu.memory_space<hbm>>
        tpu.enqueue_dma source(%dma_start3A_82 : memref<128xi32, #tpu.memory_space<hbm>>) target(%arg7 : memref<128xi32, #tpu.memory_space<vmem>>) target_semaphore(%run_scoped3A : memref<!tpu.dma_semaphore, #tpu.memory_space<semaphore_mem>>)
        %dma_wait3A_83 = tpu.memref_slice %arg2[%add3A_69] : memref<320000xi32, #tpu.memory_space<hbm>> -> memref<128xi32, #tpu.memory_space<hbm>>
        %dma_wait3A_84 = tpu.memref_slice %arg2[%add3A_69] : memref<320000xi32, #tpu.memory_space<hbm>> -> memref<128xi32, #tpu.memory_space<hbm>>
        tpu.wait_dma2 semaphore(%run_scoped3A : memref<!tpu.dma_semaphore, #tpu.memory_space<semaphore_mem>>) src(%dma_wait3A_84 : memref<128xi32, #tpu.memory_space<hbm>>) dst(%arg7 : memref<128xi32, #tpu.memory_space<vmem>>)
        tpu.yield
      }) : () -> ()
      "tpu.region"() ({
        %run_scoped3A = tpu.sem_alloc : memref<!tpu.dma_semaphore, #tpu.memory_space<semaphore_mem>>
        %dma_start3A_81 = tpu.memref_slice %arg3[%add3A_69] : memref<320000xi32, #tpu.memory_space<hbm>> -> memref<128xi32, #tpu.memory_space<hbm>>
        %dma_start3A_82 = tpu.memref_slice %arg3[%add3A_69] : memref<320000xi32, #tpu.memory_space<hbm>> -> memref<128xi32, #tpu.memory_space<hbm>>
        tpu.enqueue_dma source(%dma_start3A_82 : memref<128xi32, #tpu.memory_space<hbm>>) target(%arg8 : memref<128xi32, #tpu.memory_space<vmem>>) target_semaphore(%run_scoped3A : memref<!tpu.dma_semaphore, #tpu.memory_space<semaphore_mem>>)
        %dma_wait3A_83 = tpu.memref_slice %arg3[%add3A_69] : memref<320000xi32, #tpu.memory_space<hbm>> -> memref<128xi32, #tpu.memory_space<hbm>>
        %dma_wait3A_84 = tpu.memref_slice %arg3[%add3A_69] : memref<320000xi32, #tpu.memory_space<hbm>> -> memref<128xi32, #tpu.memory_space<hbm>>
        tpu.wait_dma2 semaphore(%run_scoped3A : memref<!tpu.dma_semaphore, #tpu.memory_space<semaphore_mem>>) src(%dma_wait3A_84 : memref<128xi32, #tpu.memory_space<hbm>>) dst(%arg8 : memref<128xi32, #tpu.memory_space<vmem>>)
        tpu.yield
      }) : () -> ()
      %dma_start3A = arith.constant 0 : i32
      %dma_start3A_70 = arith.constant 0 : i32
      %dma_start3A_71 = tpu.memref_slice %arg4[%dma_start3A, %dma_start3A_70] : memref<10000x32xf32, #tpu.memory_space<hbm>> -> memref<10000x32xf32, #tpu.memory_space<hbm>>
      tpu.enqueue_indirect_dma source(%dma_start3A_71 : memref<10000x32xf32, #tpu.memory_space<hbm>>) target(%arg9 : memref<128x32xf32, #tpu.memory_space<vmem>>) offsets(%arg7 : memref<128xi32, #tpu.memory_space<vmem>>) semaphore(%arg17 : memref<!tpu.dma_semaphore, #tpu.memory_space<semaphore_mem>>)
      %dma_wait3A_72 = arith.constant 0 : i32
      %dma_wait3A_73 = arith.constant 0 : i32
      %dma_wait3A_74 = tpu.memref_slice %arg4[%dma_wait3A_72, %dma_wait3A_73] : memref<10000x32xf32, #tpu.memory_space<hbm>> -> memref<10000x32xf32, #tpu.memory_space<hbm>>
      tpu.wait_indirect_dma semaphore(%arg17 : memref<!tpu.dma_semaphore, #tpu.memory_space<semaphore_mem>>) src(%dma_wait3A_74 : memref<10000x32xf32, #tpu.memory_space<hbm>>) dst(%arg9 : memref<128x32xf32, #tpu.memory_space<vmem>>)
      %scan3A_75 = arith.constant 0 : i32
      %scan3A_76 = arith.constant 0 : i32
      %scan3A_77 = arith.constant 8 : i32
      %scan3A_78 = arith.addi %scan3A_76, %scan3A_77 : i32
      %scan3A_79 = arith.constant 1 : i32
      scf.for %scan3A_81 = %scan3A_76 to %scan3A_78 step %scan3A_79  : i32 {
        %mul3A_82 = arith.constant 16 : i32
        %mul3A_83 = arith.muli %scan3A_81, %mul3A_82 : i32
        %get3A = arith.index_cast %mul3A_83 : i32 to index
        %get3A_84 = tpu.vector_load %arg7[%get3A] {strides = array<i32>} : memref<128xi32, #tpu.memory_space<vmem>>, vector<16xi32>,
        %get3A_85 = arith.index_cast %mul3A_83 : i32 to index
        %get3A_86 = tpu.vector_load %arg8[%get3A_85] {strides = array<i32>} : memref<128xi32, #tpu.memory_space<vmem>>, vector<16xi32>,
        %gather3A = tpu.vector_load_idx %arg15[%get3A_84, %broadcast_in_dim3A_30] : memref<10000x4xf32, #tpu.memory_space<vmem>>[vector<16xi32>, vector<16xi32>], vector<16xf32>,
        %gather3A_87 = tpu.vector_load_idx %arg15[%get3A_84, %broadcast_in_dim3A_32] : memref<10000x4xf32, #tpu.memory_space<vmem>>[vector<16xi32>, vector<16xi32>], vector<16xf32>,
        %gather3A_88 = tpu.vector_load_idx %arg15[%get3A_86, %broadcast_in_dim3A_34] : memref<10000x4xf32, #tpu.memory_space<vmem>>[vector<16xi32>, vector<16xi32>], vector<16xf32>,
        %gather3A_89 = tpu.vector_load_idx %arg15[%get3A_86, %broadcast_in_dim3A_36] : memref<10000x4xf32, #tpu.memory_space<vmem>>[vector<16xi32>, vector<16xi32>], vector<16xf32>,
        %add3A_90 = arith.addf %gather3A, %gather3A_88 : vector<16xf32>
        %gt3A = arith.constant 0.000000e+00 : f32
        %gt3A_91 = vector.broadcast %gt3A : f32 to vector<16xf32>
        %gt3A_92 = arith.cmpf ogt, %add3A_90, %gt3A_91 : vector<16xf32>
        %mul3A_93 = arith.constant 2.000000e-01 : f32
        %mul3A_94 = vector.broadcast %mul3A_93 : f32 to vector<16xf32>
        %mul3A_95 = arith.mulf %add3A_90, %mul3A_94 : vector<16xf32>
        %select_n3A = arith.select %gt3A_92, %add3A_90, %mul3A_95 : vector<16xi1>, vector<16xf32>
        %exp3A = math.exp %select_n3A : vector<16xf32>
        %add3A_96 = arith.addf %gather3A_87, %gather3A_89 : vector<16xf32>
        %gt3A_97 = arith.constant 0.000000e+00 : f32
        %gt3A_98 = vector.broadcast %gt3A_97 : f32 to vector<16xf32>
        %gt3A_99 = arith.cmpf ogt, %add3A_96, %gt3A_98 : vector<16xf32>
        %mul3A_100 = arith.constant 2.000000e-01 : f32
        %mul3A_101 = vector.broadcast %mul3A_100 : f32 to vector<16xf32>
        %mul3A_102 = arith.mulf %add3A_96, %mul3A_101 : vector<16xf32>
        %select_n3A_103 = arith.select %gt3A_99, %add3A_96, %mul3A_102 : vector<16xi1>, vector<16xf32>
        %exp3A_104 = math.exp %select_n3A_103 : vector<16xf32>
        %add3A_105 = vector.broadcast %mul3A_83 : i32 to vector<16xi32>
        %add3A_106 = arith.addi %add3A_105, %iota3A : vector<16xi32>
        tpu.vector_store_idx %arg10[%add3A_106, %broadcast_in_dim3A_38], %exp3A : memref<128x34xf32, #tpu.memory_space<vmem>>[vector<16xi32>, vector<16xi32>], vector<16xf32>,
        tpu.vector_store_idx %arg10[%add3A_106, %broadcast_in_dim3A_40], %exp3A_104 : memref<128x34xf32, #tpu.memory_space<vmem>>[vector<16xi32>, vector<16xi32>], vector<16xf32>,
        %broadcast_in_dim3A_107 = arith.constant 0 : i32
        %broadcast_in_dim3A_108 = vector.broadcast %broadcast_in_dim3A_107 : i32 to vector<16xi32>
        %broadcast_in_dim3A_109 = arith.constant 16 : i32
        %broadcast_in_dim3A_110 = vector.broadcast %broadcast_in_dim3A_109 : i32 to vector<16xi32>
        %gather3A_111 = tpu.vector_load_idx %arg9[%add3A_106, %broadcast_in_dim3A_108] : memref<128x32xf32, #tpu.memory_space<vmem>>[vector<16xi32>, vector<16xi32>], vector<16xf32>,
        %gather3A_112 = tpu.vector_load_idx %arg9[%add3A_106, %broadcast_in_dim3A_110] : memref<128x32xf32, #tpu.memory_space<vmem>>[vector<16xi32>, vector<16xi32>], vector<16xf32>,
        %mul3A_113 = arith.mulf %exp3A, %gather3A_111 : vector<16xf32>
        tpu.vector_store_idx %arg10[%add3A_106, %broadcast_in_dim3A_108], %mul3A_113 : memref<128x34xf32, #tpu.memory_space<vmem>>[vector<16xi32>, vector<16xi32>], vector<16xf32>,
        %mul3A_114 = arith.mulf %exp3A_104, %gather3A_112 : vector<16xf32>
        tpu.vector_store_idx %arg10[%add3A_106, %broadcast_in_dim3A_110], %mul3A_114 : memref<128x34xf32, #tpu.memory_space<vmem>>[vector<16xi32>, vector<16xi32>], vector<16xf32>,
        %broadcast_in_dim3A_115 = arith.constant 1 : i32
        %broadcast_in_dim3A_116 = vector.broadcast %broadcast_in_dim3A_115 : i32 to vector<16xi32>
        %broadcast_in_dim3A_117 = arith.constant 17 : i32
        %broadcast_in_dim3A_118 = vector.broadcast %broadcast_in_dim3A_117 : i32 to vector<16xi32>
        %gather3A_119 = tpu.vector_load_idx %arg9[%add3A_106, %broadcast_in_dim3A_116] : memref<128x32xf32, #tpu.memory_space<vmem>>[vector<16xi32>, vector<16xi32>], vector<16xf32>,
        %gather3A_120 = tpu.vector_load_idx %arg9[%add3A_106, %broadcast_in_dim3A_118] : memref<128x32xf32, #tpu.memory_space<vmem>>[vector<16xi32>, vector<16xi32>], vector<16xf32>,
        %mul3A_121 = arith.mulf %exp3A, %gather3A_119 : vector<16xf32>
        tpu.vector_store_idx %arg10[%add3A_106, %broadcast_in_dim3A_116], %mul3A_121 : memref<128x34xf32, #tpu.memory_space<vmem>>[vector<16xi32>, vector<16xi32>], vector<16xf32>,
        %mul3A_122 = arith.mulf %exp3A_104, %gather3A_120 : vector<16xf32>
        tpu.vector_store_idx %arg10[%add3A_106, %broadcast_in_dim3A_118], %mul3A_122 : memref<128x34xf32, #tpu.memory_space<vmem>>[vector<16xi32>, vector<16xi32>], vector<16xf32>,
        %broadcast_in_dim3A_123 = arith.constant 2 : i32
        %broadcast_in_dim3A_124 = vector.broadcast %broadcast_in_dim3A_123 : i32 to vector<16xi32>
        %broadcast_in_dim3A_125 = arith.constant 18 : i32
        %broadcast_in_dim3A_126 = vector.broadcast %broadcast_in_dim3A_125 : i32 to vector<16xi32>
        %gather3A_127 = tpu.vector_load_idx %arg9[%add3A_106, %broadcast_in_dim3A_124] : memref<128x32xf32, #tpu.memory_space<vmem>>[vector<16xi32>, vector<16xi32>], vector<16xf32>,
        %gather3A_128 = tpu.vector_load_idx %arg9[%add3A_106, %broadcast_in_dim3A_126] : memref<128x32xf32, #tpu.memory_space<vmem>>[vector<16xi32>, vector<16xi32>], vector<16xf32>,
        %mul3A_129 = arith.mulf %exp3A, %gather3A_127 : vector<16xf32>
        tpu.vector_store_idx %arg10[%add3A_106, %broadcast_in_dim3A_124], %mul3A_129 : memref<128x34xf32, #tpu.memory_space<vmem>>[vector<16xi32>, vector<16xi32>], vector<16xf32>,
        %mul3A_130 = arith.mulf %exp3A_104, %gather3A_128 : vector<16xf32>
        tpu.vector_store_idx %arg10[%add3A_106, %broadcast_in_dim3A_126], %mul3A_130 : memref<128x34xf32, #tpu.memory_space<vmem>>[vector<16xi32>, vector<16xi32>], vector<16xf32>,
        %broadcast_in_dim3A_131 = arith.constant 3 : i32
        %broadcast_in_dim3A_132 = vector.broadcast %broadcast_in_dim3A_131 : i32 to vector<16xi32>
        %broadcast_in_dim3A_133 = arith.constant 19 : i32
        %broadcast_in_dim3A_134 = vector.broadcast %broadcast_in_dim3A_133 : i32 to vector<16xi32>
        %gather3A_135 = tpu.vector_load_idx %arg9[%add3A_106, %broadcast_in_dim3A_132] : memref<128x32xf32, #tpu.memory_space<vmem>>[vector<16xi32>, vector<16xi32>], vector<16xf32>,
        %gather3A_136 = tpu.vector_load_idx %arg9[%add3A_106, %broadcast_in_dim3A_134] : memref<128x32xf32, #tpu.memory_space<vmem>>[vector<16xi32>, vector<16xi32>], vector<16xf32>,
        %mul3A_137 = arith.mulf %exp3A, %gather3A_135 : vector<16xf32>
        tpu.vector_store_idx %arg10[%add3A_106, %broadcast_in_dim3A_132], %mul3A_137 : memref<128x34xf32, #tpu.memory_space<vmem>>[vector<16xi32>, vector<16xi32>], vector<16xf32>,
        %mul3A_138 = arith.mulf %exp3A_104, %gather3A_136 : vector<16xf32>
        tpu.vector_store_idx %arg10[%add3A_106, %broadcast_in_dim3A_134], %mul3A_138 : memref<128x34xf32, #tpu.memory_space<vmem>>[vector<16xi32>, vector<16xi32>], vector<16xf32>,
        %broadcast_in_dim3A_139 = arith.constant 4 : i32
        %broadcast_in_dim3A_140 = vector.broadcast %broadcast_in_dim3A_139 : i32 to vector<16xi32>
        %broadcast_in_dim3A_141 = arith.constant 20 : i32
        %broadcast_in_dim3A_142 = vector.broadcast %broadcast_in_dim3A_141 : i32 to vector<16xi32>
        %gather3A_143 = tpu.vector_load_idx %arg9[%add3A_106, %broadcast_in_dim3A_140] : memref<128x32xf32, #tpu.memory_space<vmem>>[vector<16xi32>, vector<16xi32>], vector<16xf32>,
        %gather3A_144 = tpu.vector_load_idx %arg9[%add3A_106, %broadcast_in_dim3A_142] : memref<128x32xf32, #tpu.memory_space<vmem>>[vector<16xi32>, vector<16xi32>], vector<16xf32>,
        %mul3A_145 = arith.mulf %exp3A, %gather3A_143 : vector<16xf32>
        tpu.vector_store_idx %arg10[%add3A_106, %broadcast_in_dim3A_140], %mul3A_145 : memref<128x34xf32, #tpu.memory_space<vmem>>[vector<16xi32>, vector<16xi32>], vector<16xf32>,
        %mul3A_146 = arith.mulf %exp3A_104, %gather3A_144 : vector<16xf32>
        tpu.vector_store_idx %arg10[%add3A_106, %broadcast_in_dim3A_142], %mul3A_146 : memref<128x34xf32, #tpu.memory_space<vmem>>[vector<16xi32>, vector<16xi32>], vector<16xf32>,
        %broadcast_in_dim3A_147 = arith.constant 5 : i32
        %broadcast_in_dim3A_148 = vector.broadcast %broadcast_in_dim3A_147 : i32 to vector<16xi32>
        %broadcast_in_dim3A_149 = arith.constant 21 : i32
        %broadcast_in_dim3A_150 = vector.broadcast %broadcast_in_dim3A_149 : i32 to vector<16xi32>
        %gather3A_151 = tpu.vector_load_idx %arg9[%add3A_106, %broadcast_in_dim3A_148] : memref<128x32xf32, #tpu.memory_space<vmem>>[vector<16xi32>, vector<16xi32>], vector<16xf32>,
        %gather3A_152 = tpu.vector_load_idx %arg9[%add3A_106, %broadcast_in_dim3A_150] : memref<128x32xf32, #tpu.memory_space<vmem>>[vector<16xi32>, vector<16xi32>], vector<16xf32>,
        %mul3A_153 = arith.mulf %exp3A, %gather3A_151 : vector<16xf32>
        tpu.vector_store_idx %arg10[%add3A_106, %broadcast_in_dim3A_148], %mul3A_153 : memref<128x34xf32, #tpu.memory_space<vmem>>[vector<16xi32>, vector<16xi32>], vector<16xf32>,
        %mul3A_154 = arith.mulf %exp3A_104, %gather3A_152 : vector<16xf32>
        tpu.vector_store_idx %arg10[%add3A_106, %broadcast_in_dim3A_150], %mul3A_154 : memref<128x34xf32, #tpu.memory_space<vmem>>[vector<16xi32>, vector<16xi32>], vector<16xf32>,
        %broadcast_in_dim3A_155 = arith.constant 6 : i32
        %broadcast_in_dim3A_156 = vector.broadcast %broadcast_in_dim3A_155 : i32 to vector<16xi32>
        %broadcast_in_dim3A_157 = arith.constant 22 : i32
        %broadcast_in_dim3A_158 = vector.broadcast %broadcast_in_dim3A_157 : i32 to vector<16xi32>
        %gather3A_159 = tpu.vector_load_idx %arg9[%add3A_106, %broadcast_in_dim3A_156] : memref<128x32xf32, #tpu.memory_space<vmem>>[vector<16xi32>, vector<16xi32>], vector<16xf32>,
        %gather3A_160 = tpu.vector_load_idx %arg9[%add3A_106, %broadcast_in_dim3A_158] : memref<128x32xf32, #tpu.memory_space<vmem>>[vector<16xi32>, vector<16xi32>], vector<16xf32>,
        %mul3A_161 = arith.mulf %exp3A, %gather3A_159 : vector<16xf32>
        tpu.vector_store_idx %arg10[%add3A_106, %broadcast_in_dim3A_156], %mul3A_161 : memref<128x34xf32, #tpu.memory_space<vmem>>[vector<16xi32>, vector<16xi32>], vector<16xf32>,
        %mul3A_162 = arith.mulf %exp3A_104, %gather3A_160 : vector<16xf32>
        tpu.vector_store_idx %arg10[%add3A_106, %broadcast_in_dim3A_158], %mul3A_162 : memref<128x34xf32, #tpu.memory_space<vmem>>[vector<16xi32>, vector<16xi32>], vector<16xf32>,
        %broadcast_in_dim3A_163 = arith.constant 7 : i32
        %broadcast_in_dim3A_164 = vector.broadcast %broadcast_in_dim3A_163 : i32 to vector<16xi32>
        %broadcast_in_dim3A_165 = arith.constant 23 : i32
        %broadcast_in_dim3A_166 = vector.broadcast %broadcast_in_dim3A_165 : i32 to vector<16xi32>
        %gather3A_167 = tpu.vector_load_idx %arg9[%add3A_106, %broadcast_in_dim3A_164] : memref<128x32xf32, #tpu.memory_space<vmem>>[vector<16xi32>, vector<16xi32>], vector<16xf32>,
        %gather3A_168 = tpu.vector_load_idx %arg9[%add3A_106, %broadcast_in_dim3A_166] : memref<128x32xf32, #tpu.memory_space<vmem>>[vector<16xi32>, vector<16xi32>], vector<16xf32>,
        %mul3A_169 = arith.mulf %exp3A, %gather3A_167 : vector<16xf32>
        tpu.vector_store_idx %arg10[%add3A_106, %broadcast_in_dim3A_164], %mul3A_169 : memref<128x34xf32, #tpu.memory_space<vmem>>[vector<16xi32>, vector<16xi32>], vector<16xf32>,
        %mul3A_170 = arith.mulf %exp3A_104, %gather3A_168 : vector<16xf32>
        tpu.vector_store_idx %arg10[%add3A_106, %broadcast_in_dim3A_166], %mul3A_170 : memref<128x34xf32, #tpu.memory_space<vmem>>[vector<16xi32>, vector<16xi32>], vector<16xf32>,
        %broadcast_in_dim3A_171 = arith.constant 8 : i32
        %broadcast_in_dim3A_172 = vector.broadcast %broadcast_in_dim3A_171 : i32 to vector<16xi32>
        %broadcast_in_dim3A_173 = arith.constant 24 : i32
        %broadcast_in_dim3A_174 = vector.broadcast %broadcast_in_dim3A_173 : i32 to vector<16xi32>
        %gather3A_175 = tpu.vector_load_idx %arg9[%add3A_106, %broadcast_in_dim3A_172] : memref<128x32xf32, #tpu.memory_space<vmem>>[vector<16xi32>, vector<16xi32>], vector<16xf32>,
        %gather3A_176 = tpu.vector_load_idx %arg9[%add3A_106, %broadcast_in_dim3A_174] : memref<128x32xf32, #tpu.memory_space<vmem>>[vector<16xi32>, vector<16xi32>], vector<16xf32>,
        %mul3A_177 = arith.mulf %exp3A, %gather3A_175 : vector<16xf32>
        tpu.vector_store_idx %arg10[%add3A_106, %broadcast_in_dim3A_172], %mul3A_177 : memref<128x34xf32, #tpu.memory_space<vmem>>[vector<16xi32>, vector<16xi32>], vector<16xf32>,
        %mul3A_178 = arith.mulf %exp3A_104, %gather3A_176 : vector<16xf32>
        tpu.vector_store_idx %arg10[%add3A_106, %broadcast_in_dim3A_174], %mul3A_178 : memref<128x34xf32, #tpu.memory_space<vmem>>[vector<16xi32>, vector<16xi32>], vector<16xf32>,
        %broadcast_in_dim3A_179 = arith.constant 9 : i32
        %broadcast_in_dim3A_180 = vector.broadcast %broadcast_in_dim3A_179 : i32 to vector<16xi32>
        %broadcast_in_dim3A_181 = arith.constant 25 : i32
        %broadcast_in_dim3A_182 = vector.broadcast %broadcast_in_dim3A_181 : i32 to vector<16xi32>
        %gather3A_183 = tpu.vector_load_idx %arg9[%add3A_106, %broadcast_in_dim3A_180] : memref<128x32xf32, #tpu.memory_space<vmem>>[vector<16xi32>, vector<16xi32>], vector<16xf32>,
        %gather3A_184 = tpu.vector_load_idx %arg9[%add3A_106, %broadcast_in_dim3A_182] : memref<128x32xf32, #tpu.memory_space<vmem>>[vector<16xi32>, vector<16xi32>], vector<16xf32>,
        %mul3A_185 = arith.mulf %exp3A, %gather3A_183 : vector<16xf32>
        tpu.vector_store_idx %arg10[%add3A_106, %broadcast_in_dim3A_180], %mul3A_185 : memref<128x34xf32, #tpu.memory_space<vmem>>[vector<16xi32>, vector<16xi32>], vector<16xf32>,
        %mul3A_186 = arith.mulf %exp3A_104, %gather3A_184 : vector<16xf32>
        tpu.vector_store_idx %arg10[%add3A_106, %broadcast_in_dim3A_182], %mul3A_186 : memref<128x34xf32, #tpu.memory_space<vmem>>[vector<16xi32>, vector<16xi32>], vector<16xf32>,
        %broadcast_in_dim3A_187 = arith.constant 10 : i32
        %broadcast_in_dim3A_188 = vector.broadcast %broadcast_in_dim3A_187 : i32 to vector<16xi32>
        %broadcast_in_dim3A_189 = arith.constant 26 : i32
        %broadcast_in_dim3A_190 = vector.broadcast %broadcast_in_dim3A_189 : i32 to vector<16xi32>
        %gather3A_191 = tpu.vector_load_idx %arg9[%add3A_106, %broadcast_in_dim3A_188] : memref<128x32xf32, #tpu.memory_space<vmem>>[vector<16xi32>, vector<16xi32>], vector<16xf32>,
        %gather3A_192 = tpu.vector_load_idx %arg9[%add3A_106, %broadcast_in_dim3A_190] : memref<128x32xf32, #tpu.memory_space<vmem>>[vector<16xi32>, vector<16xi32>], vector<16xf32>,
        %mul3A_193 = arith.mulf %exp3A, %gather3A_191 : vector<16xf32>
        tpu.vector_store_idx %arg10[%add3A_106, %broadcast_in_dim3A_188], %mul3A_193 : memref<128x34xf32, #tpu.memory_space<vmem>>[vector<16xi32>, vector<16xi32>], vector<16xf32>,
        %mul3A_194 = arith.mulf %exp3A_104, %gather3A_192 : vector<16xf32>
        tpu.vector_store_idx %arg10[%add3A_106, %broadcast_in_dim3A_190], %mul3A_194 : memref<128x34xf32, #tpu.memory_space<vmem>>[vector<16xi32>, vector<16xi32>], vector<16xf32>,
        %broadcast_in_dim3A_195 = arith.constant 11 : i32
        %broadcast_in_dim3A_196 = vector.broadcast %broadcast_in_dim3A_195 : i32 to vector<16xi32>
        %broadcast_in_dim3A_197 = arith.constant 27 : i32
        %broadcast_in_dim3A_198 = vector.broadcast %broadcast_in_dim3A_197 : i32 to vector<16xi32>
        %gather3A_199 = tpu.vector_load_idx %arg9[%add3A_106, %broadcast_in_dim3A_196] : memref<128x32xf32, #tpu.memory_space<vmem>>[vector<16xi32>, vector<16xi32>], vector<16xf32>,
        %gather3A_200 = tpu.vector_load_idx %arg9[%add3A_106, %broadcast_in_dim3A_198] : memref<128x32xf32, #tpu.memory_space<vmem>>[vector<16xi32>, vector<16xi32>], vector<16xf32>,
        %mul3A_201 = arith.mulf %exp3A, %gather3A_199 : vector<16xf32>
        tpu.vector_store_idx %arg10[%add3A_106, %broadcast_in_dim3A_196], %mul3A_201 : memref<128x34xf32, #tpu.memory_space<vmem>>[vector<16xi32>, vector<16xi32>], vector<16xf32>,
        %mul3A_202 = arith.mulf %exp3A_104, %gather3A_200 : vector<16xf32>
        tpu.vector_store_idx %arg10[%add3A_106, %broadcast_in_dim3A_198], %mul3A_202 : memref<128x34xf32, #tpu.memory_space<vmem>>[vector<16xi32>, vector<16xi32>], vector<16xf32>,
        %broadcast_in_dim3A_203 = arith.constant 12 : i32
        %broadcast_in_dim3A_204 = vector.broadcast %broadcast_in_dim3A_203 : i32 to vector<16xi32>
        %broadcast_in_dim3A_205 = arith.constant 28 : i32
        %broadcast_in_dim3A_206 = vector.broadcast %broadcast_in_dim3A_205 : i32 to vector<16xi32>
        %gather3A_207 = tpu.vector_load_idx %arg9[%add3A_106, %broadcast_in_dim3A_204] : memref<128x32xf32, #tpu.memory_space<vmem>>[vector<16xi32>, vector<16xi32>], vector<16xf32>,
        %gather3A_208 = tpu.vector_load_idx %arg9[%add3A_106, %broadcast_in_dim3A_206] : memref<128x32xf32, #tpu.memory_space<vmem>>[vector<16xi32>, vector<16xi32>], vector<16xf32>,
        %mul3A_209 = arith.mulf %exp3A, %gather3A_207 : vector<16xf32>
        tpu.vector_store_idx %arg10[%add3A_106, %broadcast_in_dim3A_204], %mul3A_209 : memref<128x34xf32, #tpu.memory_space<vmem>>[vector<16xi32>, vector<16xi32>], vector<16xf32>,
        %mul3A_210 = arith.mulf %exp3A_104, %gather3A_208 : vector<16xf32>
        tpu.vector_store_idx %arg10[%add3A_106, %broadcast_in_dim3A_206], %mul3A_210 : memref<128x34xf32, #tpu.memory_space<vmem>>[vector<16xi32>, vector<16xi32>], vector<16xf32>,
        %broadcast_in_dim3A_211 = arith.constant 13 : i32
        %broadcast_in_dim3A_212 = vector.broadcast %broadcast_in_dim3A_211 : i32 to vector<16xi32>
        %broadcast_in_dim3A_213 = arith.constant 29 : i32
        %broadcast_in_dim3A_214 = vector.broadcast %broadcast_in_dim3A_213 : i32 to vector<16xi32>
        %gather3A_215 = tpu.vector_load_idx %arg9[%add3A_106, %broadcast_in_dim3A_212] : memref<128x32xf32, #tpu.memory_space<vmem>>[vector<16xi32>, vector<16xi32>], vector<16xf32>,
        %gather3A_216 = tpu.vector_load_idx %arg9[%add3A_106, %broadcast_in_dim3A_214] : memref<128x32xf32, #tpu.memory_space<vmem>>[vector<16xi32>, vector<16xi32>], vector<16xf32>,
        %mul3A_217 = arith.mulf %exp3A, %gather3A_215 : vector<16xf32>
        tpu.vector_store_idx %arg10[%add3A_106, %broadcast_in_dim3A_212], %mul3A_217 : memref<128x34xf32, #tpu.memory_space<vmem>>[vector<16xi32>, vector<16xi32>], vector<16xf32>,
        %mul3A_218 = arith.mulf %exp3A_104, %gather3A_216 : vector<16xf32>
        tpu.vector_store_idx %arg10[%add3A_106, %broadcast_in_dim3A_214], %mul3A_218 : memref<128x34xf32, #tpu.memory_space<vmem>>[vector<16xi32>, vector<16xi32>], vector<16xf32>,
        %broadcast_in_dim3A_219 = arith.constant 14 : i32
        %broadcast_in_dim3A_220 = vector.broadcast %broadcast_in_dim3A_219 : i32 to vector<16xi32>
        %broadcast_in_dim3A_221 = arith.constant 30 : i32
        %broadcast_in_dim3A_222 = vector.broadcast %broadcast_in_dim3A_221 : i32 to vector<16xi32>
        %gather3A_223 = tpu.vector_load_idx %arg9[%add3A_106, %broadcast_in_dim3A_220] : memref<128x32xf32, #tpu.memory_space<vmem>>[vector<16xi32>, vector<16xi32>], vector<16xf32>,
        %gather3A_224 = tpu.vector_load_idx %arg9[%add3A_106, %broadcast_in_dim3A_222] : memref<128x32xf32, #tpu.memory_space<vmem>>[vector<16xi32>, vector<16xi32>], vector<16xf32>,
        %mul3A_225 = arith.mulf %exp3A, %gather3A_223 : vector<16xf32>
        tpu.vector_store_idx %arg10[%add3A_106, %broadcast_in_dim3A_220], %mul3A_225 : memref<128x34xf32, #tpu.memory_space<vmem>>[vector<16xi32>, vector<16xi32>], vector<16xf32>,
        %mul3A_226 = arith.mulf %exp3A_104, %gather3A_224 : vector<16xf32>
        tpu.vector_store_idx %arg10[%add3A_106, %broadcast_in_dim3A_222], %mul3A_226 : memref<128x34xf32, #tpu.memory_space<vmem>>[vector<16xi32>, vector<16xi32>], vector<16xf32>,
        %broadcast_in_dim3A_227 = arith.constant 15 : i32
        %broadcast_in_dim3A_228 = vector.broadcast %broadcast_in_dim3A_227 : i32 to vector<16xi32>
        %broadcast_in_dim3A_229 = arith.constant 31 : i32
        %broadcast_in_dim3A_230 = vector.broadcast %broadcast_in_dim3A_229 : i32 to vector<16xi32>
        %gather3A_231 = tpu.vector_load_idx %arg9[%add3A_106, %broadcast_in_dim3A_228] : memref<128x32xf32, #tpu.memory_space<vmem>>[vector<16xi32>, vector<16xi32>], vector<16xf32>,
        %gather3A_232 = tpu.vector_load_idx %arg9[%add3A_106, %broadcast_in_dim3A_230] : memref<128x32xf32, #tpu.memory_space<vmem>>[vector<16xi32>, vector<16xi32>], vector<16xf32>,
        %mul3A_233 = arith.mulf %exp3A, %gather3A_231 : vector<16xf32>
        tpu.vector_store_idx %arg10[%add3A_106, %broadcast_in_dim3A_228], %mul3A_233 : memref<128x34xf32, #tpu.memory_space<vmem>>[vector<16xi32>, vector<16xi32>], vector<16xf32>,
        %mul3A_234 = arith.mulf %exp3A_104, %gather3A_232 : vector<16xf32>
        tpu.vector_store_idx %arg10[%add3A_106, %broadcast_in_dim3A_230], %mul3A_234 : memref<128x34xf32, #tpu.memory_space<vmem>>[vector<16xi32>, vector<16xi32>], vector<16xf32>,
      }
      %scan3A_80 = arith.constant 8 : i32
      "tpu.region"() ({
        %run_scoped3A = tpu.sem_alloc : memref<!tpu.dma_semaphore, #tpu.memory_space<semaphore_mem>>
        %dma_start3A_81 = arith.constant 0 : i32
        %dma_start3A_82 = arith.constant 0 : i32
        %dma_start3A_83 = tpu.memref_slice %arg16[%dma_start3A_81, %dma_start3A_82] : memref<10000x34xf32, #tpu.memory_space<vmem_shared>> -> memref<10000x34xf32, #tpu.memory_space<vmem_shared>>
        tpu.enqueue_indirect_dma source(%arg10 : memref<128x34xf32, #tpu.memory_space<vmem>>) target(%dma_start3A_83 : memref<10000x34xf32, #tpu.memory_space<vmem_shared>>) offsets(%arg8 : memref<128xi32, #tpu.memory_space<vmem>>) semaphore(%run_scoped3A : memref<!tpu.dma_semaphore, #tpu.memory_space<semaphore_mem>>) {add = true}
        %dma_wait3A_84 = arith.constant 0 : i32
        %dma_wait3A_85 = arith.constant 0 : i32
        %dma_wait3A_86 = tpu.memref_slice %arg16[%dma_wait3A_84, %dma_wait3A_85] : memref<10000x34xf32, #tpu.memory_space<vmem_shared>> -> memref<10000x34xf32, #tpu.memory_space<vmem_shared>>
        tpu.wait_indirect_dma semaphore(%run_scoped3A : memref<!tpu.dma_semaphore, #tpu.memory_space<semaphore_mem>>) src(%arg10 : memref<128x34xf32, #tpu.memory_space<vmem>>) dst(%dma_wait3A_86 : memref<10000x34xf32, #tpu.memory_space<vmem_shared>>)
        tpu.yield
      }) : () -> ()
    } else {
    }
    %barrier3A_56 = arith.constant 0 : index
    tpu.barrier barrier_id(%barrier3A_56)
    %mul3A_57 = arith.constant 624 : i32
    %mul3A_58 = arith.muli %arg1, %mul3A_57 : i32
    %mul3A_59 = arith.constant 624 : i32
    %mul3A_60 = arith.muli %arg1, %mul3A_59 : i32
    "tpu.region"() ({
      %run_scoped3A = tpu.sem_alloc : memref<!tpu.dma_semaphore, #tpu.memory_space<semaphore_mem>>
      %dma_start3A = arith.constant 0 : i32
      %dma_start3A_66 = tpu.memref_slice %arg6[%arg0, %mul3A_60, %dma_start3A] : memref<2x10000x34xf32, #tpu.memory_space<hbm>> -> memref<1x624x34xf32, #tpu.memory_space<hbm>>
      %dma_start3A_67 = tpu.memref_squeeze %dma_start3A_66 : memref<1x624x34xf32, #tpu.memory_space<hbm>> -> memref<624x34xf32, #tpu.memory_space<hbm>>
      %dma_start3A_68 = arith.constant 0 : i32
      %dma_start3A_69 = tpu.memref_slice %arg16[%mul3A_58, %dma_start3A_68] : memref<10000x34xf32, #tpu.memory_space<vmem_shared>> -> memref<624x34xf32, #tpu.memory_space<vmem_shared>>
      tpu.enqueue_dma source(%dma_start3A_69 : memref<624x34xf32, #tpu.memory_space<vmem_shared>>) target(%dma_start3A_67 : memref<624x34xf32, #tpu.memory_space<hbm>>) target_semaphore(%run_scoped3A : memref<!tpu.dma_semaphore, #tpu.memory_space<semaphore_mem>>)
      %dma_wait3A_70 = arith.constant 0 : i32
      %dma_wait3A_71 = tpu.memref_slice %arg6[%arg0, %mul3A_60, %dma_wait3A_70] : memref<2x10000x34xf32, #tpu.memory_space<hbm>> -> memref<1x624x34xf32, #tpu.memory_space<hbm>>
      %dma_wait3A_72 = tpu.memref_squeeze %dma_wait3A_71 : memref<1x624x34xf32, #tpu.memory_space<hbm>> -> memref<624x34xf32, #tpu.memory_space<hbm>>
      %dma_wait3A_73 = arith.constant 0 : i32
      %dma_wait3A_74 = tpu.memref_slice %arg16[%mul3A_58, %dma_wait3A_73] : memref<10000x34xf32, #tpu.memory_space<vmem_shared>> -> memref<624x34xf32, #tpu.memory_space<vmem_shared>>
      tpu.wait_dma2 semaphore(%run_scoped3A : memref<!tpu.dma_semaphore, #tpu.memory_space<semaphore_mem>>) src(%dma_wait3A_74 : memref<624x34xf32, #tpu.memory_space<vmem_shared>>) dst(%dma_wait3A_72 : memref<624x34xf32, #tpu.memory_space<hbm>>)
      tpu.yield
    }) : () -> ()
    %eq3A_61 = arith.constant 15 : i32
    %eq3A_62 = arith.cmpi eq, %arg1, %eq3A_61 : i32
    %convert_element_type3A_63 = arith.extui %eq3A_62 : i1 to i32
    %cond3A_64 = arith.constant 0 : i32
    %cond3A_65 = arith.cmpi ne, %convert_element_type3A_63, %cond3A_64 : i32
    scf.if %cond3A_65 {
      "tpu.region"() ({
        %run_scoped3A = tpu.sem_alloc : memref<!tpu.dma_semaphore, #tpu.memory_space<semaphore_mem>>
        %dma_start3A = arith.constant 9984 : i32
        %dma_start3A_66 = arith.constant 0 : i32
        %dma_start3A_67 = tpu.memref_slice %arg6[%arg0, %dma_start3A, %dma_start3A_66] : memref<2x10000x34xf32, #tpu.memory_space<hbm>> -> memref<1x16x34xf32, #tpu.memory_space<hbm>>
        %dma_start3A_68 = tpu.memref_squeeze %dma_start3A_67 : memref<1x16x34xf32, #tpu.memory_space<hbm>> -> memref<16x34xf32, #tpu.memory_space<hbm>>
        %dma_start3A_69 = arith.constant 9984 : i32
        %dma_start3A_70 = arith.constant 0 : i32
        %dma_start3A_71 = tpu.memref_slice %arg16[%dma_start3A_69, %dma_start3A_70] : memref<10000x34xf32, #tpu.memory_space<vmem_shared>> -> memref<16x34xf32, #tpu.memory_space<vmem_shared>>
        tpu.enqueue_dma source(%dma_start3A_71 : memref<16x34xf32, #tpu.memory_space<vmem_shared>>) target(%dma_start3A_68 : memref<16x34xf32, #tpu.memory_space<hbm>>) target_semaphore(%run_scoped3A : memref<!tpu.dma_semaphore, #tpu.memory_space<semaphore_mem>>)
        %dma_wait3A_72 = arith.constant 9984 : i32
        %dma_wait3A_73 = arith.constant 0 : i32
        %dma_wait3A_74 = tpu.memref_slice %arg6[%arg0, %dma_wait3A_72, %dma_wait3A_73] : memref<2x10000x34xf32, #tpu.memory_space<hbm>> -> memref<1x16x34xf32, #tpu.memory_space<hbm>>
        %dma_wait3A_75 = tpu.memref_squeeze %dma_wait3A_74 : memref<1x16x34xf32, #tpu.memory_space<hbm>> -> memref<16x34xf32, #tpu.memory_space<hbm>>
        %dma_wait3A_76 = arith.constant 9984 : i32
        %dma_wait3A_77 = arith.constant 0 : i32
        %dma_wait3A_78 = tpu.memref_slice %arg16[%dma_wait3A_76, %dma_wait3A_77] : memref<10000x34xf32, #tpu.memory_space<vmem_shared>> -> memref<16x34xf32, #tpu.memory_space<vmem_shared>>
        tpu.wait_dma2 semaphore(%run_scoped3A : memref<!tpu.dma_semaphore, #tpu.memory_space<semaphore_mem>>) src(%dma_wait3A_78 : memref<16x34xf32, #tpu.memory_space<vmem_shared>>) dst(%dma_wait3A_75 : memref<16x34xf32, #tpu.memory_space<hbm>>)
        tpu.yield
      }) : () -> ()
    } else {
    }
    return
  }
}

#map = affine_map<(d0, d1) -> (0)>
#map1 = affine_map<(d0, d1) -> (0, 0)>
#map2 = affine_map<(d0, d1) -> (0, 0, 0)>
module attributes {stable_mosaic.version = 14 : i64} {
  func.func @_sc2(%arg0: i32, %arg1: i32, %arg2: memref<320000xi32, #tpu.memory_space<hbm>>, %arg3: memref<320000xi32, #tpu.memory_space<hbm>>, %arg4: memref<10000x4xf32, #tpu.memory_space<hbm>>, %arg5: memref<2x10000x8xf32, #tpu.memory_space<hbm>>, %arg6: memref<128xi32, #tpu.memory_space<vmem>>, %arg7: memref<128xi32, #tpu.memory_space<vmem>>, %arg8: memref<128x8xf32, #tpu.memory_space<vmem>>, %arg9: memref<10000x4xf32, #tpu.memory_space<vmem>>, %arg10: memref<10000x8xf32, #tpu.memory_space<vmem_shared>>, %arg11: memref<!tpu.dma_semaphore, #tpu.memory_space<semaphore_mem>>) attributes {dimension_semantics = [#tpu.dimension_semantics<core_parallel>, #tpu.dimension_semantics<subcore_parallel>], iteration_bounds = array<i64: 2, 16>, scalar_prefetch = 0 : i64, scratch_operands = 6 : i64, tpu.core_type = #tpu.core_type<sc_vector_subcore>, window_params = [{transform_indices = #map}, {transform_indices = #map}, {transform_indices = #map1}, {transform_indices = #map2}]} {
    %mul3A = arith.constant 2 : i32
    %mul3A_0 = arith.muli %arg1, %mul3A : i32
    %add3A = arith.addi %mul3A_0, %arg0 : i32
    %iota3A = tpu.iota {dimensions = array<i32: 0>} : vector<16xi32>
    %broadcast_in_dim3A = arith.constant 0.000000e+00 : f32
    %broadcast_in_dim3A_1 = vector.broadcast %broadcast_in_dim3A : f32 to vector<16xf32>
    "tpu.region"() ({
      %run_scoped3A = tpu.sem_alloc : memref<!tpu.dma_semaphore, #tpu.memory_space<semaphore_mem>>
      tpu.enqueue_dma source(%arg4 : memref<10000x4xf32, #tpu.memory_space<hbm>>) target(%arg9 : memref<10000x4xf32, #tpu.memory_space<vmem>>) target_semaphore(%run_scoped3A : memref<!tpu.dma_semaphore, #tpu.memory_space<semaphore_mem>>)
      tpu.wait_dma2 semaphore(%run_scoped3A : memref<!tpu.dma_semaphore, #tpu.memory_space<semaphore_mem>>) src(%arg4 : memref<10000x4xf32, #tpu.memory_space<hbm>>) dst(%arg9 : memref<10000x4xf32, #tpu.memory_space<vmem>>)
      tpu.yield
    }) : () -> ()
    %scan3A = arith.constant 0 : i32
    %scan3A_2 = arith.constant 0 : i32
    %scan3A_3 = arith.constant 64 : i32
    %scan3A_4 = arith.addi %scan3A_2, %scan3A_3 : i32
    %scan3A_5 = arith.constant 1 : i32
    scf.for %scan3A_63 = %scan3A_2 to %scan3A_4 step %scan3A_5  : i32 {
      %mul3A_64 = arith.constant 16 : i32
      %mul3A_65 = arith.muli %scan3A_63, %mul3A_64 : i32
      %add3A_66 = vector.broadcast %mul3A_65 : i32 to vector<16xi32>
      %add3A_67 = arith.addi %add3A_66, %iota3A : vector<16xi32>
      %shift_right_logical3A = arith.constant 3 : i32
      %shift_right_logical3A_68 = vector.broadcast %shift_right_logical3A : i32 to vector<16xi32>
      %shift_right_logical3A_69 = arith.shrui %add3A_67, %shift_right_logical3A_68 : vector<16xi32>
      %and3A = arith.constant 7 : i32
      %and3A_70 = vector.broadcast %and3A : i32 to vector<16xi32>
      %and3A_71 = arith.andi %add3A_67, %and3A_70 : vector<16xi32>
      tpu.vector_store_idx %arg8[%shift_right_logical3A_69, %and3A_71], %broadcast_in_dim3A_1 : memref<128x8xf32, #tpu.memory_space<vmem>>[vector<16xi32>, vector<16xi32>], vector<16xf32>,
    }
    %scan3A_6 = arith.constant 64 : i32
    %mul3A_7 = arith.constant 624 : i32
    %mul3A_8 = arith.muli %arg1, %mul3A_7 : i32
    %add3A_9 = arith.constant 0 : i32
    %add3A_10 = arith.addi %mul3A_8, %add3A_9 : i32
    "tpu.region"() ({
      %run_scoped3A = tpu.sem_alloc : memref<!tpu.dma_semaphore, #tpu.memory_space<semaphore_mem>>
      %dma_start3A = arith.constant 0 : i32
      %dma_start3A_63 = tpu.memref_slice %arg10[%add3A_10, %dma_start3A] : memref<10000x8xf32, #tpu.memory_space<vmem_shared>> -> memref<128x8xf32, #tpu.memory_space<vmem_shared>>
      %dma_start3A_64 = arith.constant 0 : i32
      %dma_start3A_65 = tpu.memref_slice %arg10[%add3A_10, %dma_start3A_64] : memref<10000x8xf32, #tpu.memory_space<vmem_shared>> -> memref<128x8xf32, #tpu.memory_space<vmem_shared>>
      tpu.enqueue_dma source(%arg8 : memref<128x8xf32, #tpu.memory_space<vmem>>) target(%dma_start3A_65 : memref<128x8xf32, #tpu.memory_space<vmem_shared>>) target_semaphore(%run_scoped3A : memref<!tpu.dma_semaphore, #tpu.memory_space<semaphore_mem>>)
      %dma_wait3A = arith.constant 0 : i32
      %dma_wait3A_66 = tpu.memref_slice %arg10[%add3A_10, %dma_wait3A] : memref<10000x8xf32, #tpu.memory_space<vmem_shared>> -> memref<128x8xf32, #tpu.memory_space<vmem_shared>>
      %dma_wait3A_67 = arith.constant 0 : i32
      %dma_wait3A_68 = tpu.memref_slice %arg10[%add3A_10, %dma_wait3A_67] : memref<10000x8xf32, #tpu.memory_space<vmem_shared>> -> memref<128x8xf32, #tpu.memory_space<vmem_shared>>
      tpu.wait_dma2 semaphore(%run_scoped3A : memref<!tpu.dma_semaphore, #tpu.memory_space<semaphore_mem>>) src(%arg8 : memref<128x8xf32, #tpu.memory_space<vmem>>) dst(%dma_wait3A_68 : memref<128x8xf32, #tpu.memory_space<vmem_shared>>)
      tpu.yield
    }) : () -> ()
    %mul3A_11 = arith.constant 624 : i32
    %mul3A_12 = arith.muli %arg1, %mul3A_11 : i32
    %add3A_13 = arith.constant 128 : i32
    %add3A_14 = arith.addi %mul3A_12, %add3A_13 : i32
    "tpu.region"() ({
      %run_scoped3A = tpu.sem_alloc : memref<!tpu.dma_semaphore, #tpu.memory_space<semaphore_mem>>
      %dma_start3A = arith.constant 0 : i32
      %dma_start3A_63 = tpu.memref_slice %arg10[%add3A_14, %dma_start3A] : memref<10000x8xf32, #tpu.memory_space<vmem_shared>> -> memref<128x8xf32, #tpu.memory_space<vmem_shared>>
      %dma_start3A_64 = arith.constant 0 : i32
      %dma_start3A_65 = tpu.memref_slice %arg10[%add3A_14, %dma_start3A_64] : memref<10000x8xf32, #tpu.memory_space<vmem_shared>> -> memref<128x8xf32, #tpu.memory_space<vmem_shared>>
      tpu.enqueue_dma source(%arg8 : memref<128x8xf32, #tpu.memory_space<vmem>>) target(%dma_start3A_65 : memref<128x8xf32, #tpu.memory_space<vmem_shared>>) target_semaphore(%run_scoped3A : memref<!tpu.dma_semaphore, #tpu.memory_space<semaphore_mem>>)
      %dma_wait3A = arith.constant 0 : i32
      %dma_wait3A_66 = tpu.memref_slice %arg10[%add3A_14, %dma_wait3A] : memref<10000x8xf32, #tpu.memory_space<vmem_shared>> -> memref<128x8xf32, #tpu.memory_space<vmem_shared>>
      %dma_wait3A_67 = arith.constant 0 : i32
      %dma_wait3A_68 = tpu.memref_slice %arg10[%add3A_14, %dma_wait3A_67] : memref<10000x8xf32, #tpu.memory_space<vmem_shared>> -> memref<128x8xf32, #tpu.memory_space<vmem_shared>>
      tpu.wait_dma2 semaphore(%run_scoped3A : memref<!tpu.dma_semaphore, #tpu.memory_space<semaphore_mem>>) src(%arg8 : memref<128x8xf32, #tpu.memory_space<vmem>>) dst(%dma_wait3A_68 : memref<128x8xf32, #tpu.memory_space<vmem_shared>>)
      tpu.yield
    }) : () -> ()
    %mul3A_15 = arith.constant 624 : i32
    %mul3A_16 = arith.muli %arg1, %mul3A_15 : i32
    %add3A_17 = arith.constant 256 : i32
    %add3A_18 = arith.addi %mul3A_16, %add3A_17 : i32
    "tpu.region"() ({
      %run_scoped3A = tpu.sem_alloc : memref<!tpu.dma_semaphore, #tpu.memory_space<semaphore_mem>>
      %dma_start3A = arith.constant 0 : i32
      %dma_start3A_63 = tpu.memref_slice %arg10[%add3A_18, %dma_start3A] : memref<10000x8xf32, #tpu.memory_space<vmem_shared>> -> memref<128x8xf32, #tpu.memory_space<vmem_shared>>
      %dma_start3A_64 = arith.constant 0 : i32
      %dma_start3A_65 = tpu.memref_slice %arg10[%add3A_18, %dma_start3A_64] : memref<10000x8xf32, #tpu.memory_space<vmem_shared>> -> memref<128x8xf32, #tpu.memory_space<vmem_shared>>
      tpu.enqueue_dma source(%arg8 : memref<128x8xf32, #tpu.memory_space<vmem>>) target(%dma_start3A_65 : memref<128x8xf32, #tpu.memory_space<vmem_shared>>) target_semaphore(%run_scoped3A : memref<!tpu.dma_semaphore, #tpu.memory_space<semaphore_mem>>)
      %dma_wait3A = arith.constant 0 : i32
      %dma_wait3A_66 = tpu.memref_slice %arg10[%add3A_18, %dma_wait3A] : memref<10000x8xf32, #tpu.memory_space<vmem_shared>> -> memref<128x8xf32, #tpu.memory_space<vmem_shared>>
      %dma_wait3A_67 = arith.constant 0 : i32
      %dma_wait3A_68 = tpu.memref_slice %arg10[%add3A_18, %dma_wait3A_67] : memref<10000x8xf32, #tpu.memory_space<vmem_shared>> -> memref<128x8xf32, #tpu.memory_space<vmem_shared>>
      tpu.wait_dma2 semaphore(%run_scoped3A : memref<!tpu.dma_semaphore, #tpu.memory_space<semaphore_mem>>) src(%arg8 : memref<128x8xf32, #tpu.memory_space<vmem>>) dst(%dma_wait3A_68 : memref<128x8xf32, #tpu.memory_space<vmem_shared>>)
      tpu.yield
    }) : () -> ()
    %mul3A_19 = arith.constant 624 : i32
    %mul3A_20 = arith.muli %arg1, %mul3A_19 : i32
    %add3A_21 = arith.constant 384 : i32
    %add3A_22 = arith.addi %mul3A_20, %add3A_21 : i32
    "tpu.region"() ({
      %run_scoped3A = tpu.sem_alloc : memref<!tpu.dma_semaphore, #tpu.memory_space<semaphore_mem>>
      %dma_start3A = arith.constant 0 : i32
      %dma_start3A_63 = tpu.memref_slice %arg10[%add3A_22, %dma_start3A] : memref<10000x8xf32, #tpu.memory_space<vmem_shared>> -> memref<128x8xf32, #tpu.memory_space<vmem_shared>>
      %dma_start3A_64 = arith.constant 0 : i32
      %dma_start3A_65 = tpu.memref_slice %arg10[%add3A_22, %dma_start3A_64] : memref<10000x8xf32, #tpu.memory_space<vmem_shared>> -> memref<128x8xf32, #tpu.memory_space<vmem_shared>>
      tpu.enqueue_dma source(%arg8 : memref<128x8xf32, #tpu.memory_space<vmem>>) target(%dma_start3A_65 : memref<128x8xf32, #tpu.memory_space<vmem_shared>>) target_semaphore(%run_scoped3A : memref<!tpu.dma_semaphore, #tpu.memory_space<semaphore_mem>>)
      %dma_wait3A = arith.constant 0 : i32
      %dma_wait3A_66 = tpu.memref_slice %arg10[%add3A_22, %dma_wait3A] : memref<10000x8xf32, #tpu.memory_space<vmem_shared>> -> memref<128x8xf32, #tpu.memory_space<vmem_shared>>
      %dma_wait3A_67 = arith.constant 0 : i32
      %dma_wait3A_68 = tpu.memref_slice %arg10[%add3A_22, %dma_wait3A_67] : memref<10000x8xf32, #tpu.memory_space<vmem_shared>> -> memref<128x8xf32, #tpu.memory_space<vmem_shared>>
      tpu.wait_dma2 semaphore(%run_scoped3A : memref<!tpu.dma_semaphore, #tpu.memory_space<semaphore_mem>>) src(%arg8 : memref<128x8xf32, #tpu.memory_space<vmem>>) dst(%dma_wait3A_68 : memref<128x8xf32, #tpu.memory_space<vmem_shared>>)
      tpu.yield
    }) : () -> ()
    %mul3A_23 = arith.constant 624 : i32
    %mul3A_24 = arith.muli %arg1, %mul3A_23 : i32
    %add3A_25 = arith.constant 512 : i32
    %add3A_26 = arith.addi %mul3A_24, %add3A_25 : i32
    "tpu.region"() ({
      %run_scoped3A = tpu.sem_alloc : memref<!tpu.dma_semaphore, #tpu.memory_space<semaphore_mem>>
      %dma_start3A = arith.constant 0 : i32
      %dma_start3A_63 = arith.constant 0 : i32
      %dma_start3A_64 = tpu.memref_slice %arg8[%dma_start3A, %dma_start3A_63] : memref<128x8xf32, #tpu.memory_space<vmem>> -> memref<112x8xf32, #tpu.memory_space<vmem>>
      %dma_start3A_65 = arith.constant 0 : i32
      %dma_start3A_66 = tpu.memref_slice %arg10[%add3A_26, %dma_start3A_65] : memref<10000x8xf32, #tpu.memory_space<vmem_shared>> -> memref<112x8xf32, #tpu.memory_space<vmem_shared>>
      %dma_start3A_67 = arith.constant 0 : i32
      %dma_start3A_68 = tpu.memref_slice %arg10[%add3A_26, %dma_start3A_67] : memref<10000x8xf32, #tpu.memory_space<vmem_shared>> -> memref<112x8xf32, #tpu.memory_space<vmem_shared>>
      %dma_start3A_69 = arith.constant 0 : i32
      %dma_start3A_70 = arith.constant 0 : i32
      %dma_start3A_71 = tpu.memref_slice %arg8[%dma_start3A_69, %dma_start3A_70] : memref<128x8xf32, #tpu.memory_space<vmem>> -> memref<112x8xf32, #tpu.memory_space<vmem>>
      tpu.enqueue_dma source(%dma_start3A_71 : memref<112x8xf32, #tpu.memory_space<vmem>>) target(%dma_start3A_68 : memref<112x8xf32, #tpu.memory_space<vmem_shared>>) target_semaphore(%run_scoped3A : memref<!tpu.dma_semaphore, #tpu.memory_space<semaphore_mem>>)
      %dma_wait3A = arith.constant 0 : i32
      %dma_wait3A_72 = arith.constant 0 : i32
      %dma_wait3A_73 = tpu.memref_slice %arg8[%dma_wait3A, %dma_wait3A_72] : memref<128x8xf32, #tpu.memory_space<vmem>> -> memref<112x8xf32, #tpu.memory_space<vmem>>
      %dma_wait3A_74 = arith.constant 0 : i32
      %dma_wait3A_75 = tpu.memref_slice %arg10[%add3A_26, %dma_wait3A_74] : memref<10000x8xf32, #tpu.memory_space<vmem_shared>> -> memref<112x8xf32, #tpu.memory_space<vmem_shared>>
      %dma_wait3A_76 = arith.constant 0 : i32
      %dma_wait3A_77 = tpu.memref_slice %arg10[%add3A_26, %dma_wait3A_76] : memref<10000x8xf32, #tpu.memory_space<vmem_shared>> -> memref<112x8xf32, #tpu.memory_space<vmem_shared>>
      %dma_wait3A_78 = arith.constant 0 : i32
      %dma_wait3A_79 = arith.constant 0 : i32
      %dma_wait3A_80 = tpu.memref_slice %arg8[%dma_wait3A_78, %dma_wait3A_79] : memref<128x8xf32, #tpu.memory_space<vmem>> -> memref<112x8xf32, #tpu.memory_space<vmem>>
      tpu.wait_dma2 semaphore(%run_scoped3A : memref<!tpu.dma_semaphore, #tpu.memory_space<semaphore_mem>>) src(%dma_wait3A_80 : memref<112x8xf32, #tpu.memory_space<vmem>>) dst(%dma_wait3A_77 : memref<112x8xf32, #tpu.memory_space<vmem_shared>>)
      tpu.yield
    }) : () -> ()
    %eq3A = arith.constant 15 : i32
    %eq3A_27 = arith.cmpi eq, %arg1, %eq3A : i32
    %convert_element_type3A = arith.extui %eq3A_27 : i1 to i32
    %cond3A = arith.constant 0 : i32
    %cond3A_28 = arith.cmpi ne, %convert_element_type3A, %cond3A : i32
    scf.if %cond3A_28 {
      "tpu.region"() ({
        %run_scoped3A = tpu.sem_alloc : memref<!tpu.dma_semaphore, #tpu.memory_space<semaphore_mem>>
        %dma_start3A = arith.constant 0 : i32
        %dma_start3A_63 = arith.constant 0 : i32
        %dma_start3A_64 = tpu.memref_slice %arg8[%dma_start3A, %dma_start3A_63] : memref<128x8xf32, #tpu.memory_space<vmem>> -> memref<16x8xf32, #tpu.memory_space<vmem>>
        %dma_start3A_65 = arith.constant 9984 : i32
        %dma_start3A_66 = arith.constant 0 : i32
        %dma_start3A_67 = tpu.memref_slice %arg10[%dma_start3A_65, %dma_start3A_66] : memref<10000x8xf32, #tpu.memory_space<vmem_shared>> -> memref<16x8xf32, #tpu.memory_space<vmem_shared>>
        %dma_start3A_68 = arith.constant 9984 : i32
        %dma_start3A_69 = arith.constant 0 : i32
        %dma_start3A_70 = tpu.memref_slice %arg10[%dma_start3A_68, %dma_start3A_69] : memref<10000x8xf32, #tpu.memory_space<vmem_shared>> -> memref<16x8xf32, #tpu.memory_space<vmem_shared>>
        %dma_start3A_71 = arith.constant 0 : i32
        %dma_start3A_72 = arith.constant 0 : i32
        %dma_start3A_73 = tpu.memref_slice %arg8[%dma_start3A_71, %dma_start3A_72] : memref<128x8xf32, #tpu.memory_space<vmem>> -> memref<16x8xf32, #tpu.memory_space<vmem>>
        tpu.enqueue_dma source(%dma_start3A_73 : memref<16x8xf32, #tpu.memory_space<vmem>>) target(%dma_start3A_70 : memref<16x8xf32, #tpu.memory_space<vmem_shared>>) target_semaphore(%run_scoped3A : memref<!tpu.dma_semaphore, #tpu.memory_space<semaphore_mem>>)
        %dma_wait3A = arith.constant 0 : i32
        %dma_wait3A_74 = arith.constant 0 : i32
        %dma_wait3A_75 = tpu.memref_slice %arg8[%dma_wait3A, %dma_wait3A_74] : memref<128x8xf32, #tpu.memory_space<vmem>> -> memref<16x8xf32, #tpu.memory_space<vmem>>
        %dma_wait3A_76 = arith.constant 9984 : i32
        %dma_wait3A_77 = arith.constant 0 : i32
        %dma_wait3A_78 = tpu.memref_slice %arg10[%dma_wait3A_76, %dma_wait3A_77] : memref<10000x8xf32, #tpu.memory_space<vmem_shared>> -> memref<16x8xf32, #tpu.memory_space<vmem_shared>>
        %dma_wait3A_79 = arith.constant 9984 : i32
        %dma_wait3A_80 = arith.constant 0 : i32
        %dma_wait3A_81 = tpu.memref_slice %arg10[%dma_wait3A_79, %dma_wait3A_80] : memref<10000x8xf32, #tpu.memory_space<vmem_shared>> -> memref<16x8xf32, #tpu.memory_space<vmem_shared>>
        %dma_wait3A_82 = arith.constant 0 : i32
        %dma_wait3A_83 = arith.constant 0 : i32
        %dma_wait3A_84 = tpu.memref_slice %arg8[%dma_wait3A_82, %dma_wait3A_83] : memref<128x8xf32, #tpu.memory_space<vmem>> -> memref<16x8xf32, #tpu.memory_space<vmem>>
        tpu.wait_dma2 semaphore(%run_scoped3A : memref<!tpu.dma_semaphore, #tpu.memory_space<semaphore_mem>>) src(%dma_wait3A_84 : memref<16x8xf32, #tpu.memory_space<vmem>>) dst(%dma_wait3A_81 : memref<16x8xf32, #tpu.memory_space<vmem_shared>>)
        tpu.yield
      }) : () -> ()
    } else {
    }
    %barrier3A = arith.constant 0 : index
    tpu.barrier barrier_id(%barrier3A)
    %broadcast_in_dim3A_29 = arith.constant 0 : i32
    %broadcast_in_dim3A_30 = vector.broadcast %broadcast_in_dim3A_29 : i32 to vector<16xi32>
    %broadcast_in_dim3A_31 = arith.constant 1 : i32
    %broadcast_in_dim3A_32 = vector.broadcast %broadcast_in_dim3A_31 : i32 to vector<16xi32>
    %broadcast_in_dim3A_33 = arith.constant 2 : i32
    %broadcast_in_dim3A_34 = vector.broadcast %broadcast_in_dim3A_33 : i32 to vector<16xi32>
    %broadcast_in_dim3A_35 = arith.constant 3 : i32
    %broadcast_in_dim3A_36 = vector.broadcast %broadcast_in_dim3A_35 : i32 to vector<16xi32>
    %broadcast_in_dim3A_37 = arith.constant 0 : i32
    %broadcast_in_dim3A_38 = vector.broadcast %broadcast_in_dim3A_37 : i32 to vector<16xi32>
    %broadcast_in_dim3A_39 = arith.constant 1 : i32
    %broadcast_in_dim3A_40 = vector.broadcast %broadcast_in_dim3A_39 : i32 to vector<16xi32>
    %broadcast_in_dim3A_41 = arith.constant 2 : i32
    %broadcast_in_dim3A_42 = vector.broadcast %broadcast_in_dim3A_41 : i32 to vector<16xi32>
    %scan3A_43 = arith.constant 0 : i32
    %scan3A_44 = arith.constant 0 : i32
    %scan3A_45 = arith.constant 78 : i32
    %scan3A_46 = arith.addi %scan3A_44, %scan3A_45 : i32
    %scan3A_47 = arith.constant 1 : i32
    scf.for %scan3A_63 = %scan3A_44 to %scan3A_46 step %scan3A_47  : i32 {
      %mul3A_64 = arith.constant 9984 : i32
      %mul3A_65 = arith.muli %add3A, %mul3A_64 : i32
      %mul3A_66 = arith.constant 128 : i32
      %mul3A_67 = arith.muli %scan3A_63, %mul3A_66 : i32
      %add3A_68 = arith.addi %mul3A_65, %mul3A_67 : i32
      "tpu.region"() ({
        %run_scoped3A = tpu.sem_alloc : memref<!tpu.dma_semaphore, #tpu.memory_space<semaphore_mem>>
        %dma_start3A = tpu.memref_slice %arg2[%add3A_68] : memref<320000xi32, #tpu.memory_space<hbm>> -> memref<128xi32, #tpu.memory_space<hbm>>
        %dma_start3A_75 = tpu.memref_slice %arg2[%add3A_68] : memref<320000xi32, #tpu.memory_space<hbm>> -> memref<128xi32, #tpu.memory_space<hbm>>
        tpu.enqueue_dma source(%dma_start3A_75 : memref<128xi32, #tpu.memory_space<hbm>>) target(%arg6 : memref<128xi32, #tpu.memory_space<vmem>>) target_semaphore(%run_scoped3A : memref<!tpu.dma_semaphore, #tpu.memory_space<semaphore_mem>>)
        %dma_wait3A = tpu.memref_slice %arg2[%add3A_68] : memref<320000xi32, #tpu.memory_space<hbm>> -> memref<128xi32, #tpu.memory_space<hbm>>
        %dma_wait3A_76 = tpu.memref_slice %arg2[%add3A_68] : memref<320000xi32, #tpu.memory_space<hbm>> -> memref<128xi32, #tpu.memory_space<hbm>>
        tpu.wait_dma2 semaphore(%run_scoped3A : memref<!tpu.dma_semaphore, #tpu.memory_space<semaphore_mem>>) src(%dma_wait3A_76 : memref<128xi32, #tpu.memory_space<hbm>>) dst(%arg6 : memref<128xi32, #tpu.memory_space<vmem>>)
        tpu.yield
      }) : () -> ()
      "tpu.region"() ({
        %run_scoped3A = tpu.sem_alloc : memref<!tpu.dma_semaphore, #tpu.memory_space<semaphore_mem>>
        %dma_start3A = tpu.memref_slice %arg3[%add3A_68] : memref<320000xi32, #tpu.memory_space<hbm>> -> memref<128xi32, #tpu.memory_space<hbm>>
        %dma_start3A_75 = tpu.memref_slice %arg3[%add3A_68] : memref<320000xi32, #tpu.memory_space<hbm>> -> memref<128xi32, #tpu.memory_space<hbm>>
        tpu.enqueue_dma source(%dma_start3A_75 : memref<128xi32, #tpu.memory_space<hbm>>) target(%arg7 : memref<128xi32, #tpu.memory_space<vmem>>) target_semaphore(%run_scoped3A : memref<!tpu.dma_semaphore, #tpu.memory_space<semaphore_mem>>)
        %dma_wait3A = tpu.memref_slice %arg3[%add3A_68] : memref<320000xi32, #tpu.memory_space<hbm>> -> memref<128xi32, #tpu.memory_space<hbm>>
        %dma_wait3A_76 = tpu.memref_slice %arg3[%add3A_68] : memref<320000xi32, #tpu.memory_space<hbm>> -> memref<128xi32, #tpu.memory_space<hbm>>
        tpu.wait_dma2 semaphore(%run_scoped3A : memref<!tpu.dma_semaphore, #tpu.memory_space<semaphore_mem>>) src(%dma_wait3A_76 : memref<128xi32, #tpu.memory_space<hbm>>) dst(%arg7 : memref<128xi32, #tpu.memory_space<vmem>>)
        tpu.yield
      }) : () -> ()
      %scan3A_69 = arith.constant 0 : i32
      %scan3A_70 = arith.constant 0 : i32
      %scan3A_71 = arith.constant 8 : i32
      %scan3A_72 = arith.addi %scan3A_70, %scan3A_71 : i32
      %scan3A_73 = arith.constant 1 : i32
      scf.for %scan3A_75 = %scan3A_70 to %scan3A_72 step %scan3A_73  : i32 {
        %mul3A_76 = arith.constant 16 : i32
        %mul3A_77 = arith.muli %scan3A_75, %mul3A_76 : i32
        %get3A = arith.index_cast %mul3A_77 : i32 to index
        %get3A_78 = tpu.vector_load %arg6[%get3A] {strides = array<i32>} : memref<128xi32, #tpu.memory_space<vmem>>, vector<16xi32>,
        %get3A_79 = arith.index_cast %mul3A_77 : i32 to index
        %get3A_80 = tpu.vector_load %arg7[%get3A_79] {strides = array<i32>} : memref<128xi32, #tpu.memory_space<vmem>>, vector<16xi32>,
        %gather3A = tpu.vector_load_idx %arg9[%get3A_78, %broadcast_in_dim3A_30] : memref<10000x4xf32, #tpu.memory_space<vmem>>[vector<16xi32>, vector<16xi32>], vector<16xf32>,
        %gather3A_81 = tpu.vector_load_idx %arg9[%get3A_78, %broadcast_in_dim3A_32] : memref<10000x4xf32, #tpu.memory_space<vmem>>[vector<16xi32>, vector<16xi32>], vector<16xf32>,
        %gather3A_82 = tpu.vector_load_idx %arg9[%get3A_78, %broadcast_in_dim3A_34] : memref<10000x4xf32, #tpu.memory_space<vmem>>[vector<16xi32>, vector<16xi32>], vector<16xf32>,
        %gather3A_83 = tpu.vector_load_idx %arg9[%get3A_80, %broadcast_in_dim3A_36] : memref<10000x4xf32, #tpu.memory_space<vmem>>[vector<16xi32>, vector<16xi32>], vector<16xf32>,
        %add3A_84 = arith.addf %gather3A_82, %gather3A_83 : vector<16xf32>
        %gt3A = arith.constant 0.000000e+00 : f32
        %gt3A_85 = vector.broadcast %gt3A : f32 to vector<16xf32>
        %gt3A_86 = arith.cmpf ogt, %add3A_84, %gt3A_85 : vector<16xf32>
        %mul3A_87 = arith.constant 2.000000e-01 : f32
        %mul3A_88 = vector.broadcast %mul3A_87 : f32 to vector<16xf32>
        %mul3A_89 = arith.mulf %add3A_84, %mul3A_88 : vector<16xf32>
        %select_n3A = arith.select %gt3A_86, %add3A_84, %mul3A_89 : vector<16xi1>, vector<16xf32>
        %exp3A = math.exp %select_n3A : vector<16xf32>
        %add3A_90 = vector.broadcast %mul3A_77 : i32 to vector<16xi32>
        %add3A_91 = arith.addi %add3A_90, %iota3A : vector<16xi32>
        %mul3A_92 = arith.mulf %exp3A, %gather3A : vector<16xf32>
        tpu.vector_store_idx %arg8[%add3A_91, %broadcast_in_dim3A_38], %mul3A_92 : memref<128x8xf32, #tpu.memory_space<vmem>>[vector<16xi32>, vector<16xi32>], vector<16xf32>,
        %mul3A_93 = arith.mulf %exp3A, %gather3A_81 : vector<16xf32>
        tpu.vector_store_idx %arg8[%add3A_91, %broadcast_in_dim3A_40], %mul3A_93 : memref<128x8xf32, #tpu.memory_space<vmem>>[vector<16xi32>, vector<16xi32>], vector<16xf32>,
        tpu.vector_store_idx %arg8[%add3A_91, %broadcast_in_dim3A_42], %exp3A : memref<128x8xf32, #tpu.memory_space<vmem>>[vector<16xi32>, vector<16xi32>], vector<16xf32>,
      }
      %scan3A_74 = arith.constant 8 : i32
      "tpu.region"() ({
        %run_scoped3A = tpu.sem_alloc : memref<!tpu.dma_semaphore, #tpu.memory_space<semaphore_mem>>
        %dma_start3A = arith.constant 0 : i32
        %dma_start3A_75 = arith.constant 0 : i32
        %dma_start3A_76 = tpu.memref_slice %arg10[%dma_start3A, %dma_start3A_75] : memref<10000x8xf32, #tpu.memory_space<vmem_shared>> -> memref<10000x8xf32, #tpu.memory_space<vmem_shared>>
        tpu.enqueue_indirect_dma source(%arg8 : memref<128x8xf32, #tpu.memory_space<vmem>>) target(%dma_start3A_76 : memref<10000x8xf32, #tpu.memory_space<vmem_shared>>) offsets(%arg7 : memref<128xi32, #tpu.memory_space<vmem>>) semaphore(%run_scoped3A : memref<!tpu.dma_semaphore, #tpu.memory_space<semaphore_mem>>) {add = true}
        %dma_wait3A = arith.constant 0 : i32
        %dma_wait3A_77 = arith.constant 0 : i32
        %dma_wait3A_78 = tpu.memref_slice %arg10[%dma_wait3A, %dma_wait3A_77] : memref<10000x8xf32, #tpu.memory_space<vmem_shared>> -> memref<10000x8xf32, #tpu.memory_space<vmem_shared>>
        tpu.wait_indirect_dma semaphore(%run_scoped3A : memref<!tpu.dma_semaphore, #tpu.memory_space<semaphore_mem>>) src(%arg8 : memref<128x8xf32, #tpu.memory_space<vmem>>) dst(%dma_wait3A_78 : memref<10000x8xf32, #tpu.memory_space<vmem_shared>>)
        tpu.yield
      }) : () -> ()
    }
    %scan3A_48 = arith.constant 78 : i32
    %lt3A = arith.constant 4 : i32
    %lt3A_49 = arith.cmpi slt, %add3A, %lt3A : i32
    %convert_element_type3A_50 = arith.extui %lt3A_49 : i1 to i32
    %cond3A_51 = arith.constant 0 : i32
    %cond3A_52 = arith.cmpi ne, %convert_element_type3A_50, %cond3A_51 : i32
    scf.if %cond3A_52 {
      %mul3A_63 = arith.constant 128 : i32
      %mul3A_64 = arith.muli %add3A, %mul3A_63 : i32
      %add3A_65 = arith.constant 319488 : i32
      %add3A_66 = arith.addi %add3A_65, %mul3A_64 : i32
      "tpu.region"() ({
        %run_scoped3A = tpu.sem_alloc : memref<!tpu.dma_semaphore, #tpu.memory_space<semaphore_mem>>
        %dma_start3A = tpu.memref_slice %arg2[%add3A_66] : memref<320000xi32, #tpu.memory_space<hbm>> -> memref<128xi32, #tpu.memory_space<hbm>>
        %dma_start3A_73 = tpu.memref_slice %arg2[%add3A_66] : memref<320000xi32, #tpu.memory_space<hbm>> -> memref<128xi32, #tpu.memory_space<hbm>>
        tpu.enqueue_dma source(%dma_start3A_73 : memref<128xi32, #tpu.memory_space<hbm>>) target(%arg6 : memref<128xi32, #tpu.memory_space<vmem>>) target_semaphore(%run_scoped3A : memref<!tpu.dma_semaphore, #tpu.memory_space<semaphore_mem>>)
        %dma_wait3A = tpu.memref_slice %arg2[%add3A_66] : memref<320000xi32, #tpu.memory_space<hbm>> -> memref<128xi32, #tpu.memory_space<hbm>>
        %dma_wait3A_74 = tpu.memref_slice %arg2[%add3A_66] : memref<320000xi32, #tpu.memory_space<hbm>> -> memref<128xi32, #tpu.memory_space<hbm>>
        tpu.wait_dma2 semaphore(%run_scoped3A : memref<!tpu.dma_semaphore, #tpu.memory_space<semaphore_mem>>) src(%dma_wait3A_74 : memref<128xi32, #tpu.memory_space<hbm>>) dst(%arg6 : memref<128xi32, #tpu.memory_space<vmem>>)
        tpu.yield
      }) : () -> ()
      "tpu.region"() ({
        %run_scoped3A = tpu.sem_alloc : memref<!tpu.dma_semaphore, #tpu.memory_space<semaphore_mem>>
        %dma_start3A = tpu.memref_slice %arg3[%add3A_66] : memref<320000xi32, #tpu.memory_space<hbm>> -> memref<128xi32, #tpu.memory_space<hbm>>
        %dma_start3A_73 = tpu.memref_slice %arg3[%add3A_66] : memref<320000xi32, #tpu.memory_space<hbm>> -> memref<128xi32, #tpu.memory_space<hbm>>
        tpu.enqueue_dma source(%dma_start3A_73 : memref<128xi32, #tpu.memory_space<hbm>>) target(%arg7 : memref<128xi32, #tpu.memory_space<vmem>>) target_semaphore(%run_scoped3A : memref<!tpu.dma_semaphore, #tpu.memory_space<semaphore_mem>>)
        %dma_wait3A = tpu.memref_slice %arg3[%add3A_66] : memref<320000xi32, #tpu.memory_space<hbm>> -> memref<128xi32, #tpu.memory_space<hbm>>
        %dma_wait3A_74 = tpu.memref_slice %arg3[%add3A_66] : memref<320000xi32, #tpu.memory_space<hbm>> -> memref<128xi32, #tpu.memory_space<hbm>>
        tpu.wait_dma2 semaphore(%run_scoped3A : memref<!tpu.dma_semaphore, #tpu.memory_space<semaphore_mem>>) src(%dma_wait3A_74 : memref<128xi32, #tpu.memory_space<hbm>>) dst(%arg7 : memref<128xi32, #tpu.memory_space<vmem>>)
        tpu.yield
      }) : () -> ()
      %scan3A_67 = arith.constant 0 : i32
      %scan3A_68 = arith.constant 0 : i32
      %scan3A_69 = arith.constant 8 : i32
      %scan3A_70 = arith.addi %scan3A_68, %scan3A_69 : i32
      %scan3A_71 = arith.constant 1 : i32
      scf.for %scan3A_73 = %scan3A_68 to %scan3A_70 step %scan3A_71  : i32 {
        %mul3A_74 = arith.constant 16 : i32
        %mul3A_75 = arith.muli %scan3A_73, %mul3A_74 : i32
        %get3A = arith.index_cast %mul3A_75 : i32 to index
        %get3A_76 = tpu.vector_load %arg6[%get3A] {strides = array<i32>} : memref<128xi32, #tpu.memory_space<vmem>>, vector<16xi32>,
        %get3A_77 = arith.index_cast %mul3A_75 : i32 to index
        %get3A_78 = tpu.vector_load %arg7[%get3A_77] {strides = array<i32>} : memref<128xi32, #tpu.memory_space<vmem>>, vector<16xi32>,
        %gather3A = tpu.vector_load_idx %arg9[%get3A_76, %broadcast_in_dim3A_30] : memref<10000x4xf32, #tpu.memory_space<vmem>>[vector<16xi32>, vector<16xi32>], vector<16xf32>,
        %gather3A_79 = tpu.vector_load_idx %arg9[%get3A_76, %broadcast_in_dim3A_32] : memref<10000x4xf32, #tpu.memory_space<vmem>>[vector<16xi32>, vector<16xi32>], vector<16xf32>,
        %gather3A_80 = tpu.vector_load_idx %arg9[%get3A_76, %broadcast_in_dim3A_34] : memref<10000x4xf32, #tpu.memory_space<vmem>>[vector<16xi32>, vector<16xi32>], vector<16xf32>,
        %gather3A_81 = tpu.vector_load_idx %arg9[%get3A_78, %broadcast_in_dim3A_36] : memref<10000x4xf32, #tpu.memory_space<vmem>>[vector<16xi32>, vector<16xi32>], vector<16xf32>,
        %add3A_82 = arith.addf %gather3A_80, %gather3A_81 : vector<16xf32>
        %gt3A = arith.constant 0.000000e+00 : f32
        %gt3A_83 = vector.broadcast %gt3A : f32 to vector<16xf32>
        %gt3A_84 = arith.cmpf ogt, %add3A_82, %gt3A_83 : vector<16xf32>
        %mul3A_85 = arith.constant 2.000000e-01 : f32
        %mul3A_86 = vector.broadcast %mul3A_85 : f32 to vector<16xf32>
        %mul3A_87 = arith.mulf %add3A_82, %mul3A_86 : vector<16xf32>
        %select_n3A = arith.select %gt3A_84, %add3A_82, %mul3A_87 : vector<16xi1>, vector<16xf32>
        %exp3A = math.exp %select_n3A : vector<16xf32>
        %add3A_88 = vector.broadcast %mul3A_75 : i32 to vector<16xi32>
        %add3A_89 = arith.addi %add3A_88, %iota3A : vector<16xi32>
        %mul3A_90 = arith.mulf %exp3A, %gather3A : vector<16xf32>
        tpu.vector_store_idx %arg8[%add3A_89, %broadcast_in_dim3A_38], %mul3A_90 : memref<128x8xf32, #tpu.memory_space<vmem>>[vector<16xi32>, vector<16xi32>], vector<16xf32>,
        %mul3A_91 = arith.mulf %exp3A, %gather3A_79 : vector<16xf32>
        tpu.vector_store_idx %arg8[%add3A_89, %broadcast_in_dim3A_40], %mul3A_91 : memref<128x8xf32, #tpu.memory_space<vmem>>[vector<16xi32>, vector<16xi32>], vector<16xf32>,
        tpu.vector_store_idx %arg8[%add3A_89, %broadcast_in_dim3A_42], %exp3A : memref<128x8xf32, #tpu.memory_space<vmem>>[vector<16xi32>, vector<16xi32>], vector<16xf32>,
      }
      %scan3A_72 = arith.constant 8 : i32
      "tpu.region"() ({
        %run_scoped3A = tpu.sem_alloc : memref<!tpu.dma_semaphore, #tpu.memory_space<semaphore_mem>>
        %dma_start3A = arith.constant 0 : i32
        %dma_start3A_73 = arith.constant 0 : i32
        %dma_start3A_74 = tpu.memref_slice %arg10[%dma_start3A, %dma_start3A_73] : memref<10000x8xf32, #tpu.memory_space<vmem_shared>> -> memref<10000x8xf32, #tpu.memory_space<vmem_shared>>
        tpu.enqueue_indirect_dma source(%arg8 : memref<128x8xf32, #tpu.memory_space<vmem>>) target(%dma_start3A_74 : memref<10000x8xf32, #tpu.memory_space<vmem_shared>>) offsets(%arg7 : memref<128xi32, #tpu.memory_space<vmem>>) semaphore(%run_scoped3A : memref<!tpu.dma_semaphore, #tpu.memory_space<semaphore_mem>>) {add = true}
        %dma_wait3A = arith.constant 0 : i32
        %dma_wait3A_75 = arith.constant 0 : i32
        %dma_wait3A_76 = tpu.memref_slice %arg10[%dma_wait3A, %dma_wait3A_75] : memref<10000x8xf32, #tpu.memory_space<vmem_shared>> -> memref<10000x8xf32, #tpu.memory_space<vmem_shared>>
        tpu.wait_indirect_dma semaphore(%run_scoped3A : memref<!tpu.dma_semaphore, #tpu.memory_space<semaphore_mem>>) src(%arg8 : memref<128x8xf32, #tpu.memory_space<vmem>>) dst(%dma_wait3A_76 : memref<10000x8xf32, #tpu.memory_space<vmem_shared>>)
        tpu.yield
      }) : () -> ()
    } else {
    }
    %barrier3A_53 = arith.constant 0 : index
    tpu.barrier barrier_id(%barrier3A_53)
    %mul3A_54 = arith.constant 624 : i32
    %mul3A_55 = arith.muli %arg1, %mul3A_54 : i32
    %mul3A_56 = arith.constant 624 : i32
    %mul3A_57 = arith.muli %arg1, %mul3A_56 : i32
    "tpu.region"() ({
      %run_scoped3A = tpu.sem_alloc : memref<!tpu.dma_semaphore, #tpu.memory_space<semaphore_mem>>
      %dma_start3A = arith.constant 0 : i32
      %dma_start3A_63 = tpu.memref_slice %arg5[%arg0, %mul3A_57, %dma_start3A] : memref<2x10000x8xf32, #tpu.memory_space<hbm>> -> memref<1x624x8xf32, #tpu.memory_space<hbm>>
      %dma_start3A_64 = tpu.memref_squeeze %dma_start3A_63 : memref<1x624x8xf32, #tpu.memory_space<hbm>> -> memref<624x8xf32, #tpu.memory_space<hbm>>
      %dma_start3A_65 = arith.constant 0 : i32
      %dma_start3A_66 = tpu.memref_slice %arg10[%mul3A_55, %dma_start3A_65] : memref<10000x8xf32, #tpu.memory_space<vmem_shared>> -> memref<624x8xf32, #tpu.memory_space<vmem_shared>>
      tpu.enqueue_dma source(%dma_start3A_66 : memref<624x8xf32, #tpu.memory_space<vmem_shared>>) target(%dma_start3A_64 : memref<624x8xf32, #tpu.memory_space<hbm>>) target_semaphore(%run_scoped3A : memref<!tpu.dma_semaphore, #tpu.memory_space<semaphore_mem>>)
      %dma_wait3A = arith.constant 0 : i32
      %dma_wait3A_67 = tpu.memref_slice %arg5[%arg0, %mul3A_57, %dma_wait3A] : memref<2x10000x8xf32, #tpu.memory_space<hbm>> -> memref<1x624x8xf32, #tpu.memory_space<hbm>>
      %dma_wait3A_68 = tpu.memref_squeeze %dma_wait3A_67 : memref<1x624x8xf32, #tpu.memory_space<hbm>> -> memref<624x8xf32, #tpu.memory_space<hbm>>
      %dma_wait3A_69 = arith.constant 0 : i32
      %dma_wait3A_70 = tpu.memref_slice %arg10[%mul3A_55, %dma_wait3A_69] : memref<10000x8xf32, #tpu.memory_space<vmem_shared>> -> memref<624x8xf32, #tpu.memory_space<vmem_shared>>
      tpu.wait_dma2 semaphore(%run_scoped3A : memref<!tpu.dma_semaphore, #tpu.memory_space<semaphore_mem>>) src(%dma_wait3A_70 : memref<624x8xf32, #tpu.memory_space<vmem_shared>>) dst(%dma_wait3A_68 : memref<624x8xf32, #tpu.memory_space<hbm>>)
      tpu.yield
    }) : () -> ()
    %eq3A_58 = arith.constant 15 : i32
    %eq3A_59 = arith.cmpi eq, %arg1, %eq3A_58 : i32
    %convert_element_type3A_60 = arith.extui %eq3A_59 : i1 to i32
    %cond3A_61 = arith.constant 0 : i32
    %cond3A_62 = arith.cmpi ne, %convert_element_type3A_60, %cond3A_61 : i32
    scf.if %cond3A_62 {
      "tpu.region"() ({
        %run_scoped3A = tpu.sem_alloc : memref<!tpu.dma_semaphore, #tpu.memory_space<semaphore_mem>>
        %dma_start3A = arith.constant 9984 : i32
        %dma_start3A_63 = arith.constant 0 : i32
        %dma_start3A_64 = tpu.memref_slice %arg5[%arg0, %dma_start3A, %dma_start3A_63] : memref<2x10000x8xf32, #tpu.memory_space<hbm>> -> memref<1x16x8xf32, #tpu.memory_space<hbm>>
        %dma_start3A_65 = tpu.memref_squeeze %dma_start3A_64 : memref<1x16x8xf32, #tpu.memory_space<hbm>> -> memref<16x8xf32, #tpu.memory_space<hbm>>
        %dma_start3A_66 = arith.constant 9984 : i32
        %dma_start3A_67 = arith.constant 0 : i32
        %dma_start3A_68 = tpu.memref_slice %arg10[%dma_start3A_66, %dma_start3A_67] : memref<10000x8xf32, #tpu.memory_space<vmem_shared>> -> memref<16x8xf32, #tpu.memory_space<vmem_shared>>
        tpu.enqueue_dma source(%dma_start3A_68 : memref<16x8xf32, #tpu.memory_space<vmem_shared>>) target(%dma_start3A_65 : memref<16x8xf32, #tpu.memory_space<hbm>>) target_semaphore(%run_scoped3A : memref<!tpu.dma_semaphore, #tpu.memory_space<semaphore_mem>>)
        %dma_wait3A = arith.constant 9984 : i32
        %dma_wait3A_69 = arith.constant 0 : i32
        %dma_wait3A_70 = tpu.memref_slice %arg5[%arg0, %dma_wait3A, %dma_wait3A_69] : memref<2x10000x8xf32, #tpu.memory_space<hbm>> -> memref<1x16x8xf32, #tpu.memory_space<hbm>>
        %dma_wait3A_71 = tpu.memref_squeeze %dma_wait3A_70 : memref<1x16x8xf32, #tpu.memory_space<hbm>> -> memref<16x8xf32, #tpu.memory_space<hbm>>
        %dma_wait3A_72 = arith.constant 9984 : i32
        %dma_wait3A_73 = arith.constant 0 : i32
        %dma_wait3A_74 = tpu.memref_slice %arg10[%dma_wait3A_72, %dma_wait3A_73] : memref<10000x8xf32, #tpu.memory_space<vmem_shared>> -> memref<16x8xf32, #tpu.memory_space<vmem_shared>>
        tpu.wait_dma2 semaphore(%run_scoped3A : memref<!tpu.dma_semaphore, #tpu.memory_space<semaphore_mem>>) src(%dma_wait3A_74 : memref<16x8xf32, #tpu.memory_space<vmem_shared>>) dst(%dma_wait3A_71 : memref<16x8xf32, #tpu.memory_space<hbm>>)
        tpu.yield
      }) : () -> ()
    } else {
    }
    return
  }
}

module attributes {stable_mosaic.version = 14 : i64} {
  func.func @_tc1_body(%arg0: memref<10000x128xf32, #tpu.memory_space<vmem>>, %arg1: memref<128x32xf32, #tpu.memory_space<vmem>>, %arg2: memref<2x16xf32, #tpu.memory_space<vmem>>, %arg3: memref<2x16xf32, #tpu.memory_space<vmem>>, %arg4: memref<10000x32xf32, #tpu.memory_space<vmem>>, %arg5: memref<10000x4xf32, #tpu.memory_space<vmem>>) attributes {dimension_semantics = [], scalar_prefetch = 0 : i64, scratch_operands = 0 : i64, tpu.core_type = #tpu.core_type<tc>} {
    %get3A = arith.constant 0 : index
    %get3A_0 = arith.constant 0 : index
    %get3A_1 = vector.load %arg0[%get3A, %get3A_0] : memref<10000x128xf32, #tpu.memory_space<vmem>>, vector<10000x128xf32>
    %get3A_2 = arith.constant 0 : index
    %get3A_3 = arith.constant 0 : index
    %get3A_4 = vector.load %arg1[%get3A_2, %get3A_3] : memref<128x32xf32, #tpu.memory_space<vmem>>, vector<128x32xf32>
    %dot_general3A = arith.constant dense<0.000000e+00> : vector<10000x32xf32>
    %dot_general3A_5 = tpu.matmul %get3A_1, %get3A_4, %dot_general3A {dimension_numbers = #tpu.dot_dimension_numbers<[1], [0], [0], [1], [0, 0, 1, 1], [], []>, transpose_lhs_hint = false} : vector<10000x128xf32>, vector<128x32xf32>, vector<10000x32xf32> -> vector<10000x32xf32>
    %swap3A = arith.constant 0 : index
    %swap3A_6 = arith.constant 0 : index
    %swap3A_7 = vector.load %arg4[%swap3A, %swap3A_6] : memref<10000x32xf32, #tpu.memory_space<vmem>>, vector<10000x32xf32>
    tpu.vector_store %arg4[%swap3A, %swap3A_6], %dot_general3A_5 {strides = array<i32>} : memref<10000x32xf32, #tpu.memory_space<vmem>>, vector<10000x32xf32>,
    %slice3A = vector.extract_strided_slice %dot_general3A_5 {offsets = [0, 0], sizes = [10000, 16], strides = [1, 1]} : vector<10000x32xf32> to vector<10000x16xf32>
    %get3A_8 = arith.constant 0 : index
    %get3A_9 = arith.constant 0 : index
    %get3A_10 = vector.load %arg2[%get3A_8, %get3A_9] : memref<2x16xf32, #tpu.memory_space<vmem>>, vector<1x16xf32>
    %get3A_11 = vector.shape_cast %get3A_10 : vector<1x16xf32> to vector<16xf32>
    %broadcast_in_dim3A = vector.shape_cast %get3A_11 : vector<16xf32> to vector<1x16xf32>
    %mul3A = vector.broadcast %broadcast_in_dim3A : vector<1x16xf32> to vector<10000x16xf32>
    %mul3A_12 = arith.mulf %slice3A, %mul3A : vector<10000x16xf32>
    %reduce_sum3A = arith.constant dense<0.000000e+00> : vector<10000xf32>
    %reduce_sum3A_13 = vector.multi_reduction <add>, %mul3A_12, %reduce_sum3A [1] : vector<10000x16xf32> to vector<10000xf32>
    %broadcast_in_dim3A_14 = vector.shape_cast %reduce_sum3A_13 : vector<10000xf32> to vector<10000x1xf32>
    %slice3A_15 = vector.extract_strided_slice %dot_general3A_5 {offsets = [0, 16], sizes = [10000, 16], strides = [1, 1]} : vector<10000x32xf32> to vector<10000x16xf32>
    %get3A_16 = arith.constant 1 : index
    %get3A_17 = arith.constant 0 : index
    %get3A_18 = vector.load %arg2[%get3A_16, %get3A_17] : memref<2x16xf32, #tpu.memory_space<vmem>>, vector<1x16xf32>
    %get3A_19 = vector.shape_cast %get3A_18 : vector<1x16xf32> to vector<16xf32>
    %broadcast_in_dim3A_20 = vector.shape_cast %get3A_19 : vector<16xf32> to vector<1x16xf32>
    %mul3A_21 = vector.broadcast %broadcast_in_dim3A_20 : vector<1x16xf32> to vector<10000x16xf32>
    %mul3A_22 = arith.mulf %slice3A_15, %mul3A_21 : vector<10000x16xf32>
    %reduce_sum3A_23 = arith.constant dense<0.000000e+00> : vector<10000xf32>
    %reduce_sum3A_24 = vector.multi_reduction <add>, %mul3A_22, %reduce_sum3A_23 [1] : vector<10000x16xf32> to vector<10000xf32>
    %broadcast_in_dim3A_25 = vector.shape_cast %reduce_sum3A_24 : vector<10000xf32> to vector<10000x1xf32>
    %slice3A_26 = vector.extract_strided_slice %dot_general3A_5 {offsets = [0, 0], sizes = [10000, 16], strides = [1, 1]} : vector<10000x32xf32> to vector<10000x16xf32>
    %get3A_27 = arith.constant 0 : index
    %get3A_28 = arith.constant 0 : index
    %get3A_29 = vector.load %arg3[%get3A_27, %get3A_28] : memref<2x16xf32, #tpu.memory_space<vmem>>, vector<1x16xf32>
    %get3A_30 = vector.shape_cast %get3A_29 : vector<1x16xf32> to vector<16xf32>
    %broadcast_in_dim3A_31 = vector.shape_cast %get3A_30 : vector<16xf32> to vector<1x16xf32>
    %mul3A_32 = vector.broadcast %broadcast_in_dim3A_31 : vector<1x16xf32> to vector<10000x16xf32>
    %mul3A_33 = arith.mulf %slice3A_26, %mul3A_32 : vector<10000x16xf32>
    %reduce_sum3A_34 = arith.constant dense<0.000000e+00> : vector<10000xf32>
    %reduce_sum3A_35 = vector.multi_reduction <add>, %mul3A_33, %reduce_sum3A_34 [1] : vector<10000x16xf32> to vector<10000xf32>
    %broadcast_in_dim3A_36 = vector.shape_cast %reduce_sum3A_35 : vector<10000xf32> to vector<10000x1xf32>
    %slice3A_37 = vector.extract_strided_slice %dot_general3A_5 {offsets = [0, 16], sizes = [10000, 16], strides = [1, 1]} : vector<10000x32xf32> to vector<10000x16xf32>
    %get3A_38 = arith.constant 1 : index
    %get3A_39 = arith.constant 0 : index
    %get3A_40 = vector.load %arg3[%get3A_38, %get3A_39] : memref<2x16xf32, #tpu.memory_space<vmem>>, vector<1x16xf32>
    %get3A_41 = vector.shape_cast %get3A_40 : vector<1x16xf32> to vector<16xf32>
    %broadcast_in_dim3A_42 = vector.shape_cast %get3A_41 : vector<16xf32> to vector<1x16xf32>
    %mul3A_43 = vector.broadcast %broadcast_in_dim3A_42 : vector<1x16xf32> to vector<10000x16xf32>
    %mul3A_44 = arith.mulf %slice3A_37, %mul3A_43 : vector<10000x16xf32>
    %reduce_sum3A_45 = arith.constant dense<0.000000e+00> : vector<10000xf32>
    %reduce_sum3A_46 = vector.multi_reduction <add>, %mul3A_44, %reduce_sum3A_45 [1] : vector<10000x16xf32> to vector<10000xf32>
    %broadcast_in_dim3A_47 = vector.shape_cast %reduce_sum3A_46 : vector<10000xf32> to vector<10000x1xf32>
    %concatenate3A = tpu.concatenate %broadcast_in_dim3A_14, %broadcast_in_dim3A_25, %broadcast_in_dim3A_36, %broadcast_in_dim3A_47 in 1 : vector<10000x1xf32>, vector<10000x1xf32>, vector<10000x1xf32>, vector<10000x1xf32> -> vector<10000x4xf32>
    %swap3A_48 = arith.constant 0 : index
    %swap3A_49 = arith.constant 0 : index
    %swap3A_50 = vector.load %arg5[%swap3A_48, %swap3A_49] : memref<10000x4xf32, #tpu.memory_space<vmem>>, vector<10000x4xf32>
    tpu.vector_store %arg5[%swap3A_48, %swap3A_49], %concatenate3A {strides = array<i32>} : memref<10000x4xf32, #tpu.memory_space<vmem>>, vector<10000x4xf32>,
    return
  }
}

module attributes {stable_mosaic.version = 14 : i64} {
  func.func @_tc2_body(%arg0: memref<10000x34xf32, #tpu.memory_space<vmem>>, %arg1: memref<10000x34xf32, #tpu.memory_space<vmem>>, %arg2: memref<10000x32xf32, #tpu.memory_space<vmem>>, %arg3: memref<10000x4xf32, #tpu.memory_space<vmem>>, %arg4: memref<1x32xf32, #tpu.memory_space<vmem>>, %arg5: memref<32x2xf32, #tpu.memory_space<vmem>>, %arg6: memref<1x2xf32, #tpu.memory_space<vmem>>, %arg7: memref<1x2xf32, #tpu.memory_space<vmem>>, %arg8: memref<10000x4xf32, #tpu.memory_space<vmem>>) attributes {dimension_semantics = [], scalar_prefetch = 0 : i64, scratch_operands = 0 : i64, tpu.core_type = #tpu.core_type<tc>} {
    %get3A = arith.constant 0 : index
    %get3A_0 = arith.constant 0 : index
    %get3A_1 = vector.load %arg2[%get3A, %get3A_0] : memref<10000x32xf32, #tpu.memory_space<vmem>>, vector<10000x32xf32>
    %get3A_2 = arith.constant 0 : index
    %get3A_3 = arith.constant 0 : index
    %get3A_4 = vector.load %arg3[%get3A_2, %get3A_3] : memref<10000x4xf32, #tpu.memory_space<vmem>>, vector<10000x4xf32>
    %slice3A = vector.extract_strided_slice %get3A_4 {offsets = [0, 0], sizes = [10000, 1], strides = [1, 1]} : vector<10000x4xf32> to vector<10000x1xf32>
    %slice3A_5 = vector.extract_strided_slice %get3A_4 {offsets = [0, 2], sizes = [10000, 1], strides = [1, 1]} : vector<10000x4xf32> to vector<10000x1xf32>
    %add3A = arith.addf %slice3A, %slice3A_5 : vector<10000x1xf32>
    %gt3A = arith.constant 0.000000e+00 : f32
    %gt3A_6 = vector.broadcast %gt3A : f32 to vector<10000x1xf32>
    %gt3A_7 = arith.cmpf ogt, %add3A, %gt3A_6 : vector<10000x1xf32>
    %mul3A = arith.constant 2.000000e-01 : f32
    %mul3A_8 = vector.broadcast %mul3A : f32 to vector<10000x1xf32>
    %mul3A_9 = arith.mulf %add3A, %mul3A_8 : vector<10000x1xf32>
    %select_n3A = arith.select %gt3A_7, %add3A, %mul3A_9 : vector<10000x1xi1>, vector<10000x1xf32>
    %exp3A = math.exp %select_n3A : vector<10000x1xf32>
    %slice3A_10 = vector.extract_strided_slice %get3A_4 {offsets = [0, 1], sizes = [10000, 1], strides = [1, 1]} : vector<10000x4xf32> to vector<10000x1xf32>
    %slice3A_11 = vector.extract_strided_slice %get3A_4 {offsets = [0, 3], sizes = [10000, 1], strides = [1, 1]} : vector<10000x4xf32> to vector<10000x1xf32>
    %add3A_12 = arith.addf %slice3A_10, %slice3A_11 : vector<10000x1xf32>
    %gt3A_13 = arith.constant 0.000000e+00 : f32
    %gt3A_14 = vector.broadcast %gt3A_13 : f32 to vector<10000x1xf32>
    %gt3A_15 = arith.cmpf ogt, %add3A_12, %gt3A_14 : vector<10000x1xf32>
    %mul3A_16 = arith.constant 2.000000e-01 : f32
    %mul3A_17 = vector.broadcast %mul3A_16 : f32 to vector<10000x1xf32>
    %mul3A_18 = arith.mulf %add3A_12, %mul3A_17 : vector<10000x1xf32>
    %select_n3A_19 = arith.select %gt3A_15, %add3A_12, %mul3A_18 : vector<10000x1xi1>, vector<10000x1xf32>
    %exp3A_20 = math.exp %select_n3A_19 : vector<10000x1xf32>
    %get3A_21 = arith.constant 0 : index
    %get3A_22 = arith.constant 0 : index
    %get3A_23 = vector.load %arg0[%get3A_21, %get3A_22] : memref<10000x34xf32, #tpu.memory_space<vmem>>, vector<10000x16xf32>
    %get3A_24 = arith.constant 0 : index
    %get3A_25 = arith.constant 0 : index
    %get3A_26 = vector.load %arg1[%get3A_24, %get3A_25] : memref<10000x34xf32, #tpu.memory_space<vmem>>, vector<10000x16xf32>
    %add3A_27 = arith.addf %get3A_23, %get3A_26 : vector<10000x16xf32>
    %slice3A_28 = vector.extract_strided_slice %get3A_1 {offsets = [0, 0], sizes = [10000, 16], strides = [1, 1]} : vector<10000x32xf32> to vector<10000x16xf32>
    %mul3A_29 = vector.broadcast %exp3A : vector<10000x1xf32> to vector<10000x16xf32>
    %mul3A_30 = arith.mulf %mul3A_29, %slice3A_28 : vector<10000x16xf32>
    %add3A_31 = arith.addf %add3A_27, %mul3A_30 : vector<10000x16xf32>
    %get3A_32 = arith.constant 0 : index
    %get3A_33 = arith.constant 16 : index
    %get3A_34 = vector.load %arg0[%get3A_32, %get3A_33] : memref<10000x34xf32, #tpu.memory_space<vmem>>, vector<10000x16xf32>
    %get3A_35 = arith.constant 0 : index
    %get3A_36 = arith.constant 16 : index
    %get3A_37 = vector.load %arg1[%get3A_35, %get3A_36] : memref<10000x34xf32, #tpu.memory_space<vmem>>, vector<10000x16xf32>
    %add3A_38 = arith.addf %get3A_34, %get3A_37 : vector<10000x16xf32>
    %slice3A_39 = vector.extract_strided_slice %get3A_1 {offsets = [0, 16], sizes = [10000, 16], strides = [1, 1]} : vector<10000x32xf32> to vector<10000x16xf32>
    %mul3A_40 = vector.broadcast %exp3A_20 : vector<10000x1xf32> to vector<10000x16xf32>
    %mul3A_41 = arith.mulf %mul3A_40, %slice3A_39 : vector<10000x16xf32>
    %add3A_42 = arith.addf %add3A_38, %mul3A_41 : vector<10000x16xf32>
    %get3A_43 = arith.constant 0 : index
    %get3A_44 = arith.constant 32 : index
    %get3A_45 = vector.load %arg0[%get3A_43, %get3A_44] : memref<10000x34xf32, #tpu.memory_space<vmem>>, vector<10000x1xf32>
    %get3A_46 = arith.constant 0 : index
    %get3A_47 = arith.constant 32 : index
    %get3A_48 = vector.load %arg1[%get3A_46, %get3A_47] : memref<10000x34xf32, #tpu.memory_space<vmem>>, vector<10000x1xf32>
    %add3A_49 = arith.addf %get3A_45, %get3A_48 : vector<10000x1xf32>
    %add3A_50 = arith.addf %add3A_49, %exp3A : vector<10000x1xf32>
    %get3A_51 = arith.constant 0 : index
    %get3A_52 = arith.constant 33 : index
    %get3A_53 = vector.load %arg0[%get3A_51, %get3A_52] : memref<10000x34xf32, #tpu.memory_space<vmem>>, vector<10000x1xf32>
    %get3A_54 = arith.constant 0 : index
    %get3A_55 = arith.constant 33 : index
    %get3A_56 = vector.load %arg1[%get3A_54, %get3A_55] : memref<10000x34xf32, #tpu.memory_space<vmem>>, vector<10000x1xf32>
    %add3A_57 = arith.addf %get3A_53, %get3A_56 : vector<10000x1xf32>
    %add3A_58 = arith.addf %add3A_57, %exp3A_20 : vector<10000x1xf32>
    %add3A_59 = arith.constant 1.000000e-16 : f32
    %add3A_60 = vector.broadcast %add3A_59 : f32 to vector<10000x1xf32>
    %add3A_61 = arith.addf %add3A_50, %add3A_60 : vector<10000x1xf32>
    %div3A = vector.broadcast %add3A_61 : vector<10000x1xf32> to vector<10000x16xf32>
    %div3A_62 = arith.divf %add3A_31, %div3A : vector<10000x16xf32>
    %add3A_63 = arith.constant 1.000000e-16 : f32
    %add3A_64 = vector.broadcast %add3A_63 : f32 to vector<10000x1xf32>
    %add3A_65 = arith.addf %add3A_58, %add3A_64 : vector<10000x1xf32>
    %div3A_66 = vector.broadcast %add3A_65 : vector<10000x1xf32> to vector<10000x16xf32>
    %div3A_67 = arith.divf %add3A_42, %div3A_66 : vector<10000x16xf32>
    %concatenate3A = tpu.concatenate %div3A_62, %div3A_67 in 1 : vector<10000x16xf32>, vector<10000x16xf32> -> vector<10000x32xf32>
    %get3A_68 = arith.constant 0 : index
    %get3A_69 = arith.constant 0 : index
    %get3A_70 = vector.load %arg4[%get3A_68, %get3A_69] : memref<1x32xf32, #tpu.memory_space<vmem>>, vector<1x32xf32>
    %add3A_71 = vector.broadcast %get3A_70 : vector<1x32xf32> to vector<10000x32xf32>
    %add3A_72 = arith.addf %concatenate3A, %add3A_71 : vector<10000x32xf32>
    %gt3A_73 = arith.constant 0.000000e+00 : f32
    %gt3A_74 = vector.broadcast %gt3A_73 : f32 to vector<10000x32xf32>
    %gt3A_75 = arith.cmpf ogt, %add3A_72, %gt3A_74 : vector<10000x32xf32>
    %exp3A_76 = math.exp %add3A_72 : vector<10000x32xf32>
    %sub3A = arith.constant 1.000000e+00 : f32
    %sub3A_77 = vector.broadcast %sub3A : f32 to vector<10000x32xf32>
    %sub3A_78 = arith.subf %exp3A_76, %sub3A_77 : vector<10000x32xf32>
    %select_n3A_79 = arith.select %gt3A_75, %add3A_72, %sub3A_78 : vector<10000x32xi1>, vector<10000x32xf32>
    %get3A_80 = arith.constant 0 : index
    %get3A_81 = arith.constant 0 : index
    %get3A_82 = vector.load %arg5[%get3A_80, %get3A_81] : memref<32x2xf32, #tpu.memory_space<vmem>>, vector<32x2xf32>
    %dot_general3A = arith.constant dense<0.000000e+00> : vector<10000x2xf32>
    %dot_general3A_83 = tpu.matmul %select_n3A_79, %get3A_82, %dot_general3A {dimension_numbers = #tpu.dot_dimension_numbers<[1], [0], [0], [1], [0, 0, 1, 1], [], []>, transpose_lhs_hint = false} : vector<10000x32xf32>, vector<32x2xf32>, vector<10000x2xf32> -> vector<10000x2xf32>
    %get3A_84 = arith.constant 0 : index
    %get3A_85 = arith.constant 0 : index
    %get3A_86 = vector.load %arg6[%get3A_84, %get3A_85] : memref<1x2xf32, #tpu.memory_space<vmem>>, vector<1x2xf32>
    %get3A_87 = vector.shape_cast %get3A_86 : vector<1x2xf32> to vector<2xf32>
    %broadcast_in_dim3A = vector.shape_cast %get3A_87 : vector<2xf32> to vector<1x2xf32>
    %mul3A_88 = vector.broadcast %broadcast_in_dim3A : vector<1x2xf32> to vector<10000x2xf32>
    %mul3A_89 = arith.mulf %dot_general3A_83, %mul3A_88 : vector<10000x2xf32>
    %reduce_sum3A = arith.constant dense<0.000000e+00> : vector<10000xf32>
    %reduce_sum3A_90 = vector.multi_reduction <add>, %mul3A_89, %reduce_sum3A [1] : vector<10000x2xf32> to vector<10000xf32>
    %broadcast_in_dim3A_91 = vector.shape_cast %reduce_sum3A_90 : vector<10000xf32> to vector<10000x1xf32>
    %get3A_92 = arith.constant 0 : index
    %get3A_93 = arith.constant 0 : index
    %get3A_94 = vector.load %arg7[%get3A_92, %get3A_93] : memref<1x2xf32, #tpu.memory_space<vmem>>, vector<1x2xf32>
    %get3A_95 = vector.shape_cast %get3A_94 : vector<1x2xf32> to vector<2xf32>
    %broadcast_in_dim3A_96 = vector.shape_cast %get3A_95 : vector<2xf32> to vector<1x2xf32>
    %mul3A_97 = vector.broadcast %broadcast_in_dim3A_96 : vector<1x2xf32> to vector<10000x2xf32>
    %mul3A_98 = arith.mulf %dot_general3A_83, %mul3A_97 : vector<10000x2xf32>
    %reduce_sum3A_99 = arith.constant dense<0.000000e+00> : vector<10000xf32>
    %reduce_sum3A_100 = vector.multi_reduction <add>, %mul3A_98, %reduce_sum3A_99 [1] : vector<10000x2xf32> to vector<10000xf32>
    %broadcast_in_dim3A_101 = vector.shape_cast %reduce_sum3A_100 : vector<10000xf32> to vector<10000x1xf32>
    %concatenate3A_102 = tpu.concatenate %dot_general3A_83, %broadcast_in_dim3A_91, %broadcast_in_dim3A_101 in 1 : vector<10000x2xf32>, vector<10000x1xf32>, vector<10000x1xf32> -> vector<10000x4xf32>
    %swap3A = arith.constant 0 : index
    %swap3A_103 = arith.constant 0 : index
    %swap3A_104 = vector.load %arg8[%swap3A, %swap3A_103] : memref<10000x4xf32, #tpu.memory_space<vmem>>, vector<10000x4xf32>
    tpu.vector_store %arg8[%swap3A, %swap3A_103], %concatenate3A_102 {strides = array<i32>} : memref<10000x4xf32, #tpu.memory_space<vmem>>, vector<10000x4xf32>,
    return
  }
}

module attributes {stable_mosaic.version = 14 : i64} {
  func.func @_tc3_body(%arg0: memref<10000x8xf32, #tpu.memory_space<vmem>>, %arg1: memref<10000x8xf32, #tpu.memory_space<vmem>>, %arg2: memref<10000x4xf32, #tpu.memory_space<vmem>>, %arg3: memref<1x2xf32, #tpu.memory_space<vmem>>, %arg4: memref<2x16xf32, #tpu.memory_space<vmem>>, %arg5: memref<1x16xf32, #tpu.memory_space<vmem>>, %arg6: memref<16x2xf32, #tpu.memory_space<vmem>>, %arg7: memref<1x2xf32, #tpu.memory_space<vmem>>, %arg8: memref<1x2xf32, #tpu.memory_space<vmem>>) attributes {dimension_semantics = [], scalar_prefetch = 0 : i64, scratch_operands = 0 : i64, tpu.core_type = #tpu.core_type<tc>} {
    %get3A = arith.constant 0 : index
    %get3A_0 = arith.constant 0 : index
    %get3A_1 = vector.load %arg2[%get3A, %get3A_0] : memref<10000x4xf32, #tpu.memory_space<vmem>>, vector<10000x4xf32>
    %slice3A = vector.extract_strided_slice %get3A_1 {offsets = [0, 2], sizes = [10000, 1], strides = [1, 1]} : vector<10000x4xf32> to vector<10000x1xf32>
    %slice3A_2 = vector.extract_strided_slice %get3A_1 {offsets = [0, 3], sizes = [10000, 1], strides = [1, 1]} : vector<10000x4xf32> to vector<10000x1xf32>
    %add3A = arith.addf %slice3A, %slice3A_2 : vector<10000x1xf32>
    %gt3A = arith.constant 0.000000e+00 : f32
    %gt3A_3 = vector.broadcast %gt3A : f32 to vector<10000x1xf32>
    %gt3A_4 = arith.cmpf ogt, %add3A, %gt3A_3 : vector<10000x1xf32>
    %mul3A = arith.constant 2.000000e-01 : f32
    %mul3A_5 = vector.broadcast %mul3A : f32 to vector<10000x1xf32>
    %mul3A_6 = arith.mulf %add3A, %mul3A_5 : vector<10000x1xf32>
    %select_n3A = arith.select %gt3A_4, %add3A, %mul3A_6 : vector<10000x1xi1>, vector<10000x1xf32>
    %exp3A = math.exp %select_n3A : vector<10000x1xf32>
    %get3A_7 = arith.constant 0 : index
    %get3A_8 = arith.constant 0 : index
    %get3A_9 = vector.load %arg0[%get3A_7, %get3A_8] : memref<10000x8xf32, #tpu.memory_space<vmem>>, vector<10000x2xf32>
    %get3A_10 = arith.constant 0 : index
    %get3A_11 = arith.constant 0 : index
    %get3A_12 = vector.load %arg1[%get3A_10, %get3A_11] : memref<10000x8xf32, #tpu.memory_space<vmem>>, vector<10000x2xf32>
    %add3A_13 = arith.addf %get3A_9, %get3A_12 : vector<10000x2xf32>
    %slice3A_14 = vector.extract_strided_slice %get3A_1 {offsets = [0, 0], sizes = [10000, 2], strides = [1, 1]} : vector<10000x4xf32> to vector<10000x2xf32>
    %mul3A_15 = vector.broadcast %exp3A : vector<10000x1xf32> to vector<10000x2xf32>
    %mul3A_16 = arith.mulf %mul3A_15, %slice3A_14 : vector<10000x2xf32>
    %add3A_17 = arith.addf %add3A_13, %mul3A_16 : vector<10000x2xf32>
    %get3A_18 = arith.constant 0 : index
    %get3A_19 = arith.constant 2 : index
    %get3A_20 = vector.load %arg0[%get3A_18, %get3A_19] : memref<10000x8xf32, #tpu.memory_space<vmem>>, vector<10000x1xf32>
    %get3A_21 = arith.constant 0 : index
    %get3A_22 = arith.constant 2 : index
    %get3A_23 = vector.load %arg1[%get3A_21, %get3A_22] : memref<10000x8xf32, #tpu.memory_space<vmem>>, vector<10000x1xf32>
    %add3A_24 = arith.addf %get3A_20, %get3A_23 : vector<10000x1xf32>
    %add3A_25 = arith.addf %add3A_24, %exp3A : vector<10000x1xf32>
    %add3A_26 = arith.constant 1.000000e-16 : f32
    %add3A_27 = vector.broadcast %add3A_26 : f32 to vector<10000x1xf32>
    %add3A_28 = arith.addf %add3A_25, %add3A_27 : vector<10000x1xf32>
    %div3A = vector.broadcast %add3A_28 : vector<10000x1xf32> to vector<10000x2xf32>
    %div3A_29 = arith.divf %add3A_17, %div3A : vector<10000x2xf32>
    %get3A_30 = arith.constant 0 : index
    %get3A_31 = arith.constant 0 : index
    %get3A_32 = vector.load %arg3[%get3A_30, %get3A_31] : memref<1x2xf32, #tpu.memory_space<vmem>>, vector<1x2xf32>
    %add3A_33 = vector.broadcast %get3A_32 : vector<1x2xf32> to vector<10000x2xf32>
    %add3A_34 = arith.addf %div3A_29, %add3A_33 : vector<10000x2xf32>
    %get3A_35 = arith.constant 0 : index
    %get3A_36 = arith.constant 0 : index
    %get3A_37 = vector.load %arg4[%get3A_35, %get3A_36] : memref<2x16xf32, #tpu.memory_space<vmem>>, vector<2x16xf32>
    %dot_general3A = arith.constant dense<0.000000e+00> : vector<10000x16xf32>
    %dot_general3A_38 = tpu.matmul %add3A_34, %get3A_37, %dot_general3A {dimension_numbers = #tpu.dot_dimension_numbers<[1], [0], [0], [1], [0, 0, 1, 1], [], []>, transpose_lhs_hint = false} : vector<10000x2xf32>, vector<2x16xf32>, vector<10000x16xf32> -> vector<10000x16xf32>
    %get3A_39 = arith.constant 0 : index
    %get3A_40 = arith.constant 0 : index
    %get3A_41 = vector.load %arg5[%get3A_39, %get3A_40] : memref<1x16xf32, #tpu.memory_space<vmem>>, vector<1x16xf32>
    %add3A_42 = vector.broadcast %get3A_41 : vector<1x16xf32> to vector<10000x16xf32>
    %add3A_43 = arith.addf %dot_general3A_38, %add3A_42 : vector<10000x16xf32>
    %gt3A_44 = arith.constant 0.000000e+00 : f32
    %gt3A_45 = vector.broadcast %gt3A_44 : f32 to vector<10000x16xf32>
    %gt3A_46 = arith.cmpf ogt, %add3A_43, %gt3A_45 : vector<10000x16xf32>
    %exp3A_47 = math.exp %add3A_43 : vector<10000x16xf32>
    %sub3A = arith.constant 1.000000e+00 : f32
    %sub3A_48 = vector.broadcast %sub3A : f32 to vector<10000x16xf32>
    %sub3A_49 = arith.subf %exp3A_47, %sub3A_48 : vector<10000x16xf32>
    %select_n3A_50 = arith.select %gt3A_46, %add3A_43, %sub3A_49 : vector<10000x16xi1>, vector<10000x16xf32>
    %get3A_51 = arith.constant 0 : index
    %get3A_52 = arith.constant 0 : index
    %get3A_53 = vector.load %arg6[%get3A_51, %get3A_52] : memref<16x2xf32, #tpu.memory_space<vmem>>, vector<16x2xf32>
    %dot_general3A_54 = arith.constant dense<0.000000e+00> : vector<10000x2xf32>
    %dot_general3A_55 = tpu.matmul %select_n3A_50, %get3A_53, %dot_general3A_54 {dimension_numbers = #tpu.dot_dimension_numbers<[1], [0], [0], [1], [0, 0, 1, 1], [], []>, transpose_lhs_hint = false} : vector<10000x16xf32>, vector<16x2xf32>, vector<10000x2xf32> -> vector<10000x2xf32>
    %get3A_56 = arith.constant 0 : index
    %get3A_57 = arith.constant 0 : index
    %get3A_58 = vector.load %arg7[%get3A_56, %get3A_57] : memref<1x2xf32, #tpu.memory_space<vmem>>, vector<1x2xf32>
    %add3A_59 = vector.broadcast %get3A_58 : vector<1x2xf32> to vector<10000x2xf32>
    %add3A_60 = arith.addf %dot_general3A_55, %add3A_59 : vector<10000x2xf32>
    %reduce_sum3A = arith.constant dense<0.000000e+00> : vector<2xf32>
    %reduce_sum3A_61 = vector.multi_reduction <add>, %add3A_60, %reduce_sum3A [0] : vector<10000x2xf32> to vector<2xf32>
    %broadcast_in_dim3A = vector.shape_cast %reduce_sum3A_61 : vector<2xf32> to vector<1x2xf32>
    %div3A_62 = arith.constant 1.000000e+04 : f32
    %div3A_63 = vector.broadcast %div3A_62 : f32 to vector<1x2xf32>
    %div3A_64 = arith.divf %broadcast_in_dim3A, %div3A_63 : vector<1x2xf32>
    %swap3A = arith.constant 0 : index
    %swap3A_65 = arith.constant 0 : index
    %swap3A_66 = vector.load %arg8[%swap3A, %swap3A_65] : memref<1x2xf32, #tpu.memory_space<vmem>>, vector<1x2xf32>
    tpu.vector_store %arg8[%swap3A, %swap3A_65], %div3A_64 {strides = array<i32>} : memref<1x2xf32, #tpu.memory_space<vmem>>, vector<1x2xf32>,
    return
  }
}

</mosaic_0001>

<sc_bundles>
// kernel: kernel.10.cloned.1.call-start
scs
__scs_entry_jumppad:
0x0: {  	(pc) =	sbr.rel $0x88, $3  }
0x1: {  	(tag) =	ssettag $0x0;
	lr =	simm.s32 $0x1  }
0x2: {  	[smem:$0x3F93] =	sst lr;
	_ =	strace $0xD0000000  }
0x3: {  	_ = 	snop  }
0x4: {  	_ = 	snop  }
0x5: {  	_ = 	snop  }
0x6: {  	_ = 	snop  }
0x7: {  	_ = 	snop  }
__scs_overlays_trampoline_lowered:
0x8: {  	[smem:$0x3FA2] =	sst s0  }
0x9: {  	[smem:$0x3FA3] =	sst s1  }
0xa: {  	[smem:$0x3FA4] =	sst s2  }
0xb: {  	[smem:$0x3FA5] =	sst s3  }
0xc: {  	[smem:$0x3FA6] =	sst s4  }
0xd: {  	[smem:$0x3FA7] =	sst s5  }
0xe: {  	[smem:$0x3FA8] =	sst s6  }
0xf: {  	[smem:$0x3FA9] =	sst s7  }
0x10: {  	[smem:$0x3FAA] =	sst s8  }
0x11: {  	[smem:$0x3FAB] =	sst s9;
	s0 =	simm.s32 @!p0 $0x0  }
0x12: {  	s1 =	sld [smem:$0x3F91];
	s0 =	simm.s32 @p0 $0x1  }
0x13: {  	[smem:$0x3FAC] =	sst s0;
	s0 =	simm.s32 @!p1 $0x0  }
0x14: {  	s2 =	sld [smem:$0x3F90];
	s0 =	simm.s32 @p1 $0x1  }
0x15: {  	[smem:$0x3FAD] =	sst s0;
	s0 =	simm.s32 @!p2 $0x0  }
0x16: {  	s3 =	sld [smem:$0x3FDB];
	s0 =	simm.s32 @p2 $0x1  }
0x17: {  	s4 =	simm.s32 $0x1BF5;
	[smem:$0x3FAF] =	sst s0  }
0x18: {  	s0 =	sld [smem:$0x3F92];
	_ =	swait.ge [sflag:s4], $0x0  }
0x19: {  	s7 =	sld [smem:$0x3F93]  }
0x1a: {  	s8 =	sadd.s32 $0xFFFFE003, lr  }
0x1b: {  	s9 =	sadd.s32 $0xFFFFFEF7, lr;
	s5 =	simm.s32 $0xFFFFFFFF;
	p2 =	slt.u32 s8, $0xFFFFF086  }
0x1c: {  	p1 =	slt.u32 s9, $0xF7A;
	s5 =	simm.s32 @!p2 $0x0  }
0x1d: {  	s5 =	simm.s32 @p1 $0x1;
	p0 =	seq.s32 s7, s2  }
0x1e: {  	s7 =	smul.u32 @!p0 $0xF7A, s2;
	p2 =	seq.s32 @!p0 s5, $0x0  }
0x1f: {  	s9 =	smul.u32 $0xF7A, s1;
	s8 =	simm.s32 @!p0 $0x1BF5;
	p2 =	por !p2, p0  }
0x20: {  	[sflag:s8] =	ssyncset.s32 @!p0 $0xFFFFF086;
	s6 =	sadd.s32 @!p0 s3, s7;
	s7 =	simm.s32 @!p0 $0x108  }
0x21: {  	s3 =	sadd.s32 s3, s9;
	s6 =	sadd.s32 @!p0 $0x88, s6;
	s7 =	simm.s32 @p2 $0x1082  }
0x22: {  	[simem:s7], [sflag:s8] =	dma.local @!p0 [hbm:s6], $0xF7A  }
0x23: {  	s9 =	sor.u32 $0xD0000000, s2;
	s6 =	simm.s32 $0x108;
	_ =	swait.ge @!p0 [sflag:s8], $0x0  }
0x24: {  	s3 =	sadd.s32 $0x88, s3;
	s6 =	simm.s32 @!p1 $0x1082;
	[sflag:s4] =	ssyncset.s32 $0xFFFFF086  }
0x25: {  	[simem:s6], [sflag:s4] =	dma.local [hbm:s3], $0xF7A  }
0x26: {  	[smem:$0x3F93] =	sst s1;
	(tag) =	ssettag s2;
	_ =	strace s9  }
0x27: {  	s1 =	sld [smem:$0x3FA3]  }
0x28: {  	s2 =	sld [smem:$0x3FA4]  }
0x29: {  	s4 =	sld [smem:$0x3FA6]  }
0x2a: {  	p0 =	seq.s32 s5, $0x0;
	s5 =	sld [smem:$0x3FA7]  }
0x2b: {  	s6 =	sld [smem:$0x3FA8]  }
0x2c: {  	s7 =	sld [smem:$0x3FA9]  }
0x2d: {  	s3 =	simm.s32 $0x108;
	s8 =	sld [smem:$0x3FAA]  }
0x2e: {  	s3 =	simm.s32 @!p0 $0x1082;
	s9 =	sld [smem:$0x3FAB]  }
0x2f: {  	lr =	sadd.s32 s0, s3;
	s0 =	sld [smem:$0x3FA2]  }
0x30: {  	s3 =	sld [smem:$0x3FA5]  }
0x31: {  	[smem:$0x3FAE] =	sst s10  }
0x32: {  	s10 =	sld [smem:$0x3FAC];
	_ =	sdelay $0x3  }
0x33: {  	p0 =	seq.s32 s10, $0x1;
	s10 =	sld [smem:$0x3FAE];
	_ =	sdelay $0x3  }
0x34: {  	[smem:$0x3FAE] =	sst s10  }
0x35: {  	s10 =	sld [smem:$0x3FAD];
	_ =	sdelay $0x3  }
0x36: {  	p1 =	seq.s32 s10, $0x1;
	s10 =	sld [smem:$0x3FAE];
	_ =	sdelay $0x3  }
0x37: {  	[smem:$0x3FAE] =	sst s10  }
0x38: {  	s10 =	sld [smem:$0x3FAF]  }
0x39: {  	_ = 	snop;
	(pc) =	sbr.ind lr, $3  }
0x3a: {  	_ = 	snop  }
0x3b: {  	_ = 	snop  }
0x3c: {  	p2 =	seq.s32 s10, $0x1;
	s10 =	sld [smem:$0x3FAE]  }
0x3d: {  	_ =	shalt  }
0x3e: {  	_ =	shalt  }
0x3f: {  	_ =	shalt  }
0x40: {  	_ =	shalt  }
0x41: {  	_ =	shalt  }
0x42: {  	_ =	shalt  }
0x43: {  	_ =	shalt  }
0x44: {  	_ =	shalt  }
0x45: {  	_ =	shalt  }
0x46: {  	_ =	shalt  }
0x47: {  	_ =	shalt  }
0x48: {  	_ =	shalt  }
0x49: {  	_ =	shalt  }
0x4a: {  	_ =	shalt  }
0x4b: {  	_ =	shalt  }
0x4c: {  	_ =	shalt  }
0x4d: {  	_ =	shalt  }
0x4e: {  	_ =	shalt  }
0x4f: {  	_ =	shalt  }
0x50: {  	_ =	shalt  }
0x51: {  	_ =	shalt  }
0x52: {  	_ =	shalt  }
0x53: {  	_ =	shalt  }
0x54: {  	_ =	shalt  }
0x55: {  	_ =	shalt  }
0x56: {  	_ =	shalt  }
0x57: {  	_ =	shalt  }
0x58: {  	_ =	shalt  }
0x59: {  	_ =	shalt  }
0x5a: {  	_ =	shalt  }
0x5b: {  	_ =	shalt  }
0x5c: {  	_ =	shalt  }
0x5d: {  	_ =	shalt  }
0x5e: {  	_ =	shalt  }
0x5f: {  	_ =	shalt  }
0x60: {  	_ =	shalt  }
0x61: {  	_ =	shalt  }
0x62: {  	_ =	shalt  }
0x63: {  	_ =	shalt  }
0x64: {  	_ =	shalt  }
0x65: {  	_ =	shalt  }
0x66: {  	_ =	shalt  }
0x67: {  	_ =	shalt  }
0x68: {  	_ =	shalt  }
0x69: {  	_ =	shalt  }
0x6a: {  	_ =	shalt  }
0x6b: {  	_ =	shalt  }
0x6c: {  	_ =	shalt  }
0x6d: {  	_ =	shalt  }
0x6e: {  	_ =	shalt  }
0x6f: {  	_ =	shalt  }
0x70: {  	_ =	shalt  }
0x71: {  	_ =	shalt  }
0x72: {  	_ =	shalt  }
0x73: {  	_ =	shalt  }
0x74: {  	_ =	shalt  }
0x75: {  	_ =	shalt  }
0x76: {  	_ =	shalt  }
0x77: {  	_ =	shalt  }
0x78: {  	_ =	shalt  }
0x79: {  	_ =	shalt  }
0x7a: {  	_ =	shalt  }
0x7b: {  	_ =	shalt  }
0x7c: {  	_ =	shalt  }
0x7d: {  	_ =	shalt  }
0x7e: {  	_ =	shalt  }
0x7f: {  	_ =	shalt  }
0x80: {  	_ =	shalt  }
0x81: {  	_ =	shalt  }
0x82: {  	_ =	shalt  }
0x83: {  	_ =	shalt  }
0x84: {  	_ =	shalt  }
0x85: {  	_ =	shalt  }
0x86: {  	_ =	shalt  }
0x87: {  	_ =	shalt  }
.Lfunc_end0:
.L_simem_size_0:
called_computation.1_lowered:
.L_overlay_start_0:
0x88: {  	s2 =	sld [smem:$0x3FD9]  }
0x89: {  	s3 =	sld [smem:$0x3FFE];
	_ =	sdelay $0x1  }
0x8a: {  	s1 =	srdreg.scid  }
0x8b: {  	s0 =	sand.u32 $0x1, s1  }
0x8c: {  	s16 =	sshll.u32 s0, $0xA;
	s2 =	sadd.s32 s3, s2  }
0x8d: {  	s2 =	sadd.s32 s2, s16  }
0x8e: {  	[smem:$0x3FBA] =	sst s2  }
0x8f: {  	_ = 	snop  }
0x90: {  	(tm) =	ssettm $0x1  }
0x91: {  	s17 =	sld [smem:$0x3FFB];
	_ =	sdelay $0x3  }
0x92: {  	_ =	strace s17  }
0x93: {  	s2 =	sld [smem:$0x3FFC];
	_ =	sdelay $0x3  }
0x94: {  	_ =	strace s2  }
0x95: {  	s2 =	sld [smem:$0x3FFD];
	_ =	sdelay $0x3  }
0x96: {  	_ =	strace s2  }
0x97: {  	_ =	strace $0x8FFFFFFF  }
0x98: {  	s18 =	sld [smem:$0x3FDB];
	_ =	sdelay $0x1  }
0x99: {  	s19 =	simm.s32 $_scs_section_size  }
0x9a: {  	s4 =	simm.s32 $_size__tile_overlayer_lowered;
	s5 =	simm.s32 $_tile_overlayer_lowered  }
0x9b: {  	s22 =	simm.s32 $0x1BFF;
	s21 =	sshll.u32 s5, $0x1;
	s2 =	sadd.s32 s19, s18  }
0x9c: {  	s6 =	simm.s32 $0x0;
	s20 =	sshll.u32 s4, $0x1;
	s4 =	sadd.s32 s21, s2  }
0x9d: {  	[timem:s6], [sflag:s22] =	dma.local [hbm:s4], s20  }
0x9e: {  	_ =	swait.ge [sflag:s22], s20  }
0x9f: {  	s3 =	ssub.s32 $0x0, s20;
	[sflag:s22] =	ssyncset.done $0x0  }
0xa0: {  	[sflag:s22] =	ssyncadd.s32 s3;
	_ =	sdelay $0x1  }
0xa1: {  	s23 =	simm.s32 $0x1B8B  }
0xa2: {  	_ =	swait.ge [sflag:s23], $0x1  }
0xa3: {  	[sflag:s23] =	ssyncset.done $0x0  }
0xa4: {  	s25 =	simm.s32 $0x1B8E;
	s24 =	sld [smem:$0x3FFE];
	[sflag:s23] =	ssyncadd.s32 $0xFFFFFFFF  }
0xa5: {  	s26 =	simm.s32 $execute0_lowered;
	[smem:$0x3FD2] =	sst s25  }
0xa6: {  	s4 =	sshll.u32 s26, $0x1;
	_ =	strace $0x80000049;
	[dreg:$0x1] =	wrdreg $0xFFFFFFFF  }
0xa7: {  	s28 =	simm.s32 $_size_execute0_lowered;
	s2 =	sadd.s32 s2, s4;
	[dreg:$0x0] =	wrdreg $0x0  }
0xa8: {  	s4 =	sshll.u32 s28, $0x1;
	[dreg:$0x2] =	wrdreg s2  }
0xa9: {  	[dreg:$0x3] =	wrdreg s4  }
0xaa: {  	[dreg:$0x4] =	wrdreg $0xC0  }
0xab: {  	_ =	task [dreg:s6], $0x5FFFF  }
0xac: {  	[dreg:$0x1] =	wrdreg $0xFFFFFFFF  }
0xad: {  	[dreg:$0x0] =	wrdreg $0x60  }
0xae: {  	[dreg:$0x2] =	wrdreg s24  }
0xaf: {  	[dreg:$0x3] =	wrdreg $0x13D800  }
0xb0: {  	[dreg:$0x4] =	wrdreg $0x9  }
0xb1: {  	_ =	task.clear_ibuf [dreg:s6], $0x5FFFF;
	_ =	strace $0x90000049  }
0xb2: {  	s29 =	simm.s32 $0x9;
	_ =	strace $0x8000004B  }
0xb3: {  	_ =	swait.ge [sflag:s29], $0x1  }
0xb4: {  	[sflag:s29] =	ssyncadd.s32 $0xFFFFFFFF  }
0xb5: {  	_ =	strace $0x9000004B  }
0xb6: {  	_ =	sfence  }
0xb7: {  	s30 =	sld [smem:$0x0];
	_ =	sdelay $0x2  }
0xb8: {  	s31 =	sshll.u32 s1, $0xD;
	s1 =	sshrl.u32 s1, $0x2  }
0xb9: {  	s3 =	sand.u32 $0x4000, s31;
	s1 =	sadd.s32 s1, s30  }
0xba: {  	s0 =	sor.u32 s3, s0;
	s1 =	sshll.u32 s1, $0x11  }
0xbb: {  	s0 =	sor.u32 s1, s0  }
0xbc: {  	s0 =	sadd.s32 $0x8F2B, s0  }
0xbd: {  	[sflag:s0] =	ssyncadd.remote.s32 $0x1  }
0xbe: {  	_ =	sfence.sel $0xFFFF  }
0xbf: {  	[dreg:$0x0] =	wrdreg $0xFFFFFFFF;
	(pc) =	sbr.abs _section_cstart, $3  }
0xc0: {  	[dreg:$0x1] =	wrdreg $0xFFFFFFFF  }
0xc1: {  	_ =	task.clear_ibuf [dreg:s6], $0x2FFFF;
	_ =	strace $0x9FFFFFFF  }
0xc2: {  	(tm) =	ssettm $0x7FFFFFFF  }
0xc3: {  	_ =	shalt  }
tec
execute0_lowered:
.L_overlay_start_1:
0x0: {  	(tag) =	ssettag $0x1  }
0x1: {  	s7 =	rddreg [dreg:$0x0]  }
0x2: {  	s1 =	rddreg [dreg:$0x1]  }
0x3: {  	s0 =	rddreg [dreg:$0x2];
	s2 =	simm.s32 $0x0  }
0x4: {  	s6 =	srdreg.scid;
	s3 =	stileid.u32;
	s21 =	simm.s32 $0x100  }
0x5: {  	s22 =	simm.s32 $0x80;
	s23 =	simm.s32 $0x0;
	[smem:$0x7FF] =	sst s2  }
0x6: {  	s4 =	sadd.s32 $0x3F800, s7;
	s5 =	sadd.s32 $0x35A00, s7;
	s11 =	sand.u32 $0x1, s6  }
0x7: {  	s8 =	smul.u32 $0x4E00, s3;
	s6 =	sadd.s32 $0x2200, s7;
	s17 =	sadd.s32 $0x4A00, s7  }
0x8: {  	s14 =	smul.u32 $0x1380, s3;
	s31 =	sshll.u32 s3, $0x1;
	p0 =	sne.s32 s3, $0xF  }
0x9: {  	p1 =	sgt.u32 s3, $0x1;
	_ =	strace $0x8000004A;
	s30 =	ssub.s32 $0x2, s11  }
0xa: {  	s13 =	sor.u32 s11, s31;
	s15 =	smul.u32 $0x13880, s11;
	s9 =	sshrl.u32 s30, $0x1  }
0xb: {  	s8 =	sshrl.u32 s8, $0x2;
	s7 =	sadd.s32 s14, s1;
	s16 =	sshll.u32 s13, $0x4  }
0xc: {  	s13 =	smul.u32 $0x2700, s13;
	s18 =	ssub.s32 s30, s9;
	s12 =	sadd.s32 s8, s1  }
0xd: {  	s16 =	sor.u32 $0x9C00, s16;
	s19 =	sadd.s32 s14, s15;
	s20 =	sshrl.u32 s15, $0x3  }
.Ltmp0:
0xe: {  	s8 =	sadd.s32 $0x400, s12;
	s9 =	sadd.s32 $0x800, s12;
	(pc) =	sbr.rel .LBB2_1-.Ltmp0, $4  }
0xf: {  	s10 =	sadd.s32 $0xC00, s12;
	s11 =	sadd.s32 $0x1000, s12;
	s12 =	sadd.s32 $0x13800, s1  }
0x10: {  	s14 =	sadd.s32 s4, s16;
	s19 =	sshrl.u32 s19, $0x3;
	s15 =	sadd.s32 s5, s16  }
0x11: {  	v0 =	vlaneseq.u32;
	s18 =	smax.u32 s18, $0x1;
	s16 =	sadd.s32 s17, s19;
	s17 =	sadd.s32 s17, s20  }
0x12: {  	v1 =	vimm.f32 $0.0e+00;
	v2 =	vmul.u32 $0x8, v0;
	s19 =	simm.s32 $0x500;
	s20 =	simm.s32 $0x1;
	s17 =	sadd.s32 $0x2700, s17  }
.LBB2_11:
0x13: {  	s24 =	sshll.u32 s3, $0x6  }
0x14: {  	[bflag:$0x0] =	sbarrier.arrive $0xFFFF;
	s25 =	sshrl.u32 s7, $0x3;
	s24 =	sor.u32 $0x1C01, s24  }
0x15: {  	[hbm:s16], [sflag:s24] =	dma.local [spmem:s25], $0x270  }
0x16: {  	_ =	swait.ge [sflag:s20], $0x270  }
0x17: {  	s23 =	sadd.s32 $0x1, s23;
	[sflag:s20] =	ssyncset.done $0x0  }
0x18: {  	p2 =	sne.s32 s23, s18;
	s25 =	sshrl.u32 @!p0 s12, $0x3;
	[sflag:s20] =	ssyncadd.s32 $0xFFFFFD90  }
0x19: {  	[hbm:s17], [sflag:s24] =	dma.local @!p0 [spmem:s25], $0x10  }
.Ltmp1:
0x1a: {  	_ = 	snop;
	(pc) =	sbr.rel @!p2 .LBB2_12-.Ltmp1, $4  }
0x1b: {  	s24 =	simm.s32 @!p0 $0x1  }
0x1c: {  	_ =	swait.ge @!p0 [sflag:s24], $0x10  }
0x1d: {  	[sflag:s24] =	ssyncset.done @!p0 $0x0  }
0x1e: {  	[sflag:s24] =	ssyncadd.s32 @!p0 $0xFFFFFFF0  }
.LBB2_1:
0x1f: {  	[tilespmem:s19], [sflag:$0x1] =	stream.linear.gather [hbm4b:s6+s2], $0x13880, $0x38;
	[tilespmem:$0x15108] =	vst v63  }
0x20: {  	_ =	swait.ge [sflag:s20], $0x13880  }
0x21: {  	[sflag:s20] =	ssyncset.done $0x0  }
0x22: {  	s24 =	simm.s32 $0x10;
	v3 =	vor.u32 s2, v0;
	[sflag:s20] =	ssyncadd.s32 $0xFFFEC780  }
.LBB2_2:
0x23: {  	p2 =	sne.s32 s24, $0x3F0  }
.Ltmp2:
0x24: {  	_ = 	snop;
	(pc) =	sbr.rel @p2 .LBB2_2-.Ltmp2, $3  }
0x25: {  	_ =	sdelay $0x1  }
0x26: {  	[tilespmem:v3+s21+$0x0] =	vst.idx.msk $0xffff, v1;
	s25 =	smov.u32 s24;
	s24 =	sadd.s32 $0x10, s24  }
0x27: {  	v3 =	vor.u32 s25, v0  }
0x28: {  	_ =	sdelay $0x3  }
0x29: {  	[tilespmem:v3+s21+$0x0] =	vst.idx.msk $0xffff, v1  }
0x2a: {  	[spmem:s7] =	stream.linear.scatter [tilespmem:s21], [sflag:$0x1], $0x400, $0x38;
	[tilespmem:$0x15108] =	vst v63  }
0x2b: {  	_ =	swait.ge [sflag:s20], $0x400  }
0x2c: {  	[sflag:s20] =	ssyncset.done $0x0  }
0x2d: {  	[sflag:s20] =	ssyncadd.s32 $0xFFFFFC00  }
0x2e: {  	[spmem:s8] =	stream.linear.scatter [tilespmem:s21], [sflag:$0x1], $0x400, $0x38;
	[tilespmem:$0x15108] =	vst v63  }
0x2f: {  	_ =	swait.ge [sflag:s20], $0x400  }
0x30: {  	[sflag:s20] =	ssyncset.done $0x0  }
0x31: {  	[sflag:s20] =	ssyncadd.s32 $0xFFFFFC00  }
0x32: {  	[spmem:s9] =	stream.linear.scatter [tilespmem:s21], [sflag:$0x1], $0x400, $0x38;
	[tilespmem:$0x15108] =	vst v63  }
0x33: {  	_ =	swait.ge [sflag:s20], $0x400  }
0x34: {  	[sflag:s20] =	ssyncset.done $0x0  }
0x35: {  	[sflag:s20] =	ssyncadd.s32 $0xFFFFFC00  }
0x36: {  	[spmem:s10] =	stream.linear.scatter [tilespmem:s21], [sflag:$0x1], $0x400, $0x38;
	[tilespmem:$0x15108] =	vst v63  }
0x37: {  	_ =	swait.ge [sflag:s20], $0x400  }
0x38: {  	[sflag:s20] =	ssyncset.done $0x0  }
0x39: {  	[sflag:s20] =	ssyncadd.s32 $0xFFFFFC00  }
0x3a: {  	[spmem:s11] =	stream.linear.scatter [tilespmem:s21], [sflag:$0x1], $0x380, $0x38;
	[tilespmem:$0x15108] =	vst v63  }
0x3b: {  	_ =	swait.ge [sflag:s20], $0x380  }
0x3c: {  	[sflag:s20] =	ssyncset.done $0x0  }
0x3d: {  	s24 =	simm.s32 @!p0 $0x100;
	[sflag:s20] =	ssyncadd.s32 $0xFFFFFC80  }
0x3e: {  	[spmem:s12] =	stream.linear.scatter @!p0 [tilespmem:s24], [sflag:$0x1], $0x80, $0x38;
	[tilespmem:$0x15108] =	vst v63  }
0x3f: {  	s24 =	simm.s32 @!p0 $0x1  }
0x40: {  	_ =	swait.ge @!p0 [sflag:s24], $0x80  }
0x41: {  	[sflag:s24] =	ssyncset.done @!p0 $0x0  }
0x42: {  	[sflag:s24] =	ssyncadd.s32 @!p0 $0xFFFFFF80  }
0x43: {  	s25 =	simm.s32 $0x0;
	s24 =	simm.s32 $0x0;
	[bflag:$0x0] =	sbarrier.arrive $0xFFFF  }
.LBB2_4:
0x44: {  	s26 =	sshll.u32 s25, $0x7  }
0x45: {  	s26 =	sadd.s32 s13, s26  }
0x46: {  	s26 =	sshrl.u32 s26, $0x3  }
0x47: {  	s28 =	sadd.s32 s4, s26  }
0x48: {  	[tilespmem:s24], [sflag:$0x1] =	stream.linear.gather [hbm4b:s28+s24], $0x80, $0x38;
	[tilespmem:$0x15108] =	vst v63  }
0x49: {  	_ =	swait.ge [sflag:s20], $0x80  }
0x4a: {  	[sflag:s20] =	ssyncset.done $0x0  }
0x4b: {  	s28 =	sadd.s32 s5, s26;
	s26 =	simm.s32 $0x80;
	[sflag:s20] =	ssyncadd.s32 $0xFFFFFF80  }
0x4c: {  	[tilespmem:s26], [sflag:$0x1] =	stream.linear.gather [hbm4b:s28+s24], $0x80, $0x38;
	[tilespmem:$0x15108] =	vst v63  }
0x4d: {  	_ =	swait.ge [sflag:s20], $0x80  }
0x4e: {  	[sflag:s20] =	ssyncset.done $0x0  }
0x4f: {  	[sflag:s20] =	ssyncadd.s32 $0xFFFFFF80  }
0x50: {  	v3 =	vld [tilespmem:s24+$0x0]  }
0x51: {  	v4 =	vld [tilespmem:s26+$0x0];
	_ =	sdelay $0x3  }
0x52: {  	v3 =	vshll.u32 v3, $0x3  }
0x53: {  	v4 =	vshll.u32 v4, $0x3;
	v5 =	vor.u32 $0x2, v3  }
0x54: {  	v4 =	vor.u32 $0x3, v4;
	_ =	sdelay $0x3  }
0x55: {  	v5 =	vld.idx.msk [tilespmem:v5+s19+$0x0], $0xffff  }
0x56: {  	v4 =	vld.idx.msk [tilespmem:v4+s19+$0x0], $0xffff;
	_ =	sdelay $0x4  }
0x57: {  	v4 =	vadd.f32 v4, v5;
	_ =	sdelay $0x1  }
0x58: {  	v5 =	vmul.f32 $2.000000030e-01, v4  }
0x59: {  	vm0 =	vgt.f32 v4, $0.0e+00  }
0x5a: {  	v4 =	vsel vm0, v4, v5  }
0x5b: {  	v4 =	vmul.f32 $1.442695020e+00, v4;
	_ =	sdelay $0x1  }
0x5c: {  	(erf) = vpow2.f32 v4;
	v4 =	vor.u32 $0x1, v3;
	_ =	sdelay $0x3  }
0x5d: {  	v5 =	vld.idx.msk [tilespmem:v3+s19+$0x0], $0xffff  }
0x5e: {  	v3 =	vmov s24;
	v4 =	vld.idx.msk [tilespmem:v4+s19+$0x0], $0xffff  }
0x5f: {  	v3 =	vshll.u32 v3, $0x3;
	_ =	sdelay $0x1  }
0x60: {  	v6 =	vor.u32 v2, v3  }
0x61: {  	v7 =	vor.u32 $0x1, v6;
	v3 =	vpop (erf)  }
0x62: {  	v8 =	vmul.f32 v3, v4;
	v4 =	vor.u32 $0x2, v6  }
0x63: {  	v5 =	vmul.f32 v3, v5;
	_ =	sdelay $0x1  }
0x64: {  	[tilespmem:v6+s21+$0x0] =	vst.idx.msk $0xffff, v5  }
0x65: {  	s29 =	simm.s32 $0x0;
	s28 =	simm.s32 $0x10;
	[tilespmem:v7+s21+$0x0] =	vst.idx.msk $0xffff, v8  }
.LBB2_5:
0x66: {  	p2 =	sne.s32 s28, $0x70;
	[tilespmem:v4+s21+$0x0] =	vst.idx.msk $0xffff, v3;
	s29 =	sadd.s32 $0x10, s29;
	s26 =	sadd.s32 $0x10, s26  }
0x67: {  	s30 =	smov.u32 s28;
	s28 =	sadd.s32 $0x10, s28;
	v3 =	vld [tilespmem:s29+$0x0]  }
0x68: {  	v4 =	vld [tilespmem:s26+$0x0];
	_ =	sdelay $0x3  }
0x69: {  	v3 =	vshll.u32 v3, $0x3  }
0x6a: {  	v5 =	vor.u32 $0x1, v3;
	v6 =	vor.u32 $0x2, v3;
	v4 =	vshll.u32 v4, $0x3  }
0x6b: {  	v4 =	vor.u32 $0x3, v4;
	_ =	sdelay $0x3  }
0x6c: {  	v6 =	vld.idx.msk [tilespmem:v6+s19+$0x0], $0xffff  }
0x6d: {  	v4 =	vld.idx.msk [tilespmem:v4+s19+$0x0], $0xffff;
	_ =	sdelay $0x5  }
0x6e: {  	v4 =	vadd.f32 v4, v6;
	_ =	sdelay $0x1  }
0x6f: {  	v6 =	vmul.f32 $2.000000030e-01, v4  }
0x70: {  	vm0 =	vgt.f32 v4, $0.0e+00  }
0x71: {  	v4 =	vsel vm0, v4, v6  }
0x72: {  	v4 =	vmul.f32 $1.442695020e+00, v4;
	_ =	sdelay $0x1  }
0x73: {  	(erf) = vpow2.f32 v4;
	_ =	sdelay $0x3  }
0x74: {  	v6 =	vld.idx.msk [tilespmem:v3+s19+$0x0], $0xffff  }
0x75: {  	v3 =	vmov s30;
	v5 =	vld.idx.msk [tilespmem:v5+s19+$0x0], $0xffff  }
0x76: {  	v3 =	vshll.u32 v3, $0x3  }
0x77: {  	v7 =	vor.u32 v2, v3  }
0x78: {  	v8 =	vor.u32 $0x1, v7  }
.Ltmp3:
0x79: {  	v4 =	vor.u32 $0x2, v7;
	v3 =	vpop (erf);
	(pc) =	sbr.rel @p2 .LBB2_5-.Ltmp3, $4  }
0x7a: {  	v6 =	vmul.f32 v3, v6  }
0x7b: {  	v5 =	vmul.f32 v3, v5  }
0x7c: {  	[tilespmem:v7+s21+$0x0] =	vst.idx.msk $0xffff, v6  }
0x7d: {  	[tilespmem:v8+s21+$0x0] =	vst.idx.msk $0xffff, v5  }
0x7e: {  	_ =	sdelay $0x1  }
0x7f: {  	s25 =	sadd.s32 $0x1, s25  }
0x80: {  	p2 =	sne.s32 s25, $0x4E  }
.Ltmp4:
0x81: {  	[tilespmem:v4+s21+$0x0] =	vst.idx.msk $0xffff, v3;
	(pc) =	sbr.rel @p2 .LBB2_4-.Ltmp4, $4  }
0x82: {  	[spmem:s1] =	stream.indirect.scatter.add.f32 [tilespmem:s21], [sflag:$0x1], $0x8, s22, s22, $0xb8;
	[tilespmem:$0x15108] =	vst v63  }
0x83: {  	_ =	swait.ge [sflag:s20], $0x400  }
0x84: {  	[sflag:s20] =	ssyncset.done $0x0  }
0x85: {  	[sflag:s20] =	ssyncadd.s32 $0xFFFFFC00  }
.Ltmp5:
0x86: {  	(pc) =	sbr.rel @p1 .LBB2_11-.Ltmp5, $1  }
0x87: {  	_ =	sdelay $0x3  }
0x88: {  	s24 =	simm.s32 $0x0  }
0x89: {  	[tilespmem:s24], [sflag:$0x1] =	stream.linear.gather [hbm4b:s14+s24], $0x80, $0x38;
	[tilespmem:$0x15108] =	vst v63  }
0x8a: {  	_ =	swait.ge [sflag:s20], $0x80  }
0x8b: {  	[sflag:s20] =	ssyncset.done $0x0  }
0x8c: {  	s25 =	simm.s32 $0x80;
	[sflag:s20] =	ssyncadd.s32 $0xFFFFFF80  }
0x8d: {  	[tilespmem:s25], [sflag:$0x1] =	stream.linear.gather [hbm4b:s15+s24], $0x80, $0x38;
	[tilespmem:$0x15108] =	vst v63  }
0x8e: {  	_ =	swait.ge [sflag:s20], $0x80  }
0x8f: {  	[sflag:s20] =	ssyncset.done $0x0  }
0x90: {  	[sflag:s20] =	ssyncadd.s32 $0xFFFFFF80  }
0x91: {  	v3 =	vld [tilespmem:s24+$0x0]  }
0x92: {  	v4 =	vld [tilespmem:s25+$0x0];
	_ =	sdelay $0x3  }
0x93: {  	v3 =	vshll.u32 v3, $0x3  }
0x94: {  	v4 =	vshll.u32 v4, $0x3;
	v5 =	vor.u32 $0x2, v3  }
0x95: {  	v4 =	vor.u32 $0x3, v4;
	_ =	sdelay $0x3  }
0x96: {  	v5 =	vld.idx.msk [tilespmem:v5+s19+$0x0], $0xffff  }
0x97: {  	v4 =	vld.idx.msk [tilespmem:v4+s19+$0x0], $0xffff;
	_ =	sdelay $0x4  }
0x98: {  	v4 =	vadd.f32 v4, v5;
	_ =	sdelay $0x1  }
0x99: {  	v5 =	vmul.f32 $2.000000030e-01, v4  }
0x9a: {  	vm0 =	vgt.f32 v4, $0.0e+00  }
0x9b: {  	v4 =	vsel vm0, v4, v5  }
0x9c: {  	v4 =	vmul.f32 $1.442695020e+00, v4;
	_ =	sdelay $0x1  }
0x9d: {  	(erf) = vpow2.f32 v4;
	v4 =	vor.u32 $0x1, v3;
	_ =	sdelay $0x3  }
0x9e: {  	v5 =	vld.idx.msk [tilespmem:v3+s19+$0x0], $0xffff  }
0x9f: {  	v3 =	vmov s24;
	v4 =	vld.idx.msk [tilespmem:v4+s19+$0x0], $0xffff  }
0xa0: {  	v3 =	vshll.u32 v3, $0x3;
	_ =	sdelay $0x1  }
0xa1: {  	v6 =	vor.u32 v2, v3  }
0xa2: {  	v7 =	vor.u32 $0x1, v6;
	v3 =	vpop (erf)  }
0xa3: {  	v8 =	vmul.f32 v3, v4;
	v4 =	vor.u32 $0x2, v6  }
0xa4: {  	v5 =	vmul.f32 v3, v5;
	_ =	sdelay $0x1  }
0xa5: {  	[tilespmem:v6+s21+$0x0] =	vst.idx.msk $0xffff, v5  }
0xa6: {  	s26 =	simm.s32 $0x10;
	[tilespmem:v7+s21+$0x0] =	vst.idx.msk $0xffff, v8  }
.LBB2_9:
0xa7: {  	p2 =	sne.s32 s26, $0x70;
	[tilespmem:v4+s21+$0x0] =	vst.idx.msk $0xffff, v3;
	s24 =	sadd.s32 $0x10, s24;
	s25 =	sadd.s32 $0x10, s25  }
0xa8: {  	s28 =	smov.u32 s26;
	s26 =	sadd.s32 $0x10, s26;
	v3 =	vld [tilespmem:s24+$0x0]  }
0xa9: {  	v4 =	vld [tilespmem:s25+$0x0];
	_ =	sdelay $0x3  }
0xaa: {  	v3 =	vshll.u32 v3, $0x3  }
0xab: {  	v5 =	vor.u32 $0x1, v3;
	v6 =	vor.u32 $0x2, v3;
	v4 =	vshll.u32 v4, $0x3  }
0xac: {  	v4 =	vor.u32 $0x3, v4;
	_ =	sdelay $0x3  }
0xad: {  	v6 =	vld.idx.msk [tilespmem:v6+s19+$0x0], $0xffff  }
0xae: {  	v4 =	vld.idx.msk [tilespmem:v4+s19+$0x0], $0xffff;
	_ =	sdelay $0x5  }
0xaf: {  	v4 =	vadd.f32 v4, v6;
	_ =	sdelay $0x1  }
0xb0: {  	v6 =	vmul.f32 $2.000000030e-01, v4  }
0xb1: {  	vm0 =	vgt.f32 v4, $0.0e+00  }
0xb2: {  	v4 =	vsel vm0, v4, v6  }
0xb3: {  	v4 =	vmul.f32 $1.442695020e+00, v4;
	_ =	sdelay $0x1  }
0xb4: {  	(erf) = vpow2.f32 v4;
	_ =	sdelay $0x3  }
0xb5: {  	v6 =	vld.idx.msk [tilespmem:v3+s19+$0x0], $0xffff  }
0xb6: {  	v3 =	vmov s28;
	v5 =	vld.idx.msk [tilespmem:v5+s19+$0x0], $0xffff  }
0xb7: {  	v3 =	vshll.u32 v3, $0x3  }
0xb8: {  	v7 =	vor.u32 v2, v3  }
0xb9: {  	v8 =	vor.u32 $0x1, v7  }
.Ltmp6:
0xba: {  	v4 =	vor.u32 $0x2, v7;
	v3 =	vpop (erf);
	(pc) =	sbr.rel @p2 .LBB2_9-.Ltmp6, $4  }
0xbb: {  	v6 =	vmul.f32 v3, v6  }
0xbc: {  	v5 =	vmul.f32 v3, v5  }
0xbd: {  	[tilespmem:v7+s21+$0x0] =	vst.idx.msk $0xffff, v6  }
0xbe: {  	[tilespmem:v8+s21+$0x0] =	vst.idx.msk $0xffff, v5  }
0xbf: {  	_ =	sdelay $0x3  }
.Ltmp7:
0xc0: {  	[tilespmem:v4+s21+$0x0] =	vst.idx.msk $0xffff, v3;
	(pc) =	sbr.rel .LBB2_11-.Ltmp7, $4  }
0xc1: {  	[spmem:s1] =	stream.indirect.scatter.add.f32 [tilespmem:s21], [sflag:$0x1], $0x8, s22, s22, $0xb8;
	[tilespmem:$0x15108] =	vst v63  }
0xc2: {  	_ =	swait.ge [sflag:s20], $0x400  }
0xc3: {  	[sflag:s20] =	ssyncset.done $0x0  }
0xc4: {  	[sflag:s20] =	ssyncadd.s32 $0xFFFFFC00  }
.LBB2_12:
0xc5: {  	_ =	sfence.sel $0x180000  }
0xc6: {  	[bflag:$0x0] =	sbarrier.arrive $0xFFFF  }
0xc7: {  	p0 =	sne.s32 s3, $0x0;
	_ =	strace $0x9000004A  }
0xc8: {  	s0 =	sadd.s32 @!p0 $0x100000, s0;
	[bflag:$0x2] =	sbarrier.arrive $0xFFFF  }
0xc9: {  	[sflag:s0] =	ssyncadd.tile.s32 @!p0 $0x1;
	_ =	shalt  }
.Lfunc_end2:
_tile_overlayer_lowered:
.L_overlay_start_2:
0xca: {  	(tag) =	ssettag $0x2  }
0xcb: {  	s0 =	rddreg [dreg:$0x0];
	s2 =	stileid.u32  }
0xcc: {  	s1 =	rddreg [dreg:$0x1];
	p0 =	sne.s32 s2, $0x0  }
0xcd: {  	s3 =	rddreg [dreg:$0x2];
	[bflag:$0x3] =	sbarrier.arrive $0xFFFF;
	s2 =	simm.s32 @!p0 $0x1C01  }
0xce: {  	[timem:s3], [sflag:s2] =	dma.local @!p0 [hbm:s0], s1  }
0xcf: {  	s0 =	simm.s32 @!p0 $0x1  }
0xd0: {  	_ =	swait.ge @!p0 [sflag:s0], s1  }
0xd1: {  	s1 =	ssub.s32 @!p0 $0x0, s1;
	[sflag:s0] =	ssyncset.done @!p0 $0x0  }
0xd2: {  	[sflag:s0] =	ssyncadd.s32 @!p0 s1  }
0xd3: {  	[bflag:$0x3] =	sbarrier.arrive $0xFFFF  }
0xd4: {  	_ =	shalt  }

// kernel: kernel.7.cloned.1.call-start
scs
__scs_entry_jumppad:
0x0: {  	(pc) =	sbr.rel $0x88, $3  }
0x1: {  	(tag) =	ssettag $0x0;
	lr =	simm.s32 $0x1  }
0x2: {  	[smem:$0x3F93] =	sst lr;
	_ =	strace $0xD0000000  }
0x3: {  	_ = 	snop  }
0x4: {  	_ = 	snop  }
0x5: {  	_ = 	snop  }
0x6: {  	_ = 	snop  }
0x7: {  	_ = 	snop  }
__scs_overlays_trampoline_lowered:
0x8: {  	[smem:$0x3FA2] =	sst s0  }
0x9: {  	[smem:$0x3FA3] =	sst s1  }
0xa: {  	[smem:$0x3FA4] =	sst s2  }
0xb: {  	[smem:$0x3FA5] =	sst s3  }
0xc: {  	[smem:$0x3FA6] =	sst s4  }
0xd: {  	[smem:$0x3FA7] =	sst s5  }
0xe: {  	[smem:$0x3FA8] =	sst s6  }
0xf: {  	[smem:$0x3FA9] =	sst s7  }
0x10: {  	[smem:$0x3FAA] =	sst s8  }
0x11: {  	[smem:$0x3FAB] =	sst s9;
	s0 =	simm.s32 @!p0 $0x0  }
0x12: {  	s1 =	sld [smem:$0x3F91];
	s0 =	simm.s32 @p0 $0x1  }
0x13: {  	[smem:$0x3FAC] =	sst s0;
	s0 =	simm.s32 @!p1 $0x0  }
0x14: {  	s2 =	sld [smem:$0x3F90];
	s0 =	simm.s32 @p1 $0x1  }
0x15: {  	[smem:$0x3FAD] =	sst s0;
	s0 =	simm.s32 @!p2 $0x0  }
0x16: {  	s3 =	sld [smem:$0x3FDB];
	s0 =	simm.s32 @p2 $0x1  }
0x17: {  	s4 =	simm.s32 $0x1BF5;
	[smem:$0x3FAF] =	sst s0  }
0x18: {  	s0 =	sld [smem:$0x3F92];
	_ =	swait.ge [sflag:s4], $0x0  }
0x19: {  	s7 =	sld [smem:$0x3F93]  }
0x1a: {  	s8 =	sadd.s32 $0xFFFFE003, lr  }
0x1b: {  	s9 =	sadd.s32 $0xFFFFFEF7, lr;
	s5 =	simm.s32 $0xFFFFFFFF;
	p2 =	slt.u32 s8, $0xFFFFF086  }
0x1c: {  	p1 =	slt.u32 s9, $0xF7A;
	s5 =	simm.s32 @!p2 $0x0  }
0x1d: {  	s5 =	simm.s32 @p1 $0x1;
	p0 =	seq.s32 s7, s2  }
0x1e: {  	s7 =	smul.u32 @!p0 $0xF7A, s2;
	p2 =	seq.s32 @!p0 s5, $0x0  }
0x1f: {  	s9 =	smul.u32 $0xF7A, s1;
	s8 =	simm.s32 @!p0 $0x1BF5;
	p2 =	por !p2, p0  }
0x20: {  	[sflag:s8] =	ssyncset.s32 @!p0 $0xFFFFF086;
	s6 =	sadd.s32 @!p0 s3, s7;
	s7 =	simm.s32 @!p0 $0x108  }
0x21: {  	s3 =	sadd.s32 s3, s9;
	s6 =	sadd.s32 @!p0 $0x88, s6;
	s7 =	simm.s32 @p2 $0x1082  }
0x22: {  	[simem:s7], [sflag:s8] =	dma.local @!p0 [hbm:s6], $0xF7A  }
0x23: {  	s9 =	sor.u32 $0xD0000000, s2;
	s6 =	simm.s32 $0x108;
	_ =	swait.ge @!p0 [sflag:s8], $0x0  }
0x24: {  	s3 =	sadd.s32 $0x88, s3;
	s6 =	simm.s32 @!p1 $0x1082;
	[sflag:s4] =	ssyncset.s32 $0xFFFFF086  }
0x25: {  	[simem:s6], [sflag:s4] =	dma.local [hbm:s3], $0xF7A  }
0x26: {  	[smem:$0x3F93] =	sst s1;
	(tag) =	ssettag s2;
	_ =	strace s9  }
0x27: {  	s1 =	sld [smem:$0x3FA3]  }
0x28: {  	s2 =	sld [smem:$0x3FA4]  }
0x29: {  	s4 =	sld [smem:$0x3FA6]  }
0x2a: {  	p0 =	seq.s32 s5, $0x0;
	s5 =	sld [smem:$0x3FA7]  }
0x2b: {  	s6 =	sld [smem:$0x3FA8]  }
0x2c: {  	s7 =	sld [smem:$0x3FA9]  }
0x2d: {  	s3 =	simm.s32 $0x108;
	s8 =	sld [smem:$0x3FAA]  }
0x2e: {  	s3 =	simm.s32 @!p0 $0x1082;
	s9 =	sld [smem:$0x3FAB]  }
0x2f: {  	lr =	sadd.s32 s0, s3;
	s0 =	sld [smem:$0x3FA2]  }
0x30: {  	s3 =	sld [smem:$0x3FA5]  }
0x31: {  	[smem:$0x3FAE] =	sst s10  }
0x32: {  	s10 =	sld [smem:$0x3FAC];
	_ =	sdelay $0x3  }
0x33: {  	p0 =	seq.s32 s10, $0x1;
	s10 =	sld [smem:$0x3FAE];
	_ =	sdelay $0x3  }
0x34: {  	[smem:$0x3FAE] =	sst s10  }
0x35: {  	s10 =	sld [smem:$0x3FAD];
	_ =	sdelay $0x3  }
0x36: {  	p1 =	seq.s32 s10, $0x1;
	s10 =	sld [smem:$0x3FAE];
	_ =	sdelay $0x3  }
0x37: {  	[smem:$0x3FAE] =	sst s10  }
0x38: {  	s10 =	sld [smem:$0x3FAF]  }
0x39: {  	_ = 	snop;
	(pc) =	sbr.ind lr, $3  }
0x3a: {  	_ = 	snop  }
0x3b: {  	_ = 	snop  }
0x3c: {  	p2 =	seq.s32 s10, $0x1;
	s10 =	sld [smem:$0x3FAE]  }
0x3d: {  	_ =	shalt  }
0x3e: {  	_ =	shalt  }
0x3f: {  	_ =	shalt  }
0x40: {  	_ =	shalt  }
0x41: {  	_ =	shalt  }
0x42: {  	_ =	shalt  }
0x43: {  	_ =	shalt  }
0x44: {  	_ =	shalt  }
0x45: {  	_ =	shalt  }
0x46: {  	_ =	shalt  }
0x47: {  	_ =	shalt  }
0x48: {  	_ =	shalt  }
0x49: {  	_ =	shalt  }
0x4a: {  	_ =	shalt  }
0x4b: {  	_ =	shalt  }
0x4c: {  	_ =	shalt  }
0x4d: {  	_ =	shalt  }
0x4e: {  	_ =	shalt  }
0x4f: {  	_ =	shalt  }
0x50: {  	_ =	shalt  }
0x51: {  	_ =	shalt  }
0x52: {  	_ =	shalt  }
0x53: {  	_ =	shalt  }
0x54: {  	_ =	shalt  }
0x55: {  	_ =	shalt  }
0x56: {  	_ =	shalt  }
0x57: {  	_ =	shalt  }
0x58: {  	_ =	shalt  }
0x59: {  	_ =	shalt  }
0x5a: {  	_ =	shalt  }
0x5b: {  	_ =	shalt  }
0x5c: {  	_ =	shalt  }
0x5d: {  	_ =	shalt  }
0x5e: {  	_ =	shalt  }
0x5f: {  	_ =	shalt  }
0x60: {  	_ =	shalt  }
0x61: {  	_ =	shalt  }
0x62: {  	_ =	shalt  }
0x63: {  	_ =	shalt  }
0x64: {  	_ =	shalt  }
0x65: {  	_ =	shalt  }
0x66: {  	_ =	shalt  }
0x67: {  	_ =	shalt  }
0x68: {  	_ =	shalt  }
0x69: {  	_ =	shalt  }
0x6a: {  	_ =	shalt  }
0x6b: {  	_ =	shalt  }
0x6c: {  	_ =	shalt  }
0x6d: {  	_ =	shalt  }
0x6e: {  	_ =	shalt  }
0x6f: {  	_ =	shalt  }
0x70: {  	_ =	shalt  }
0x71: {  	_ =	shalt  }
0x72: {  	_ =	shalt  }
0x73: {  	_ =	shalt  }
0x74: {  	_ =	shalt  }
0x75: {  	_ =	shalt  }
0x76: {  	_ =	shalt  }
0x77: {  	_ =	shalt  }
0x78: {  	_ =	shalt  }
0x79: {  	_ =	shalt  }
0x7a: {  	_ =	shalt  }
0x7b: {  	_ =	shalt  }
0x7c: {  	_ =	shalt  }
0x7d: {  	_ =	shalt  }
0x7e: {  	_ =	shalt  }
0x7f: {  	_ =	shalt  }
0x80: {  	_ =	shalt  }
0x81: {  	_ =	shalt  }
0x82: {  	_ =	shalt  }
0x83: {  	_ =	shalt  }
0x84: {  	_ =	shalt  }
0x85: {  	_ =	shalt  }
0x86: {  	_ =	shalt  }
0x87: {  	_ =	shalt  }
.Lfunc_end0:
.L_simem_size_0:
called_computation_lowered:
.L_overlay_start_0:
0x88: {  	s2 =	sld [smem:$0x3FD9]  }
0x89: {  	s3 =	sld [smem:$0x3FFE];
	_ =	sdelay $0x1  }
0x8a: {  	s1 =	srdreg.scid  }
0x8b: {  	s0 =	sand.u32 $0x1, s1  }
0x8c: {  	s16 =	sshll.u32 s0, $0xA;
	s2 =	sadd.s32 s3, s2  }
0x8d: {  	s2 =	sadd.s32 s2, s16  }
0x8e: {  	[smem:$0x3FBA] =	sst s2  }
0x8f: {  	_ = 	snop  }
0x90: {  	(tm) =	ssettm $0x1  }
0x91: {  	s17 =	sld [smem:$0x3FFB];
	_ =	sdelay $0x3  }
0x92: {  	_ =	strace s17  }
0x93: {  	s2 =	sld [smem:$0x3FFC];
	_ =	sdelay $0x3  }
0x94: {  	_ =	strace s2  }
0x95: {  	s2 =	sld [smem:$0x3FFD];
	_ =	sdelay $0x3  }
0x96: {  	_ =	strace s2  }
0x97: {  	_ =	strace $0x8FFFFFFF  }
0x98: {  	s18 =	sld [smem:$0x3FDB];
	_ =	sdelay $0x1  }
0x99: {  	s19 =	simm.s32 $_scs_section_size  }
0x9a: {  	s4 =	simm.s32 $_size__tile_overlayer_lowered;
	s5 =	simm.s32 $_tile_overlayer_lowered  }
0x9b: {  	s22 =	simm.s32 $0x1BFF;
	s21 =	sshll.u32 s5, $0x1;
	s2 =	sadd.s32 s19, s18  }
0x9c: {  	s6 =	simm.s32 $0x0;
	s20 =	sshll.u32 s4, $0x1;
	s4 =	sadd.s32 s21, s2  }
0x9d: {  	[timem:s6], [sflag:s22] =	dma.local [hbm:s4], s20  }
0x9e: {  	_ =	swait.ge [sflag:s22], s20  }
0x9f: {  	s3 =	ssub.s32 $0x0, s20;
	[sflag:s22] =	ssyncset.done $0x0  }
0xa0: {  	[sflag:s22] =	ssyncadd.s32 s3;
	_ =	sdelay $0x1  }
0xa1: {  	s23 =	simm.s32 $0x1B8B  }
0xa2: {  	_ =	swait.ge [sflag:s23], $0x1  }
0xa3: {  	[sflag:s23] =	ssyncset.done $0x0  }
0xa4: {  	s25 =	simm.s32 $0x1B8E;
	s24 =	sld [smem:$0x3FFE];
	[sflag:s23] =	ssyncadd.s32 $0xFFFFFFFF  }
0xa5: {  	s26 =	simm.s32 $execute0_lowered;
	[smem:$0x3FD2] =	sst s25  }
0xa6: {  	s4 =	sshll.u32 s26, $0x1;
	_ =	strace $0x80000046;
	[dreg:$0x1] =	wrdreg $0xFFFFFFFF  }
0xa7: {  	s28 =	simm.s32 $_size_execute0_lowered;
	s2 =	sadd.s32 s2, s4;
	[dreg:$0x0] =	wrdreg $0x0  }
0xa8: {  	s4 =	sshll.u32 s28, $0x1;
	[dreg:$0x2] =	wrdreg s2  }
0xa9: {  	[dreg:$0x3] =	wrdreg s4  }
0xaa: {  	[dreg:$0x4] =	wrdreg $0xC0  }
0xab: {  	_ =	task [dreg:s6], $0x5FFFF  }
0xac: {  	[dreg:$0x1] =	wrdreg $0xFFFFFFFF  }
0xad: {  	[dreg:$0x0] =	wrdreg $0x60  }
0xae: {  	[dreg:$0x2] =	wrdreg s24  }
0xaf: {  	[dreg:$0x3] =	wrdreg $0x182800  }
0xb0: {  	[dreg:$0x4] =	wrdreg $0x9  }
0xb1: {  	_ =	task.clear_ibuf [dreg:s6], $0x5FFFF;
	_ =	strace $0x90000046  }
0xb2: {  	s29 =	simm.s32 $0x9;
	_ =	strace $0x80000048  }
0xb3: {  	_ =	swait.ge [sflag:s29], $0x1  }
0xb4: {  	[sflag:s29] =	ssyncadd.s32 $0xFFFFFFFF  }
0xb5: {  	_ =	strace $0x90000048  }
0xb6: {  	_ =	sfence  }
0xb7: {  	s30 =	sld [smem:$0x0];
	_ =	sdelay $0x2  }
0xb8: {  	s31 =	sshll.u32 s1, $0xD;
	s1 =	sshrl.u32 s1, $0x2  }
0xb9: {  	s3 =	sand.u32 $0x4000, s31;
	s1 =	sadd.s32 s1, s30  }
0xba: {  	s0 =	sor.u32 s3, s0;
	s1 =	sshll.u32 s1, $0x11  }
0xbb: {  	s0 =	sor.u32 s1, s0  }
0xbc: {  	s0 =	sadd.s32 $0x8F2B, s0  }
0xbd: {  	[sflag:s0] =	ssyncadd.remote.s32 $0x1  }
0xbe: {  	_ =	sfence.sel $0xFFFF  }
0xbf: {  	[dreg:$0x0] =	wrdreg $0xFFFFFFFF;
	(pc) =	sbr.abs _section_cstart, $3  }
0xc0: {  	[dreg:$0x1] =	wrdreg $0xFFFFFFFF  }
0xc1: {  	_ =	task.clear_ibuf [dreg:s6], $0x2FFFF;
	_ =	strace $0x9FFFFFFF  }
0xc2: {  	(tm) =	ssettm $0x7FFFFFFF  }
0xc3: {  	_ =	shalt  }
tec
execute0_lowered:
.L_overlay_start_1:
0x0: {  	(tag) =	ssettag $0x1  }
0x1: {  	s0 =	rddreg [dreg:$0x0]  }
0x2: {  	s1 =	rddreg [dreg:$0x1];
	s2 =	simm.s32 $0x0;
	s21 =	srdreg.scid  }
0x3: {  	s12 =	stileid.u32;
	s28 =	simm.s32 $0x2600;
	s29 =	simm.s32 $0x3600  }
0x4: {  	s30 =	simm.s32 $0x2580;
	s31 =	simm.s32 $0x2;
	s16 =	simm.s32 $0x0  }
0x5: {  	[smem:$0x7FF] =	sst s2;
	s4 =	sadd.s32 $0x3F800, s0;
	s5 =	sadd.s32 $0x35A00, s0  }
0x6: {  	s6 =	sadd.s32 $0x2BC00, s0;
	s2 =	sand.u32 $0x1, s21;
	s7 =	smul.u32 $0x18600, s12  }
0x7: {  	s3 =	sadd.s32 $0x29400, s0;
	s0 =	sadd.s32 $0x49600, s0;
	s9 =	smul.u32 $0x6180, s12  }
0x8: {  	s23 =	sshll.u32 s12, $0x1;
	s14 =	sadd.s32 $0x61800, s1;
	s21 =	simm.s32 $0x4A00  }
0x9: {  	p0 =	sne.s32 s12, $0xF;
	p1 =	sgt.u32 s12, $0x1;
	_ =	strace $0x80000047  }
0xa: {  	[dreg:$0x3] =	wrdreg s3;
	s22 =	ssub.s32 $0x2, s2;
	s10 =	sor.u32 s2, s23  }
0xb: {  	s2 =	smul.u32 $0x61A80, s2;
	s23 =	simm.s32 $0x1100;
	s8 =	sshrl.u32 s22, $0x1  }
0xc: {  	s7 =	sshrl.u32 s7, $0x2;
	s25 =	sshll.u32 s10, $0x4;
	s3 =	ssub.s32 s22, s8  }
0xd: {  	s8 =	sadd.s32 s9, s1;
	s7 =	sadd.s32 s7, s1;
	s9 =	sadd.s32 s9, s2  }
0xe: {  	s2 =	sshrl.u32 s2, $0x3;
	s22 =	simm.s32 $0x4;
	s11 =	sadd.s32 $0x1400, s7  }
0xf: {  	s24 =	sadd.s32 $0x2800, s7;
	s13 =	sadd.s32 $0x3C00, s7;
	[dreg:$0x4] =	wrdreg s11  }
0x10: {  	s9 =	sshrl.u32 s9, $0x3;
	s2 =	sadd.s32 s0, s2;
	[dreg:$0x5] =	wrdreg s24  }
0x11: {  	s20 =	smax.u32 s3, $0x1;
	s11 =	smul.u32 $0x2700, s10;
	[dreg:$0x6] =	wrdreg s13  }
.Ltmp0:
0x12: {  	s13 =	sadd.s32 $0x5000, s7;
	s7 =	sor.u32 $0x9C00, s25;
	(pc) =	sbr.rel .LBB2_1-.Ltmp0, $4  }
0x13: {  	s18 =	sadd.s32 s0, s9;
	s19 =	sadd.s32 $0xC300, s2;
	s24 =	simm.s32 $0x100  }
0x14: {  	s25 =	simm.s32 $0x1;
	s0 =	simm.s32 $0x3;
	s26 =	sadd.s32 s4, s7  }
0x15: {  	s2 =	simm.s32 $0x0;
	s7 =	sadd.s32 s5, s7;
	[dreg:$0x7] =	wrdreg s26  }
0x16: {  	v0 =	vimm.f32 $0.0e+00;
	v1 =	vlaneseq.u32;
	s15 =	sor.u32 $0x80, s11;
	[dreg:$0x8] =	wrdreg s7;
	s26 =	simm.s32 $0x80  }
.LBB2_13:
0x17: {  	s3 =	stileid.u32  }
0x18: {  	s3 =	sshll.u32 s3, $0x6  }
0x19: {  	[bflag:$0x0] =	sbarrier.arrive $0xFFFF;
	s7 =	sshrl.u32 s8, $0x3;
	s3 =	sor.u32 $0x1C04, s3  }
0x1a: {  	[hbm:s18], [sflag:s3] =	dma.local [spmem:s7], $0xC30  }
0x1b: {  	_ =	swait.ge [sflag:s22], $0xC30  }
0x1c: {  	s2 =	sadd.s32 $0x1, s2;
	[sflag:s22] =	ssyncset.done $0x0  }
0x1d: {  	p2 =	sne.s32 s2, s20;
	s7 =	sshrl.u32 @!p0 s14, $0x3;
	[sflag:s22] =	ssyncadd.s32 $0xFFFFF3D0  }
0x1e: {  	[hbm:s19], [sflag:s3] =	dma.local @!p0 [spmem:s7], $0x50  }
.Ltmp1:
0x1f: {  	_ = 	snop;
	(pc) =	sbr.rel @!p2 .LBB2_14-.Ltmp1, $4  }
0x20: {  	s3 =	simm.s32 @!p0 $0x4  }
0x21: {  	_ =	swait.ge @!p0 [sflag:s3], $0x50  }
0x22: {  	[sflag:s3] =	ssyncset.done @!p0 $0x0  }
0x23: {  	[sflag:s3] =	ssyncadd.s32 @!p0 $0xFFFFFFB0  }
.LBB2_1:
0x24: {  	s3 =	simm.s32 $0x0;
	s7 =	rddreg [dreg:$0x3]  }
0x25: {  	[tilespmem:s21], [sflag:$0x4] =	stream.linear.gather [hbm4b:s7+s3], $0x13880, $0x38;
	[tilespmem:$0x1D588] =	vst v63  }
0x26: {  	_ =	swait.ge [sflag:s22], $0x13880  }
0x27: {  	[sflag:s22] =	ssyncset.done $0x0  }
0x28: {  	s7 =	simm.s32 $0x0;
	[sflag:s22] =	ssyncadd.s32 $0xFFFEC780  }
0x29: {  	s3 =	simm.s32 $0xA0;
	[tilespmem:s7+$0x1110] =	vst v0  }
.LBB2_2:
0x2a: {  	p2 =	sne.s32 s3, $0x4F60;
	[tilespmem:s7+$0x1112] =	vst v0;
	s9 =	smov.u32 s3;
	s3 =	sadd.s32 $0xA0, s3  }
.Ltmp2:
0x2b: {  	[tilespmem:s7+$0x1100] =	vst v0;
	(pc) =	sbr.rel @p2 .LBB2_2-.Ltmp2, $3  }
0x2c: {  	_ =	sdelay $0x1  }
0x2d: {  	s7 =	sshra.s32 s9, $0x2  }
0x2e: {  	[tilespmem:s7+$0x1110] =	vst v0  }
0x2f: {  	[tilespmem:s7+$0x1112] =	vst v0  }
0x30: {  	[tilespmem:s7+$0x1100] =	vst v0  }
0x31: {  	[spmem:s8] =	stream.linear.scatter [tilespmem:s23], [sflag:$0x4], $0x1400, $0x38;
	[tilespmem:$0x1D588] =	vst v63  }
0x32: {  	_ =	swait.ge [sflag:s22], $0x1400  }
0x33: {  	[sflag:s22] =	ssyncset.done $0x0  }
0x34: {  	s3 =	rddreg [dreg:$0x4];
	[sflag:s22] =	ssyncadd.s32 $0xFFFFEC00  }
0x35: {  	[spmem:s3] =	stream.linear.scatter [tilespmem:s23], [sflag:$0x4], $0x1400, $0x38;
	[tilespmem:$0x1D588] =	vst v63  }
0x36: {  	_ =	swait.ge [sflag:s22], $0x1400  }
0x37: {  	[sflag:s22] =	ssyncset.done $0x0  }
0x38: {  	s12 =	rddreg [dreg:$0x5];
	[sflag:s22] =	ssyncadd.s32 $0xFFFFEC00  }
0x39: {  	[spmem:s12] =	stream.linear.scatter [tilespmem:s23], [sflag:$0x4], $0x1400, $0x38;
	[tilespmem:$0x1D588] =	vst v63  }
0x3a: {  	_ =	swait.ge [sflag:s22], $0x1400  }
0x3b: {  	[sflag:s22] =	ssyncset.done $0x0  }
0x3c: {  	s17 =	rddreg [dreg:$0x6];
	[sflag:s22] =	ssyncadd.s32 $0xFFFFEC00  }
0x3d: {  	[spmem:s17] =	stream.linear.scatter [tilespmem:s23], [sflag:$0x4], $0x1400, $0x38;
	[tilespmem:$0x1D588] =	vst v63  }
0x3e: {  	_ =	swait.ge [sflag:s22], $0x1400  }
0x3f: {  	[sflag:s22] =	ssyncset.done $0x0  }
0x40: {  	[sflag:s22] =	ssyncadd.s32 $0xFFFFEC00  }
0x41: {  	[spmem:s13] =	stream.linear.scatter [tilespmem:s23], [sflag:$0x4], $0x1180, $0x38;
	[tilespmem:$0x1D588] =	vst v63  }
0x42: {  	_ =	swait.ge [sflag:s22], $0x1180  }
0x43: {  	[sflag:s22] =	ssyncset.done $0x0  }
0x44: {  	s3 =	simm.s32 @!p0 $0x1100;
	[sflag:s22] =	ssyncadd.s32 $0xFFFFEE80  }
0x45: {  	[spmem:s14] =	stream.linear.scatter @!p0 [tilespmem:s3], [sflag:$0x4], $0x280, $0x38;
	[tilespmem:$0x1D588] =	vst v63  }
0x46: {  	s3 =	simm.s32 @!p0 $0x4  }
0x47: {  	_ =	swait.ge @!p0 [sflag:s3], $0x280  }
0x48: {  	[sflag:s3] =	ssyncset.done @!p0 $0x0  }
0x49: {  	[sflag:s3] =	ssyncadd.s32 @!p0 $0xFFFFFD80  }
0x4a: {  	s17 =	simm.s32 $0x0;
	[bflag:$0x0] =	sbarrier.arrive $0xFFFF  }
.LBB2_4:
0x4b: {  	p2 =	seq.s32 s17, $0x0  }
0x4c: {  	s3 =	sshll.u32 s17, $0x8;
	s7 =	simm.s32 @!p2 $0x2  }
0x4d: {  	s9 =	sadd.s32 s11, s3;
	_ =	swait.ge @!p2 [sflag:s7], $0x1100  }
0x4e: {  	s9 =	sshrl.u32 s9, $0x3;
	[sflag:s7] =	ssyncset.done @!p2 $0x0  }
0x4f: {  	s12 =	sadd.s32 s4, s9;
	[sflag:s7] =	ssyncadd.s32 @!p2 $0xFFFFEF00  }
0x50: {  	[tilespmem:s16], [sflag:$0x4] =	stream.linear.gather [hbm4b:s12+s16], $0x80, $0x38;
	[tilespmem:$0x1D588] =	vst v63  }
0x51: {  	_ =	swait.ge [sflag:s22], $0x80  }
0x52: {  	[sflag:s22] =	ssyncset.done $0x0  }
0x53: {  	s9 =	sadd.s32 s5, s9;
	s7 =	simm.s32 $0x80;
	[sflag:s22] =	ssyncadd.s32 $0xFFFFFF80  }
0x54: {  	[tilespmem:s7], [sflag:$0x4] =	stream.linear.gather [hbm4b:s9+s16], $0x80, $0x38;
	[tilespmem:$0x1D588] =	vst v63  }
0x55: {  	_ =	swait.ge [sflag:s22], $0x80  }
0x56: {  	[sflag:s22] =	ssyncset.done $0x0  }
0x57: {  	[sflag:s22] =	ssyncadd.s32 $0xFFFFFF80  }
0x58: {  	[tilespmem:s24], [sflag:$0x1] =	stream.indirect.gather [hbm4b:s6+s7], $0x20, s16, s7, $0xb8;
	[tilespmem:$0x1D588] =	vst v63  }
0x59: {  	_ =	swait.ge [sflag:s25], $0x1000  }
0x5a: {  	[sflag:s25] =	ssyncset.done $0x0  }
0x5b: {  	[sflag:s25] =	ssyncadd.s32 $0xFFFFF000  }
0x5c: {  	v2 =	vld [tilespmem:s16+$0x0]  }
0x5d: {  	v3 =	vld [tilespmem:s7+$0x0];
	_ =	sdelay $0x3  }
0x5e: {  	v2 =	vshll.u32 v2, $0x3  }
0x5f: {  	v3 =	vshll.u32 v3, $0x3;
	v4 =	vor.u32 $0x1, v2  }
0x60: {  	v5 =	vor.u32 $0x2, v3  }
0x61: {  	v3 =	vor.u32 $0x3, v3;
	_ =	sdelay $0x1  }
0x62: {  	v2 =	vld.idx.msk [tilespmem:v2+s21+$0x0], $0xffff  }
0x63: {  	v4 =	vld.idx.msk [tilespmem:v4+s21+$0x0], $0xffff  }
0x64: {  	v5 =	vld.idx.msk [tilespmem:v5+s21+$0x0], $0xffff  }
0x65: {  	v3 =	vld.idx.msk [tilespmem:v3+s21+$0x0], $0xffff;
	_ =	sdelay $0x3  }
0x66: {  	v2 =	vadd.f32 v5, v2  }
0x67: {  	v3 =	vadd.f32 v3, v4  }
0x68: {  	v4 =	vmul.f32 $2.000000030e-01, v2  }
0x69: {  	vm0 =	vgt.f32 v2, $0.0e+00;
	v5 =	vmul.f32 $2.000000030e-01, v3  }
0x6a: {  	vm15 =	vgt.f32 v3, $0.0e+00;
	v2 =	vsel vm0, v2, v4  }
0x6b: {  	v3 =	vsel vm15, v3, v5;
	v2 =	vmul.f32 $1.442695020e+00, v2  }
0x6c: {  	v3 =	vmul.f32 $1.442695020e+00, v3  }
0x6d: {  	(erf) = vpow2.f32 v2  }
0x6e: {  	(erf) = vpow2.f32 v3  }
0x6f: {  	v2 =	vor.u32 s16, v1  }
0x70: {  	v3 =	vmul.u32 $0x28, v2;
	_ =	sdelay $0x1  }
0x71: {  	v6 =	vadd.s32 $0x20, v3  }
0x72: {  	v7 =	vadd.s32 $0x21, v3  }
0x73: {  	v5 =	vshll.u32 v2, $0x5  }
0x74: {  	v8 =	vor.u32 $0x10, v5  }
0x75: {  	v4 =	vpop (erf)  }
0x76: {  	[tilespmem:v6+s23+$0x0] =	vst.idx.msk $0xffff, v4;
	v2 =	vpop (erf)  }
0x77: {  	[tilespmem:v7+s23+$0x0] =	vst.idx.msk $0xffff, v2  }
0x78: {  	v6 =	vld.idx.msk [tilespmem:v5+s24+$0x0], $0xffff  }
0x79: {  	v7 =	vld.idx.msk [tilespmem:v8+s24+$0x0], $0xffff;
	_ =	sdelay $0x1  }
0x7a: {  	v8 =	vadd.s32 $0x10, v3  }
0x7b: {  	v9 =	vor.u32 $0x1, v5  }
0x7c: {  	v10 =	vor.u32 $0x11, v5;
	v6 =	vmul.f32 v4, v6  }
0x7d: {  	v7 =	vmul.f32 v2, v7  }
0x7e: {  	[tilespmem:v3+s23+$0x0] =	vst.idx.msk $0xffff, v6  }
0x7f: {  	[tilespmem:v8+s23+$0x0] =	vst.idx.msk $0xffff, v7  }
0x80: {  	v6 =	vld.idx.msk [tilespmem:v9+s24+$0x0], $0xffff  }
0x81: {  	v7 =	vld.idx.msk [tilespmem:v10+s24+$0x0], $0xffff  }
0x82: {  	v8 =	vor.u32 $0x1, v3  }
0x83: {  	v24 =	vadd.s32 $0x11, v3  }
0x84: {  	v25 =	vor.u32 $0x2, v5  }
0x85: {  	v11 =	vor.u32 $0x12, v5;
	v6 =	vmul.f32 v6, v4  }
0x86: {  	v7 =	vmul.f32 v7, v2  }
0x87: {  	[tilespmem:v8+s23+$0x0] =	vst.idx.msk $0xffff, v6  }
0x88: {  	[tilespmem:v24+s23+$0x0] =	vst.idx.msk $0xffff, v7  }
0x89: {  	v6 =	vld.idx.msk [tilespmem:v25+s24+$0x0], $0xffff  }
0x8a: {  	v7 =	vld.idx.msk [tilespmem:v11+s24+$0x0], $0xffff  }
0x8b: {  	v8 =	vor.u32 $0x2, v3  }
0x8c: {  	v26 =	vadd.s32 $0x12, v3  }
0x8d: {  	v27 =	vor.u32 $0x3, v5  }
0x8e: {  	v28 =	vor.u32 $0x13, v5;
	v6 =	vmul.f32 v6, v4  }
0x8f: {  	v7 =	vmul.f32 v7, v2  }
0x90: {  	[tilespmem:v8+s23+$0x0] =	vst.idx.msk $0xffff, v6  }
0x91: {  	[tilespmem:v26+s23+$0x0] =	vst.idx.msk $0xffff, v7  }
0x92: {  	v6 =	vld.idx.msk [tilespmem:v27+s24+$0x0], $0xffff  }
0x93: {  	v7 =	vld.idx.msk [tilespmem:v28+s24+$0x0], $0xffff  }
0x94: {  	v8 =	vor.u32 $0x3, v3  }
0x95: {  	v29 =	vadd.s32 $0x13, v3  }
0x96: {  	v30 =	vor.u32 $0x4, v5  }
0x97: {  	v31 =	vor.u32 $0x14, v5;
	v6 =	vmul.f32 v6, v4  }
0x98: {  	v7 =	vmul.f32 v7, v2  }
0x99: {  	[tilespmem:v8+s23+$0x0] =	vst.idx.msk $0xffff, v6  }
0x9a: {  	[tilespmem:v29+s23+$0x0] =	vst.idx.msk $0xffff, v7  }
0x9b: {  	v6 =	vld.idx.msk [tilespmem:v30+s24+$0x0], $0xffff  }
0x9c: {  	v7 =	vld.idx.msk [tilespmem:v31+s24+$0x0], $0xffff  }
0x9d: {  	v8 =	vor.u32 $0x4, v3  }
0x9e: {  	v32 =	vadd.s32 $0x14, v3  }
0x9f: {  	v33 =	vor.u32 $0x5, v5  }
0xa0: {  	v34 =	vor.u32 $0x15, v5;
	v6 =	vmul.f32 v6, v4  }
0xa1: {  	v7 =	vmul.f32 v7, v2  }
0xa2: {  	[tilespmem:v8+s23+$0x0] =	vst.idx.msk $0xffff, v6  }
0xa3: {  	[tilespmem:v32+s23+$0x0] =	vst.idx.msk $0xffff, v7  }
0xa4: {  	v6 =	vld.idx.msk [tilespmem:v33+s24+$0x0], $0xffff  }
0xa5: {  	v7 =	vld.idx.msk [tilespmem:v34+s24+$0x0], $0xffff  }
0xa6: {  	v8 =	vor.u32 $0x5, v3  }
0xa7: {  	v35 =	vadd.s32 $0x15, v3  }
0xa8: {  	v36 =	vor.u32 $0x6, v5  }
0xa9: {  	v37 =	vor.u32 $0x16, v5;
	v6 =	vmul.f32 v6, v4  }
0xaa: {  	v7 =	vmul.f32 v7, v2  }
0xab: {  	[tilespmem:v8+s23+$0x0] =	vst.idx.msk $0xffff, v6  }
0xac: {  	[tilespmem:v35+s23+$0x0] =	vst.idx.msk $0xffff, v7  }
0xad: {  	v6 =	vld.idx.msk [tilespmem:v36+s24+$0x0], $0xffff  }
0xae: {  	v7 =	vld.idx.msk [tilespmem:v37+s24+$0x0], $0xffff  }
0xaf: {  	v8 =	vor.u32 $0x6, v3  }
0xb0: {  	v38 =	vadd.s32 $0x16, v3  }
0xb1: {  	v39 =	vor.u32 $0x7, v5  }
0xb2: {  	v40 =	vor.u32 $0x17, v5;
	v6 =	vmul.f32 v6, v4  }
0xb3: {  	v7 =	vmul.f32 v7, v2  }
0xb4: {  	[tilespmem:v8+s23+$0x0] =	vst.idx.msk $0xffff, v6  }
0xb5: {  	[tilespmem:v38+s23+$0x0] =	vst.idx.msk $0xffff, v7  }
0xb6: {  	v6 =	vld.idx.msk [tilespmem:v39+s24+$0x0], $0xffff  }
0xb7: {  	v7 =	vld.idx.msk [tilespmem:v40+s24+$0x0], $0xffff  }
0xb8: {  	v8 =	vor.u32 $0x7, v3  }
0xb9: {  	v41 =	vadd.s32 $0x17, v3  }
0xba: {  	v42 =	vor.u32 $0x8, v5  }
0xbb: {  	v43 =	vor.u32 $0x18, v5;
	v6 =	vmul.f32 v6, v4  }
0xbc: {  	v7 =	vmul.f32 v7, v2  }
0xbd: {  	[tilespmem:v8+s23+$0x0] =	vst.idx.msk $0xffff, v6  }
0xbe: {  	[tilespmem:v41+s23+$0x0] =	vst.idx.msk $0xffff, v7  }
0xbf: {  	v6 =	vld.idx.msk [tilespmem:v42+s24+$0x0], $0xffff  }
0xc0: {  	v7 =	vld.idx.msk [tilespmem:v43+s24+$0x0], $0xffff  }
0xc1: {  	v8 =	vadd.s32 $0x8, v3  }
0xc2: {  	v44 =	vadd.s32 $0x18, v3  }
0xc3: {  	v45 =	vor.u32 $0x9, v5  }
0xc4: {  	v46 =	vor.u32 $0x19, v5;
	v6 =	vmul.f32 v6, v4  }
0xc5: {  	v7 =	vmul.f32 v7, v2  }
0xc6: {  	[tilespmem:v8+s23+$0x0] =	vst.idx.msk $0xffff, v6  }
0xc7: {  	[tilespmem:v44+s23+$0x0] =	vst.idx.msk $0xffff, v7  }
0xc8: {  	v6 =	vld.idx.msk [tilespmem:v45+s24+$0x0], $0xffff  }
0xc9: {  	v7 =	vld.idx.msk [tilespmem:v46+s24+$0x0], $0xffff  }
0xca: {  	v8 =	vadd.s32 $0x9, v3  }
0xcb: {  	v47 =	vadd.s32 $0x19, v3  }
0xcc: {  	v48 =	vor.u32 $0xA, v5  }
0xcd: {  	v49 =	vor.u32 $0x1A, v5;
	v6 =	vmul.f32 v6, v4  }
0xce: {  	v7 =	vmul.f32 v7, v2  }
0xcf: {  	[tilespmem:v8+s23+$0x0] =	vst.idx.msk $0xffff, v6  }
0xd0: {  	[tilespmem:v47+s23+$0x0] =	vst.idx.msk $0xffff, v7  }
0xd1: {  	v6 =	vld.idx.msk [tilespmem:v48+s24+$0x0], $0xffff  }
0xd2: {  	v7 =	vld.idx.msk [tilespmem:v49+s24+$0x0], $0xffff  }
0xd3: {  	v8 =	vadd.s32 $0xA, v3  }
0xd4: {  	v50 =	vadd.s32 $0x1A, v3  }
0xd5: {  	v51 =	vor.u32 $0xB, v5  }
0xd6: {  	v52 =	vor.u32 $0x1B, v5;
	v6 =	vmul.f32 v6, v4  }
0xd7: {  	v7 =	vmul.f32 v7, v2  }
0xd8: {  	[tilespmem:v8+s23+$0x0] =	vst.idx.msk $0xffff, v6  }
0xd9: {  	[tilespmem:v50+s23+$0x0] =	vst.idx.msk $0xffff, v7  }
0xda: {  	v6 =	vld.idx.msk [tilespmem:v51+s24+$0x0], $0xffff  }
0xdb: {  	v7 =	vld.idx.msk [tilespmem:v52+s24+$0x0], $0xffff  }
0xdc: {  	v8 =	vadd.s32 $0xB, v3  }
0xdd: {  	v53 =	vadd.s32 $0x1B, v3  }
0xde: {  	v54 =	vor.u32 $0xC, v5  }
0xdf: {  	v55 =	vor.u32 $0x1C, v5;
	v6 =	vmul.f32 v6, v4  }
0xe0: {  	v7 =	vmul.f32 v7, v2  }
0xe1: {  	[tilespmem:v8+s23+$0x0] =	vst.idx.msk $0xffff, v6  }
0xe2: {  	[tilespmem:v53+s23+$0x0] =	vst.idx.msk $0xffff, v7  }
0xe3: {  	v6 =	vld.idx.msk [tilespmem:v54+s24+$0x0], $0xffff  }
0xe4: {  	v7 =	vld.idx.msk [tilespmem:v55+s24+$0x0], $0xffff  }
0xe5: {  	v8 =	vadd.s32 $0xC, v3  }
0xe6: {  	v56 =	vadd.s32 $0x1C, v3  }
0xe7: {  	v57 =	vor.u32 $0xD, v5  }
0xe8: {  	v58 =	vor.u32 $0x1D, v5;
	v6 =	vmul.f32 v6, v4  }
0xe9: {  	v7 =	vmul.f32 v7, v2  }
0xea: {  	[tilespmem:v8+s23+$0x0] =	vst.idx.msk $0xffff, v6  }
0xeb: {  	[tilespmem:v56+s23+$0x0] =	vst.idx.msk $0xffff, v7  }
0xec: {  	v6 =	vld.idx.msk [tilespmem:v57+s24+$0x0], $0xffff  }
0xed: {  	v7 =	vld.idx.msk [tilespmem:v58+s24+$0x0], $0xffff  }
0xee: {  	v8 =	vadd.s32 $0xD, v3  }
0xef: {  	v59 =	vadd.s32 $0x1D, v3  }
0xf0: {  	v60 =	vor.u32 $0xE, v5  }
0xf1: {  	v61 =	vor.u32 $0x1E, v5;
	v6 =	vmul.f32 v6, v4  }
0xf2: {  	v7 =	vmul.f32 v7, v2  }
0xf3: {  	[tilespmem:v8+s23+$0x0] =	vst.idx.msk $0xffff, v6  }
0xf4: {  	[tilespmem:v59+s23+$0x0] =	vst.idx.msk $0xffff, v7  }
0xf5: {  	v6 =	vld.idx.msk [tilespmem:v60+s24+$0x0], $0xffff  }
0xf6: {  	v7 =	vld.idx.msk [tilespmem:v61+s24+$0x0], $0xffff  }
0xf7: {  	v8 =	vadd.s32 $0xE, v3  }
0xf8: {  	v62 =	vadd.s32 $0x1E, v3  }
0xf9: {  	v63 =	vor.u32 $0xF, v5  }
0xfa: {  	v5 =	vor.u32 $0x1F, v5;
	v6 =	vmul.f32 v6, v4  }
0xfb: {  	v7 =	vmul.f32 v7, v2  }
0xfc: {  	[tilespmem:v8+s23+$0x0] =	vst.idx.msk $0xffff, v6  }
0xfd: {  	[tilespmem:v62+s23+$0x0] =	vst.idx.msk $0xffff, v7  }
0xfe: {  	v7 =	vld.idx.msk [tilespmem:v63+s24+$0x0], $0xffff  }
0xff: {  	v6 =	vld.idx.msk [tilespmem:v5+s24+$0x0], $0xffff  }
0x100: {  	v5 =	vadd.s32 $0xF, v3  }
0x101: {  	v3 =	vadd.s32 $0x1F, v3;
	_ =	sdelay $0x1  }
0x102: {  	s10 =	simm.s32 $0x0;
	s9 =	simm.s32 $0x10;
	v4 =	vmul.f32 v7, v4  }
.LBB2_5:
0x103: {  	p3 =	sne.s32 s9, $0x70;
	v2 =	vmul.f32 v6, v2;
	s10 =	sadd.s32 $0x10, s10;
	s7 =	sadd.s32 $0x10, s7  }
0x104: {  	s12 =	smov.u32 s9;
	s9 =	sadd.s32 $0x10, s9;
	[tilespmem:v5+s23+$0x0] =	vst.idx.msk $0xffff, v4  }
0x105: {  	[tilespmem:v3+s23+$0x0] =	vst.idx.msk $0xffff, v2  }
0x106: {  	v2 =	vld [tilespmem:s10+$0x0]  }
0x107: {  	v3 =	vld [tilespmem:s7+$0x0];
	_ =	sdelay $0x3  }
0x108: {  	v2 =	vshll.u32 v2, $0x3  }
0x109: {  	v4 =	vor.u32 $0x1, v2;
	v3 =	vshll.u32 v3, $0x3  }
0x10a: {  	v5 =	vor.u32 $0x2, v3;
	v3 =	vor.u32 $0x3, v3;
	_ =	sdelay $0x2  }
0x10b: {  	v2 =	vld.idx.msk [tilespmem:v2+s21+$0x0], $0xffff  }
0x10c: {  	v4 =	vld.idx.msk [tilespmem:v4+s21+$0x0], $0xffff  }
0x10d: {  	v5 =	vld.idx.msk [tilespmem:v5+s21+$0x0], $0xffff  }
0x10e: {  	v3 =	vld.idx.msk [tilespmem:v3+s21+$0x0], $0xffff;
	_ =	sdelay $0x4  }
0x10f: {  	v2 =	vadd.f32 v5, v2  }
0x110: {  	v3 =	vadd.f32 v3, v4  }
0x111: {  	vm0 =	vgt.f32 v2, $0.0e+00;
	v4 =	vmul.f32 $2.000000030e-01, v2  }
0x112: {  	v5 =	vmul.f32 $2.000000030e-01, v3  }
0x113: {  	v2 =	vsel vm0, v2, v4;
	vm0 =	vgt.f32 v3, $0.0e+00  }
0x114: {  	v2 =	vmul.f32 $1.442695020e+00, v2;
	v3 =	vsel vm0, v3, v5  }
0x115: {  	v4 =	vmul.f32 $1.442695020e+00, v3  }
0x116: {  	v5 =	vor.u32 s12, v1;
	(erf) = vpow2.f32 v2  }
0x117: {  	v3 =	vmul.u32 $0x28, v5;
	(erf) = vpow2.f32 v4;
	_ =	sdelay $0x1  }
0x118: {  	v2 =	vadd.s32 $0x20, v3  }
0x119: {  	v6 =	vadd.s32 $0x21, v3;
	_ =	sdelay $0x2  }
0x11a: {  	v5 =	vshll.u32 v5, $0x5  }
0x11b: {  	v7 =	vor.u32 $0x10, v5  }
0x11c: {  	v4 =	vpop (erf)  }
0x11d: {  	[tilespmem:v2+s23+$0x0] =	vst.idx.msk $0xffff, v4;
	v2 =	vpop (erf)  }
0x11e: {  	[tilespmem:v6+s23+$0x0] =	vst.idx.msk $0xffff, v2  }
0x11f: {  	v6 =	vld.idx.msk [tilespmem:v5+s24+$0x0], $0xffff  }
0x120: {  	v7 =	vld.idx.msk [tilespmem:v7+s24+$0x0], $0xffff;
	_ =	sdelay $0x2  }
0x121: {  	v8 =	vadd.s32 $0x10, v3  }
0x122: {  	v9 =	vor.u32 $0x1, v5  }
0x123: {  	v10 =	vor.u32 $0x11, v5;
	v6 =	vmul.f32 v4, v6  }
0x124: {  	v7 =	vmul.f32 v2, v7  }
0x125: {  	[tilespmem:v3+s23+$0x0] =	vst.idx.msk $0xffff, v6  }
0x126: {  	[tilespmem:v8+s23+$0x0] =	vst.idx.msk $0xffff, v7  }
0x127: {  	v6 =	vld.idx.msk [tilespmem:v9+s24+$0x0], $0xffff  }
0x128: {  	v7 =	vld.idx.msk [tilespmem:v10+s24+$0x0], $0xffff;
	_ =	sdelay $0x1  }
0x129: {  	v8 =	vor.u32 $0x1, v3  }
0x12a: {  	v9 =	vadd.s32 $0x11, v3  }
0x12b: {  	v10 =	vor.u32 $0x2, v5  }
0x12c: {  	v11 =	vor.u32 $0x12, v5;
	v6 =	vmul.f32 v6, v4  }
0x12d: {  	v7 =	vmul.f32 v7, v2  }
0x12e: {  	[tilespmem:v8+s23+$0x0] =	vst.idx.msk $0xffff, v6  }
0x12f: {  	[tilespmem:v9+s23+$0x0] =	vst.idx.msk $0xffff, v7  }
0x130: {  	v6 =	vld.idx.msk [tilespmem:v10+s24+$0x0], $0xffff  }
0x131: {  	v7 =	vld.idx.msk [tilespmem:v11+s24+$0x0], $0xffff;
	_ =	sdelay $0x1  }
0x132: {  	v8 =	vor.u32 $0x2, v3  }
0x133: {  	v9 =	vadd.s32 $0x12, v3  }
0x134: {  	v10 =	vor.u32 $0x3, v5  }
0x135: {  	v11 =	vor.u32 $0x13, v5;
	v6 =	vmul.f32 v6, v4  }
0x136: {  	v7 =	vmul.f32 v7, v2  }
0x137: {  	[tilespmem:v8+s23+$0x0] =	vst.idx.msk $0xffff, v6  }
0x138: {  	[tilespmem:v9+s23+$0x0] =	vst.idx.msk $0xffff, v7  }
0x139: {  	v6 =	vld.idx.msk [tilespmem:v10+s24+$0x0], $0xffff  }
0x13a: {  	v7 =	vld.idx.msk [tilespmem:v11+s24+$0x0], $0xffff;
	_ =	sdelay $0x1  }
0x13b: {  	v8 =	vor.u32 $0x3, v3  }
0x13c: {  	v9 =	vadd.s32 $0x13, v3  }
0x13d: {  	v10 =	vor.u32 $0x4, v5  }
0x13e: {  	v11 =	vor.u32 $0x14, v5;
	v6 =	vmul.f32 v6, v4  }
0x13f: {  	v7 =	vmul.f32 v7, v2  }
0x140: {  	[tilespmem:v8+s23+$0x0] =	vst.idx.msk $0xffff, v6  }
0x141: {  	[tilespmem:v9+s23+$0x0] =	vst.idx.msk $0xffff, v7  }
0x142: {  	v6 =	vld.idx.msk [tilespmem:v10+s24+$0x0], $0xffff  }
0x143: {  	v8 =	vor.u32 $0x4, v3;
	v7 =	vld.idx.msk [tilespmem:v11+s24+$0x0], $0xffff  }
0x144: {  	v9 =	vadd.s32 $0x14, v3;
	_ =	sdelay $0x2  }
0x145: {  	v10 =	vor.u32 $0x5, v5  }
0x146: {  	v11 =	vor.u32 $0x15, v5;
	v6 =	vmul.f32 v6, v4  }
0x147: {  	v7 =	vmul.f32 v7, v2  }
0x148: {  	[tilespmem:v8+s23+$0x0] =	vst.idx.msk $0xffff, v6  }
0x149: {  	[tilespmem:v9+s23+$0x0] =	vst.idx.msk $0xffff, v7  }
0x14a: {  	v6 =	vld.idx.msk [tilespmem:v10+s24+$0x0], $0xffff  }
0x14b: {  	v7 =	vld.idx.msk [tilespmem:v11+s24+$0x0], $0xffff;
	_ =	sdelay $0x1  }
0x14c: {  	v8 =	vor.u32 $0x5, v3  }
0x14d: {  	v9 =	vadd.s32 $0x15, v3  }
0x14e: {  	v10 =	vor.u32 $0x6, v5  }
0x14f: {  	v11 =	vor.u32 $0x16, v5;
	v6 =	vmul.f32 v6, v4  }
0x150: {  	v7 =	vmul.f32 v7, v2  }
0x151: {  	[tilespmem:v8+s23+$0x0] =	vst.idx.msk $0xffff, v6  }
0x152: {  	[tilespmem:v9+s23+$0x0] =	vst.idx.msk $0xffff, v7  }
0x153: {  	v6 =	vld.idx.msk [tilespmem:v10+s24+$0x0], $0xffff  }
0x154: {  	v7 =	vld.idx.msk [tilespmem:v11+s24+$0x0], $0xffff;
	_ =	sdelay $0x1  }
0x155: {  	v8 =	vor.u32 $0x6, v3  }
0x156: {  	v9 =	vadd.s32 $0x16, v3  }
0x157: {  	v10 =	vor.u32 $0x7, v5  }
0x158: {  	v11 =	vor.u32 $0x17, v5;
	v6 =	vmul.f32 v6, v4  }
0x159: {  	v7 =	vmul.f32 v7, v2  }
0x15a: {  	[tilespmem:v8+s23+$0x0] =	vst.idx.msk $0xffff, v6  }
0x15b: {  	[tilespmem:v9+s23+$0x0] =	vst.idx.msk $0xffff, v7  }
0x15c: {  	v6 =	vld.idx.msk [tilespmem:v10+s24+$0x0], $0xffff  }
0x15d: {  	v7 =	vld.idx.msk [tilespmem:v11+s24+$0x0], $0xffff;
	_ =	sdelay $0x1  }
0x15e: {  	v8 =	vor.u32 $0x7, v3  }
0x15f: {  	v9 =	vadd.s32 $0x17, v3  }
0x160: {  	v10 =	vor.u32 $0x8, v5  }
0x161: {  	v11 =	vor.u32 $0x18, v5;
	v6 =	vmul.f32 v6, v4  }
0x162: {  	v7 =	vmul.f32 v7, v2  }
0x163: {  	[tilespmem:v8+s23+$0x0] =	vst.idx.msk $0xffff, v6  }
0x164: {  	[tilespmem:v9+s23+$0x0] =	vst.idx.msk $0xffff, v7  }
0x165: {  	v6 =	vld.idx.msk [tilespmem:v10+s24+$0x0], $0xffff  }
0x166: {  	v7 =	vld.idx.msk [tilespmem:v11+s24+$0x0], $0xffff;
	_ =	sdelay $0x1  }
0x167: {  	v8 =	vadd.s32 $0x8, v3  }
0x168: {  	v9 =	vadd.s32 $0x18, v3  }
0x169: {  	v10 =	vor.u32 $0x9, v5  }
0x16a: {  	v11 =	vor.u32 $0x19, v5;
	v6 =	vmul.f32 v6, v4  }
0x16b: {  	v7 =	vmul.f32 v7, v2  }
0x16c: {  	[tilespmem:v8+s23+$0x0] =	vst.idx.msk $0xffff, v6  }
0x16d: {  	[tilespmem:v9+s23+$0x0] =	vst.idx.msk $0xffff, v7  }
0x16e: {  	v6 =	vld.idx.msk [tilespmem:v10+s24+$0x0], $0xffff  }
0x16f: {  	v7 =	vld.idx.msk [tilespmem:v11+s24+$0x0], $0xffff;
	_ =	sdelay $0x1  }
0x170: {  	v8 =	vadd.s32 $0x9, v3  }
0x171: {  	v9 =	vadd.s32 $0x19, v3  }
0x172: {  	v10 =	vor.u32 $0xA, v5  }
0x173: {  	v11 =	vor.u32 $0x1A, v5;
	v6 =	vmul.f32 v6, v4  }
0x174: {  	v7 =	vmul.f32 v7, v2  }
0x175: {  	[tilespmem:v8+s23+$0x0] =	vst.idx.msk $0xffff, v6  }
0x176: {  	[tilespmem:v9+s23+$0x0] =	vst.idx.msk $0xffff, v7  }
0x177: {  	v6 =	vld.idx.msk [tilespmem:v10+s24+$0x0], $0xffff  }
0x178: {  	v7 =	vld.idx.msk [tilespmem:v11+s24+$0x0], $0xffff;
	_ =	sdelay $0x1  }
0x179: {  	v8 =	vadd.s32 $0xA, v3  }
0x17a: {  	v9 =	vadd.s32 $0x1A, v3  }
0x17b: {  	v10 =	vor.u32 $0xB, v5  }
0x17c: {  	v11 =	vor.u32 $0x1B, v5;
	v6 =	vmul.f32 v6, v4  }
0x17d: {  	v7 =	vmul.f32 v7, v2  }
0x17e: {  	[tilespmem:v8+s23+$0x0] =	vst.idx.msk $0xffff, v6  }
0x17f: {  	[tilespmem:v9+s23+$0x0] =	vst.idx.msk $0xffff, v7  }
0x180: {  	v6 =	vld.idx.msk [tilespmem:v10+s24+$0x0], $0xffff  }
0x181: {  	v7 =	vld.idx.msk [tilespmem:v11+s24+$0x0], $0xffff;
	_ =	sdelay $0x1  }
0x182: {  	v8 =	vadd.s32 $0xB, v3  }
0x183: {  	v9 =	vadd.s32 $0x1B, v3  }
0x184: {  	v10 =	vor.u32 $0xC, v5  }
0x185: {  	v11 =	vor.u32 $0x1C, v5;
	v6 =	vmul.f32 v6, v4  }
0x186: {  	v7 =	vmul.f32 v7, v2  }
0x187: {  	[tilespmem:v8+s23+$0x0] =	vst.idx.msk $0xffff, v6  }
0x188: {  	[tilespmem:v9+s23+$0x0] =	vst.idx.msk $0xffff, v7  }
0x189: {  	v6 =	vld.idx.msk [tilespmem:v10+s24+$0x0], $0xffff  }
0x18a: {  	v7 =	vld.idx.msk [tilespmem:v11+s24+$0x0], $0xffff;
	_ =	sdelay $0x1  }
0x18b: {  	v8 =	vadd.s32 $0xC, v3  }
0x18c: {  	v9 =	vadd.s32 $0x1C, v3  }
0x18d: {  	v10 =	vor.u32 $0xD, v5  }
0x18e: {  	v11 =	vor.u32 $0x1D, v5;
	v6 =	vmul.f32 v6, v4  }
0x18f: {  	v7 =	vmul.f32 v7, v2  }
0x190: {  	[tilespmem:v8+s23+$0x0] =	vst.idx.msk $0xffff, v6  }
0x191: {  	[tilespmem:v9+s23+$0x0] =	vst.idx.msk $0xffff, v7  }
0x192: {  	v6 =	vld.idx.msk [tilespmem:v10+s24+$0x0], $0xffff  }
0x193: {  	v7 =	vld.idx.msk [tilespmem:v11+s24+$0x0], $0xffff;
	_ =	sdelay $0x1  }
0x194: {  	v8 =	vadd.s32 $0xD, v3  }
0x195: {  	v9 =	vadd.s32 $0x1D, v3  }
0x196: {  	v10 =	vor.u32 $0xE, v5  }
0x197: {  	v11 =	vor.u32 $0x1E, v5;
	v6 =	vmul.f32 v6, v4  }
0x198: {  	v7 =	vmul.f32 v7, v2  }
0x199: {  	[tilespmem:v8+s23+$0x0] =	vst.idx.msk $0xffff, v6  }
0x19a: {  	[tilespmem:v9+s23+$0x0] =	vst.idx.msk $0xffff, v7  }
0x19b: {  	v6 =	vld.idx.msk [tilespmem:v10+s24+$0x0], $0xffff  }
0x19c: {  	v7 =	vld.idx.msk [tilespmem:v11+s24+$0x0], $0xffff;
	_ =	sdelay $0x1  }
0x19d: {  	v8 =	vadd.s32 $0xE, v3  }
0x19e: {  	v9 =	vadd.s32 $0x1E, v3  }
0x19f: {  	v10 =	vor.u32 $0xF, v5  }
0x1a0: {  	v5 =	vor.u32 $0x1F, v5;
	v6 =	vmul.f32 v6, v4  }
0x1a1: {  	v7 =	vmul.f32 v7, v2  }
0x1a2: {  	[tilespmem:v8+s23+$0x0] =	vst.idx.msk $0xffff, v6  }
0x1a3: {  	[tilespmem:v9+s23+$0x0] =	vst.idx.msk $0xffff, v7  }
0x1a4: {  	v7 =	vld.idx.msk [tilespmem:v10+s24+$0x0], $0xffff  }
0x1a5: {  	v6 =	vld.idx.msk [tilespmem:v5+s24+$0x0], $0xffff  }
.Ltmp3:
0x1a6: {  	(pc) =	sbr.rel @p3 .LBB2_5-.Ltmp3, $3  }
0x1a7: {  	v5 =	vadd.s32 $0xF, v3  }
0x1a8: {  	v3 =	vadd.s32 $0x1F, v3;
	_ =	sdelay $0x1  }
0x1a9: {  	v4 =	vmul.f32 v7, v4  }
0x1aa: {  	_ =	sdelay $0x2  }
0x1ab: {  	v2 =	vmul.f32 v6, v2  }
0x1ac: {  	[tilespmem:v5+s23+$0x0] =	vst.idx.msk $0xffff, v4  }
0x1ad: {  	s7 =	simm.s32 @!p2 $0x3;
	[tilespmem:v3+s23+$0x0] =	vst.idx.msk $0xffff, v2  }
0x1ae: {  	_ =	swait.ge @!p2 [sflag:s7], $0x1100  }
0x1af: {  	s3 =	sadd.s32 s3, s15;
	[sflag:s7] =	ssyncset.done @!p2 $0x0  }
0x1b0: {  	s12 =	sshrl.u32 s3, $0x3;
	[sflag:s7] =	ssyncadd.s32 @!p2 $0xFFFFEF00  }
0x1b1: {  	[spmem:s1] =	stream.indirect.scatter.add.f32 [tilespmem:s23], [sflag:$0x2], $0x22, s26, s26, $0xb8;
	[tilespmem:$0x1D588] =	vst v63  }
0x1b2: {  	s10 =	simm.s32 $0x0;
	s3 =	simm.s32 $0x2500;
	s9 =	sadd.s32 s4, s12  }
0x1b3: {  	[tilespmem:s3], [sflag:$0x4] =	stream.linear.gather [hbm4b:s9+s10], $0x80, $0x38;
	[tilespmem:$0x1D588] =	vst v63  }
0x1b4: {  	_ =	swait.ge [sflag:s22], $0x80  }
0x1b5: {  	[sflag:s22] =	ssyncset.done $0x0  }
0x1b6: {  	s12 =	sadd.s32 s5, s12;
	s7 =	simm.s32 $0x2580;
	[sflag:s22] =	ssyncadd.s32 $0xFFFFFF80  }
0x1b7: {  	[tilespmem:s7], [sflag:$0x4] =	stream.linear.gather [hbm4b:s12+s10], $0x80, $0x38;
	[tilespmem:$0x1D588] =	vst v63  }
0x1b8: {  	_ =	swait.ge [sflag:s22], $0x80  }
0x1b9: {  	[sflag:s22] =	ssyncset.done $0x0  }
0x1ba: {  	[sflag:s22] =	ssyncadd.s32 $0xFFFFFF80  }
0x1bb: {  	[tilespmem:s28], [sflag:$0x1] =	stream.indirect.gather [hbm4b:s6+s26], $0x20, s3, s26, $0xb8;
	[tilespmem:$0x1D588] =	vst v63  }
0x1bc: {  	_ =	swait.ge [sflag:s25], $0x1000  }
0x1bd: {  	[sflag:s25] =	ssyncset.done $0x0  }
0x1be: {  	[sflag:s25] =	ssyncadd.s32 $0xFFFFF000  }
0x1bf: {  	v2 =	vld [tilespmem:s3+$0x0]  }
0x1c0: {  	v3 =	vld [tilespmem:s7+$0x0];
	_ =	sdelay $0x3  }
0x1c1: {  	v2 =	vshll.u32 v2, $0x3  }
0x1c2: {  	v3 =	vshll.u32 v3, $0x3;
	v4 =	vor.u32 $0x1, v2  }
0x1c3: {  	v5 =	vor.u32 $0x2, v3  }
0x1c4: {  	v3 =	vor.u32 $0x3, v3;
	_ =	sdelay $0x1  }
0x1c5: {  	v2 =	vld.idx.msk [tilespmem:v2+s21+$0x0], $0xffff  }
0x1c6: {  	v4 =	vld.idx.msk [tilespmem:v4+s21+$0x0], $0xffff  }
0x1c7: {  	v5 =	vld.idx.msk [tilespmem:v5+s21+$0x0], $0xffff  }
0x1c8: {  	v3 =	vld.idx.msk [tilespmem:v3+s21+$0x0], $0xffff;
	_ =	sdelay $0x3  }
0x1c9: {  	v2 =	vadd.f32 v5, v2  }
0x1ca: {  	v3 =	vadd.f32 v3, v4  }
0x1cb: {  	v4 =	vmul.f32 $2.000000030e-01, v2  }
0x1cc: {  	vm0 =	vgt.f32 v2, $0.0e+00;
	v5 =	vmul.f32 $2.000000030e-01, v3  }
0x1cd: {  	vm15 =	vgt.f32 v3, $0.0e+00;
	v2 =	vsel vm0, v2, v4  }
0x1ce: {  	v3 =	vsel vm15, v3, v5;
	v2 =	vmul.f32 $1.442695020e+00, v2  }
0x1cf: {  	v3 =	vmul.f32 $1.442695020e+00, v3  }
0x1d0: {  	(erf) = vpow2.f32 v2  }
0x1d1: {  	(erf) = vpow2.f32 v3  }
0x1d2: {  	v2 =	vor.u32 s10, v1  }
0x1d3: {  	v3 =	vmul.u32 $0x28, v2;
	_ =	sdelay $0x1  }
0x1d4: {  	v6 =	vadd.s32 $0x20, v3  }
0x1d5: {  	v7 =	vadd.s32 $0x21, v3  }
0x1d6: {  	v5 =	vshll.u32 v2, $0x5  }
0x1d7: {  	v8 =	vor.u32 $0x10, v5  }
0x1d8: {  	v4 =	vpop (erf)  }
0x1d9: {  	[tilespmem:v6+s29+$0x0] =	vst.idx.msk $0xffff, v4;
	v2 =	vpop (erf)  }
0x1da: {  	[tilespmem:v7+s29+$0x0] =	vst.idx.msk $0xffff, v2  }
0x1db: {  	v6 =	vld.idx.msk [tilespmem:v5+s28+$0x0], $0xffff  }
0x1dc: {  	v7 =	vld.idx.msk [tilespmem:v8+s28+$0x0], $0xffff;
	_ =	sdelay $0x1  }
0x1dd: {  	v8 =	vadd.s32 $0x10, v3  }
0x1de: {  	v9 =	vor.u32 $0x1, v5  }
0x1df: {  	v10 =	vor.u32 $0x11, v5;
	v6 =	vmul.f32 v4, v6  }
0x1e0: {  	v7 =	vmul.f32 v2, v7  }
0x1e1: {  	[tilespmem:v3+s29+$0x0] =	vst.idx.msk $0xffff, v6  }
0x1e2: {  	[tilespmem:v8+s29+$0x0] =	vst.idx.msk $0xffff, v7  }
0x1e3: {  	v6 =	vld.idx.msk [tilespmem:v9+s28+$0x0], $0xffff  }
0x1e4: {  	v7 =	vld.idx.msk [tilespmem:v10+s28+$0x0], $0xffff  }
0x1e5: {  	v8 =	vor.u32 $0x1, v3  }
0x1e6: {  	v24 =	vadd.s32 $0x11, v3  }
0x1e7: {  	v25 =	vor.u32 $0x2, v5  }
0x1e8: {  	v11 =	vor.u32 $0x12, v5;
	v6 =	vmul.f32 v6, v4  }
0x1e9: {  	v7 =	vmul.f32 v7, v2  }
0x1ea: {  	[tilespmem:v8+s29+$0x0] =	vst.idx.msk $0xffff, v6  }
0x1eb: {  	[tilespmem:v24+s29+$0x0] =	vst.idx.msk $0xffff, v7  }
0x1ec: {  	v6 =	vld.idx.msk [tilespmem:v25+s28+$0x0], $0xffff  }
0x1ed: {  	v7 =	vld.idx.msk [tilespmem:v11+s28+$0x0], $0xffff  }
0x1ee: {  	v8 =	vor.u32 $0x2, v3  }
0x1ef: {  	v26 =	vadd.s32 $0x12, v3  }
0x1f0: {  	v27 =	vor.u32 $0x3, v5  }
0x1f1: {  	v28 =	vor.u32 $0x13, v5;
	v6 =	vmul.f32 v6, v4  }
0x1f2: {  	v7 =	vmul.f32 v7, v2  }
0x1f3: {  	[tilespmem:v8+s29+$0x0] =	vst.idx.msk $0xffff, v6  }
0x1f4: {  	[tilespmem:v26+s29+$0x0] =	vst.idx.msk $0xffff, v7  }
0x1f5: {  	v6 =	vld.idx.msk [tilespmem:v27+s28+$0x0], $0xffff  }
0x1f6: {  	v7 =	vld.idx.msk [tilespmem:v28+s28+$0x0], $0xffff  }
0x1f7: {  	v8 =	vor.u32 $0x3, v3  }
0x1f8: {  	v29 =	vadd.s32 $0x13, v3  }
0x1f9: {  	v30 =	vor.u32 $0x4, v5  }
0x1fa: {  	v31 =	vor.u32 $0x14, v5;
	v6 =	vmul.f32 v6, v4  }
0x1fb: {  	v7 =	vmul.f32 v7, v2  }
0x1fc: {  	[tilespmem:v8+s29+$0x0] =	vst.idx.msk $0xffff, v6  }
0x1fd: {  	[tilespmem:v29+s29+$0x0] =	vst.idx.msk $0xffff, v7  }
0x1fe: {  	v6 =	vld.idx.msk [tilespmem:v30+s28+$0x0], $0xffff  }
0x1ff: {  	v7 =	vld.idx.msk [tilespmem:v31+s28+$0x0], $0xffff  }
0x200: {  	v8 =	vor.u32 $0x4, v3  }
0x201: {  	v32 =	vadd.s32 $0x14, v3  }
0x202: {  	v33 =	vor.u32 $0x5, v5  }
0x203: {  	v34 =	vor.u32 $0x15, v5;
	v6 =	vmul.f32 v6, v4  }
0x204: {  	v7 =	vmul.f32 v7, v2  }
0x205: {  	[tilespmem:v8+s29+$0x0] =	vst.idx.msk $0xffff, v6  }
0x206: {  	[tilespmem:v32+s29+$0x0] =	vst.idx.msk $0xffff, v7  }
0x207: {  	v6 =	vld.idx.msk [tilespmem:v33+s28+$0x0], $0xffff  }
0x208: {  	v7 =	vld.idx.msk [tilespmem:v34+s28+$0x0], $0xffff  }
0x209: {  	v8 =	vor.u32 $0x5, v3  }
0x20a: {  	v35 =	vadd.s32 $0x15, v3  }
0x20b: {  	v36 =	vor.u32 $0x6, v5  }
0x20c: {  	v37 =	vor.u32 $0x16, v5;
	v6 =	vmul.f32 v6, v4  }
0x20d: {  	v7 =	vmul.f32 v7, v2  }
0x20e: {  	[tilespmem:v8+s29+$0x0] =	vst.idx.msk $0xffff, v6  }
0x20f: {  	[tilespmem:v35+s29+$0x0] =	vst.idx.msk $0xffff, v7  }
0x210: {  	v6 =	vld.idx.msk [tilespmem:v36+s28+$0x0], $0xffff  }
0x211: {  	v7 =	vld.idx.msk [tilespmem:v37+s28+$0x0], $0xffff  }
0x212: {  	v8 =	vor.u32 $0x6, v3  }
0x213: {  	v38 =	vadd.s32 $0x16, v3  }
0x214: {  	v39 =	vor.u32 $0x7, v5  }
0x215: {  	v40 =	vor.u32 $0x17, v5;
	v6 =	vmul.f32 v6, v4  }
0x216: {  	v7 =	vmul.f32 v7, v2  }
0x217: {  	[tilespmem:v8+s29+$0x0] =	vst.idx.msk $0xffff, v6  }
0x218: {  	[tilespmem:v38+s29+$0x0] =	vst.idx.msk $0xffff, v7  }
0x219: {  	v6 =	vld.idx.msk [tilespmem:v39+s28+$0x0], $0xffff  }
0x21a: {  	v7 =	vld.idx.msk [tilespmem:v40+s28+$0x0], $0xffff  }
0x21b: {  	v8 =	vor.u32 $0x7, v3  }
0x21c: {  	v41 =	vadd.s32 $0x17, v3  }
0x21d: {  	v42 =	vor.u32 $0x8, v5  }
0x21e: {  	v43 =	vor.u32 $0x18, v5;
	v6 =	vmul.f32 v6, v4  }
0x21f: {  	v7 =	vmul.f32 v7, v2  }
0x220: {  	[tilespmem:v8+s29+$0x0] =	vst.idx.msk $0xffff, v6  }
0x221: {  	[tilespmem:v41+s29+$0x0] =	vst.idx.msk $0xffff, v7  }
0x222: {  	v6 =	vld.idx.msk [tilespmem:v42+s28+$0x0], $0xffff  }
0x223: {  	v7 =	vld.idx.msk [tilespmem:v43+s28+$0x0], $0xffff  }
0x224: {  	v8 =	vadd.s32 $0x8, v3  }
0x225: {  	v44 =	vadd.s32 $0x18, v3  }
0x226: {  	v45 =	vor.u32 $0x9, v5  }
0x227: {  	v46 =	vor.u32 $0x19, v5;
	v6 =	vmul.f32 v6, v4  }
0x228: {  	v7 =	vmul.f32 v7, v2  }
0x229: {  	[tilespmem:v8+s29+$0x0] =	vst.idx.msk $0xffff, v6  }
0x22a: {  	[tilespmem:v44+s29+$0x0] =	vst.idx.msk $0xffff, v7  }
0x22b: {  	v6 =	vld.idx.msk [tilespmem:v45+s28+$0x0], $0xffff  }
0x22c: {  	v7 =	vld.idx.msk [tilespmem:v46+s28+$0x0], $0xffff  }
0x22d: {  	v8 =	vadd.s32 $0x9, v3  }
0x22e: {  	v47 =	vadd.s32 $0x19, v3  }
0x22f: {  	v48 =	vor.u32 $0xA, v5  }
0x230: {  	v49 =	vor.u32 $0x1A, v5;
	v6 =	vmul.f32 v6, v4  }
0x231: {  	v7 =	vmul.f32 v7, v2  }
0x232: {  	[tilespmem:v8+s29+$0x0] =	vst.idx.msk $0xffff, v6  }
0x233: {  	[tilespmem:v47+s29+$0x0] =	vst.idx.msk $0xffff, v7  }
0x234: {  	v6 =	vld.idx.msk [tilespmem:v48+s28+$0x0], $0xffff  }
0x235: {  	v7 =	vld.idx.msk [tilespmem:v49+s28+$0x0], $0xffff  }
0x236: {  	v8 =	vadd.s32 $0xA, v3  }
0x237: {  	v50 =	vadd.s32 $0x1A, v3  }
0x238: {  	v51 =	vor.u32 $0xB, v5  }
0x239: {  	v52 =	vor.u32 $0x1B, v5;
	v6 =	vmul.f32 v6, v4  }
0x23a: {  	v7 =	vmul.f32 v7, v2  }
0x23b: {  	[tilespmem:v8+s29+$0x0] =	vst.idx.msk $0xffff, v6  }
0x23c: {  	[tilespmem:v50+s29+$0x0] =	vst.idx.msk $0xffff, v7  }
0x23d: {  	v6 =	vld.idx.msk [tilespmem:v51+s28+$0x0], $0xffff  }
0x23e: {  	v7 =	vld.idx.msk [tilespmem:v52+s28+$0x0], $0xffff  }
0x23f: {  	v8 =	vadd.s32 $0xB, v3  }
0x240: {  	v53 =	vadd.s32 $0x1B, v3  }
0x241: {  	v54 =	vor.u32 $0xC, v5  }
0x242: {  	v55 =	vor.u32 $0x1C, v5;
	v6 =	vmul.f32 v6, v4  }
0x243: {  	v7 =	vmul.f32 v7, v2  }
0x244: {  	[tilespmem:v8+s29+$0x0] =	vst.idx.msk $0xffff, v6  }
0x245: {  	[tilespmem:v53+s29+$0x0] =	vst.idx.msk $0xffff, v7  }
0x246: {  	v6 =	vld.idx.msk [tilespmem:v54+s28+$0x0], $0xffff  }
0x247: {  	v7 =	vld.idx.msk [tilespmem:v55+s28+$0x0], $0xffff  }
0x248: {  	v8 =	vadd.s32 $0xC, v3  }
0x249: {  	v56 =	vadd.s32 $0x1C, v3  }
0x24a: {  	v57 =	vor.u32 $0xD, v5  }
0x24b: {  	v58 =	vor.u32 $0x1D, v5;
	v6 =	vmul.f32 v6, v4  }
0x24c: {  	v7 =	vmul.f32 v7, v2  }
0x24d: {  	[tilespmem:v8+s29+$0x0] =	vst.idx.msk $0xffff, v6  }
0x24e: {  	[tilespmem:v56+s29+$0x0] =	vst.idx.msk $0xffff, v7  }
0x24f: {  	v6 =	vld.idx.msk [tilespmem:v57+s28+$0x0], $0xffff  }
0x250: {  	v7 =	vld.idx.msk [tilespmem:v58+s28+$0x0], $0xffff  }
0x251: {  	v8 =	vadd.s32 $0xD, v3  }
0x252: {  	v59 =	vadd.s32 $0x1D, v3  }
0x253: {  	v60 =	vor.u32 $0xE, v5  }
0x254: {  	v61 =	vor.u32 $0x1E, v5;
	v6 =	vmul.f32 v6, v4  }
0x255: {  	v7 =	vmul.f32 v7, v2  }
0x256: {  	[tilespmem:v8+s29+$0x0] =	vst.idx.msk $0xffff, v6  }
0x257: {  	[tilespmem:v59+s29+$0x0] =	vst.idx.msk $0xffff, v7  }
0x258: {  	v6 =	vld.idx.msk [tilespmem:v60+s28+$0x0], $0xffff  }
0x259: {  	v7 =	vld.idx.msk [tilespmem:v61+s28+$0x0], $0xffff  }
0x25a: {  	v8 =	vadd.s32 $0xE, v3  }
0x25b: {  	v62 =	vadd.s32 $0x1E, v3  }
0x25c: {  	v63 =	vor.u32 $0xF, v5  }
0x25d: {  	v5 =	vor.u32 $0x1F, v5;
	v6 =	vmul.f32 v6, v4  }
0x25e: {  	v7 =	vmul.f32 v7, v2  }
0x25f: {  	[tilespmem:v8+s29+$0x0] =	vst.idx.msk $0xffff, v6  }
0x260: {  	[tilespmem:v62+s29+$0x0] =	vst.idx.msk $0xffff, v7  }
0x261: {  	v7 =	vld.idx.msk [tilespmem:v63+s28+$0x0], $0xffff  }
0x262: {  	v6 =	vld.idx.msk [tilespmem:v5+s28+$0x0], $0xffff  }
0x263: {  	v5 =	vadd.s32 $0xF, v3  }
0x264: {  	v3 =	vadd.s32 $0x1F, v3;
	_ =	sdelay $0x1  }
0x265: {  	s9 =	simm.s32 $0x10;
	v4 =	vmul.f32 v7, v4  }
.LBB2_7:
0x266: {  	p2 =	sne.s32 s9, $0x70;
	v2 =	vmul.f32 v6, v2;
	s3 =	sadd.s32 $0x10, s3;
	s7 =	sadd.s32 $0x10, s7  }
0x267: {  	s10 =	smov.u32 s9;
	s9 =	sadd.s32 $0x10, s9;
	[tilespmem:v5+s29+$0x0] =	vst.idx.msk $0xffff, v4  }
0x268: {  	[tilespmem:v3+s29+$0x0] =	vst.idx.msk $0xffff, v2  }
0x269: {  	v2 =	vld [tilespmem:s3+$0x0]  }
0x26a: {  	v3 =	vld [tilespmem:s7+$0x0];
	_ =	sdelay $0x3  }
0x26b: {  	v2 =	vshll.u32 v2, $0x3  }
0x26c: {  	v4 =	vor.u32 $0x1, v2;
	v3 =	vshll.u32 v3, $0x3  }
0x26d: {  	v5 =	vor.u32 $0x2, v3;
	v3 =	vor.u32 $0x3, v3;
	_ =	sdelay $0x2  }
0x26e: {  	v2 =	vld.idx.msk [tilespmem:v2+s21+$0x0], $0xffff  }
0x26f: {  	v4 =	vld.idx.msk [tilespmem:v4+s21+$0x0], $0xffff  }
0x270: {  	v5 =	vld.idx.msk [tilespmem:v5+s21+$0x0], $0xffff  }
0x271: {  	v3 =	vld.idx.msk [tilespmem:v3+s21+$0x0], $0xffff;
	_ =	sdelay $0x4  }
0x272: {  	v2 =	vadd.f32 v5, v2  }
0x273: {  	v3 =	vadd.f32 v3, v4  }
0x274: {  	vm0 =	vgt.f32 v2, $0.0e+00;
	v4 =	vmul.f32 $2.000000030e-01, v2  }
0x275: {  	v5 =	vmul.f32 $2.000000030e-01, v3  }
0x276: {  	v2 =	vsel vm0, v2, v4;
	vm0 =	vgt.f32 v3, $0.0e+00  }
0x277: {  	v2 =	vmul.f32 $1.442695020e+00, v2;
	v3 =	vsel vm0, v3, v5  }
0x278: {  	v4 =	vmul.f32 $1.442695020e+00, v3  }
0x279: {  	v5 =	vor.u32 s10, v1;
	(erf) = vpow2.f32 v2  }
0x27a: {  	v3 =	vmul.u32 $0x28, v5;
	(erf) = vpow2.f32 v4;
	_ =	sdelay $0x1  }
0x27b: {  	v2 =	vadd.s32 $0x20, v3  }
0x27c: {  	v6 =	vadd.s32 $0x21, v3;
	_ =	sdelay $0x2  }
0x27d: {  	v5 =	vshll.u32 v5, $0x5  }
0x27e: {  	v7 =	vor.u32 $0x10, v5  }
0x27f: {  	v4 =	vpop (erf)  }
0x280: {  	[tilespmem:v2+s29+$0x0] =	vst.idx.msk $0xffff, v4;
	v2 =	vpop (erf)  }
0x281: {  	[tilespmem:v6+s29+$0x0] =	vst.idx.msk $0xffff, v2  }
0x282: {  	v6 =	vld.idx.msk [tilespmem:v5+s28+$0x0], $0xffff  }
0x283: {  	v7 =	vld.idx.msk [tilespmem:v7+s28+$0x0], $0xffff;
	_ =	sdelay $0x2  }
0x284: {  	v8 =	vadd.s32 $0x10, v3  }
0x285: {  	v9 =	vor.u32 $0x1, v5  }
0x286: {  	v10 =	vor.u32 $0x11, v5;
	v6 =	vmul.f32 v4, v6  }
0x287: {  	v7 =	vmul.f32 v2, v7  }
0x288: {  	[tilespmem:v3+s29+$0x0] =	vst.idx.msk $0xffff, v6  }
0x289: {  	[tilespmem:v8+s29+$0x0] =	vst.idx.msk $0xffff, v7  }
0x28a: {  	v6 =	vld.idx.msk [tilespmem:v9+s28+$0x0], $0xffff  }
0x28b: {  	v7 =	vld.idx.msk [tilespmem:v10+s28+$0x0], $0xffff;
	_ =	sdelay $0x1  }
0x28c: {  	v8 =	vor.u32 $0x1, v3  }
0x28d: {  	v9 =	vadd.s32 $0x11, v3  }
0x28e: {  	v10 =	vor.u32 $0x2, v5  }
0x28f: {  	v11 =	vor.u32 $0x12, v5;
	v6 =	vmul.f32 v6, v4  }
0x290: {  	v7 =	vmul.f32 v7, v2  }
0x291: {  	[tilespmem:v8+s29+$0x0] =	vst.idx.msk $0xffff, v6  }
0x292: {  	[tilespmem:v9+s29+$0x0] =	vst.idx.msk $0xffff, v7  }
0x293: {  	v6 =	vld.idx.msk [tilespmem:v10+s28+$0x0], $0xffff  }
0x294: {  	v7 =	vld.idx.msk [tilespmem:v11+s28+$0x0], $0xffff;
	_ =	sdelay $0x1  }
0x295: {  	v8 =	vor.u32 $0x2, v3  }
0x296: {  	v9 =	vadd.s32 $0x12, v3  }
0x297: {  	v10 =	vor.u32 $0x3, v5  }
0x298: {  	v11 =	vor.u32 $0x13, v5;
	v6 =	vmul.f32 v6, v4  }
0x299: {  	v7 =	vmul.f32 v7, v2  }
0x29a: {  	[tilespmem:v8+s29+$0x0] =	vst.idx.msk $0xffff, v6  }
0x29b: {  	[tilespmem:v9+s29+$0x0] =	vst.idx.msk $0xffff, v7  }
0x29c: {  	v6 =	vld.idx.msk [tilespmem:v10+s28+$0x0], $0xffff  }
0x29d: {  	v7 =	vld.idx.msk [tilespmem:v11+s28+$0x0], $0xffff;
	_ =	sdelay $0x1  }
0x29e: {  	v8 =	vor.u32 $0x3, v3  }
0x29f: {  	v9 =	vadd.s32 $0x13, v3  }
0x2a0: {  	v10 =	vor.u32 $0x4, v5  }
0x2a1: {  	v11 =	vor.u32 $0x14, v5;
	v6 =	vmul.f32 v6, v4  }
0x2a2: {  	v7 =	vmul.f32 v7, v2  }
0x2a3: {  	[tilespmem:v8+s29+$0x0] =	vst.idx.msk $0xffff, v6  }
0x2a4: {  	[tilespmem:v9+s29+$0x0] =	vst.idx.msk $0xffff, v7  }
0x2a5: {  	v6 =	vld.idx.msk [tilespmem:v10+s28+$0x0], $0xffff  }
0x2a6: {  	v8 =	vor.u32 $0x4, v3;
	v7 =	vld.idx.msk [tilespmem:v11+s28+$0x0], $0xffff  }
0x2a7: {  	v9 =	vadd.s32 $0x14, v3;
	_ =	sdelay $0x2  }
0x2a8: {  	v10 =	vor.u32 $0x5, v5  }
0x2a9: {  	v11 =	vor.u32 $0x15, v5;
	v6 =	vmul.f32 v6, v4  }
0x2aa: {  	v7 =	vmul.f32 v7, v2  }
0x2ab: {  	[tilespmem:v8+s29+$0x0] =	vst.idx.msk $0xffff, v6  }
0x2ac: {  	[tilespmem:v9+s29+$0x0] =	vst.idx.msk $0xffff, v7  }
0x2ad: {  	v6 =	vld.idx.msk [tilespmem:v10+s28+$0x0], $0xffff  }
0x2ae: {  	v7 =	vld.idx.msk [tilespmem:v11+s28+$0x0], $0xffff;
	_ =	sdelay $0x1  }
0x2af: {  	v8 =	vor.u32 $0x5, v3  }
0x2b0: {  	v9 =	vadd.s32 $0x15, v3  }
0x2b1: {  	v10 =	vor.u32 $0x6, v5  }
0x2b2: {  	v11 =	vor.u32 $0x16, v5;
	v6 =	vmul.f32 v6, v4  }
0x2b3: {  	v7 =	vmul.f32 v7, v2  }
0x2b4: {  	[tilespmem:v8+s29+$0x0] =	vst.idx.msk $0xffff, v6  }
0x2b5: {  	[tilespmem:v9+s29+$0x0] =	vst.idx.msk $0xffff, v7  }
0x2b6: {  	v6 =	vld.idx.msk [tilespmem:v10+s28+$0x0], $0xffff  }
0x2b7: {  	v7 =	vld.idx.msk [tilespmem:v11+s28+$0x0], $0xffff;
	_ =	sdelay $0x1  }
0x2b8: {  	v8 =	vor.u32 $0x6, v3  }
0x2b9: {  	v9 =	vadd.s32 $0x16, v3  }
0x2ba: {  	v10 =	vor.u32 $0x7, v5  }
0x2bb: {  	v11 =	vor.u32 $0x17, v5;
	v6 =	vmul.f32 v6, v4  }
0x2bc: {  	v7 =	vmul.f32 v7, v2  }
0x2bd: {  	[tilespmem:v8+s29+$0x0] =	vst.idx.msk $0xffff, v6  }
0x2be: {  	[tilespmem:v9+s29+$0x0] =	vst.idx.msk $0xffff, v7  }
0x2bf: {  	v6 =	vld.idx.msk [tilespmem:v10+s28+$0x0], $0xffff  }
0x2c0: {  	v7 =	vld.idx.msk [tilespmem:v11+s28+$0x0], $0xffff;
	_ =	sdelay $0x1  }
0x2c1: {  	v8 =	vor.u32 $0x7, v3  }
0x2c2: {  	v9 =	vadd.s32 $0x17, v3  }
0x2c3: {  	v10 =	vor.u32 $0x8, v5  }
0x2c4: {  	v11 =	vor.u32 $0x18, v5;
	v6 =	vmul.f32 v6, v4  }
0x2c5: {  	v7 =	vmul.f32 v7, v2  }
0x2c6: {  	[tilespmem:v8+s29+$0x0] =	vst.idx.msk $0xffff, v6  }
0x2c7: {  	[tilespmem:v9+s29+$0x0] =	vst.idx.msk $0xffff, v7  }
0x2c8: {  	v6 =	vld.idx.msk [tilespmem:v10+s28+$0x0], $0xffff  }
0x2c9: {  	v7 =	vld.idx.msk [tilespmem:v11+s28+$0x0], $0xffff;
	_ =	sdelay $0x1  }
0x2ca: {  	v8 =	vadd.s32 $0x8, v3  }
0x2cb: {  	v9 =	vadd.s32 $0x18, v3  }
0x2cc: {  	v10 =	vor.u32 $0x9, v5  }
0x2cd: {  	v11 =	vor.u32 $0x19, v5;
	v6 =	vmul.f32 v6, v4  }
0x2ce: {  	v7 =	vmul.f32 v7, v2  }
0x2cf: {  	[tilespmem:v8+s29+$0x0] =	vst.idx.msk $0xffff, v6  }
0x2d0: {  	[tilespmem:v9+s29+$0x0] =	vst.idx.msk $0xffff, v7  }
0x2d1: {  	v6 =	vld.idx.msk [tilespmem:v10+s28+$0x0], $0xffff  }
0x2d2: {  	v7 =	vld.idx.msk [tilespmem:v11+s28+$0x0], $0xffff;
	_ =	sdelay $0x1  }
0x2d3: {  	v8 =	vadd.s32 $0x9, v3  }
0x2d4: {  	v9 =	vadd.s32 $0x19, v3  }
0x2d5: {  	v10 =	vor.u32 $0xA, v5  }
0x2d6: {  	v11 =	vor.u32 $0x1A, v5;
	v6 =	vmul.f32 v6, v4  }
0x2d7: {  	v7 =	vmul.f32 v7, v2  }
0x2d8: {  	[tilespmem:v8+s29+$0x0] =	vst.idx.msk $0xffff, v6  }
0x2d9: {  	[tilespmem:v9+s29+$0x0] =	vst.idx.msk $0xffff, v7  }
0x2da: {  	v6 =	vld.idx.msk [tilespmem:v10+s28+$0x0], $0xffff  }
0x2db: {  	v7 =	vld.idx.msk [tilespmem:v11+s28+$0x0], $0xffff;
	_ =	sdelay $0x1  }
0x2dc: {  	v8 =	vadd.s32 $0xA, v3  }
0x2dd: {  	v9 =	vadd.s32 $0x1A, v3  }
0x2de: {  	v10 =	vor.u32 $0xB, v5  }
0x2df: {  	v11 =	vor.u32 $0x1B, v5;
	v6 =	vmul.f32 v6, v4  }
0x2e0: {  	v7 =	vmul.f32 v7, v2  }
0x2e1: {  	[tilespmem:v8+s29+$0x0] =	vst.idx.msk $0xffff, v6  }
0x2e2: {  	[tilespmem:v9+s29+$0x0] =	vst.idx.msk $0xffff, v7  }
0x2e3: {  	v6 =	vld.idx.msk [tilespmem:v10+s28+$0x0], $0xffff  }
0x2e4: {  	v7 =	vld.idx.msk [tilespmem:v11+s28+$0x0], $0xffff;
	_ =	sdelay $0x1  }
0x2e5: {  	v8 =	vadd.s32 $0xB, v3  }
0x2e6: {  	v9 =	vadd.s32 $0x1B, v3  }
0x2e7: {  	v10 =	vor.u32 $0xC, v5  }
0x2e8: {  	v11 =	vor.u32 $0x1C, v5;
	v6 =	vmul.f32 v6, v4  }
0x2e9: {  	v7 =	vmul.f32 v7, v2  }
0x2ea: {  	[tilespmem:v8+s29+$0x0] =	vst.idx.msk $0xffff, v6  }
0x2eb: {  	[tilespmem:v9+s29+$0x0] =	vst.idx.msk $0xffff, v7  }
0x2ec: {  	v6 =	vld.idx.msk [tilespmem:v10+s28+$0x0], $0xffff  }
0x2ed: {  	v7 =	vld.idx.msk [tilespmem:v11+s28+$0x0], $0xffff;
	_ =	sdelay $0x1  }
0x2ee: {  	v8 =	vadd.s32 $0xC, v3  }
0x2ef: {  	v9 =	vadd.s32 $0x1C, v3  }
0x2f0: {  	v10 =	vor.u32 $0xD, v5  }
0x2f1: {  	v11 =	vor.u32 $0x1D, v5;
	v6 =	vmul.f32 v6, v4  }
0x2f2: {  	v7 =	vmul.f32 v7, v2  }
0x2f3: {  	[tilespmem:v8+s29+$0x0] =	vst.idx.msk $0xffff, v6  }
0x2f4: {  	[tilespmem:v9+s29+$0x0] =	vst.idx.msk $0xffff, v7  }
0x2f5: {  	v6 =	vld.idx.msk [tilespmem:v10+s28+$0x0], $0xffff  }
0x2f6: {  	v7 =	vld.idx.msk [tilespmem:v11+s28+$0x0], $0xffff;
	_ =	sdelay $0x1  }
0x2f7: {  	v8 =	vadd.s32 $0xD, v3  }
0x2f8: {  	v9 =	vadd.s32 $0x1D, v3  }
0x2f9: {  	v10 =	vor.u32 $0xE, v5  }
0x2fa: {  	v11 =	vor.u32 $0x1E, v5;
	v6 =	vmul.f32 v6, v4  }
0x2fb: {  	v7 =	vmul.f32 v7, v2  }
0x2fc: {  	[tilespmem:v8+s29+$0x0] =	vst.idx.msk $0xffff, v6  }
0x2fd: {  	[tilespmem:v9+s29+$0x0] =	vst.idx.msk $0xffff, v7  }
0x2fe: {  	v6 =	vld.idx.msk [tilespmem:v10+s28+$0x0], $0xffff  }
0x2ff: {  	v7 =	vld.idx.msk [tilespmem:v11+s28+$0x0], $0xffff;
	_ =	sdelay $0x1  }
0x300: {  	v8 =	vadd.s32 $0xE, v3  }
0x301: {  	v9 =	vadd.s32 $0x1E, v3  }
0x302: {  	v10 =	vor.u32 $0xF, v5  }
0x303: {  	v5 =	vor.u32 $0x1F, v5;
	v6 =	vmul.f32 v6, v4  }
0x304: {  	v7 =	vmul.f32 v7, v2  }
0x305: {  	[tilespmem:v8+s29+$0x0] =	vst.idx.msk $0xffff, v6  }
0x306: {  	[tilespmem:v9+s29+$0x0] =	vst.idx.msk $0xffff, v7  }
0x307: {  	v7 =	vld.idx.msk [tilespmem:v10+s28+$0x0], $0xffff  }
0x308: {  	v6 =	vld.idx.msk [tilespmem:v5+s28+$0x0], $0xffff  }
.Ltmp4:
0x309: {  	(pc) =	sbr.rel @p2 .LBB2_7-.Ltmp4, $3  }
0x30a: {  	v5 =	vadd.s32 $0xF, v3  }
0x30b: {  	v3 =	vadd.s32 $0x1F, v3;
	_ =	sdelay $0x1  }
0x30c: {  	v4 =	vmul.f32 v7, v4  }
0x30d: {  	s17 =	sadd.s32 $0x1, s17  }
0x30e: {  	p2 =	sne.s32 s17, $0x27  }
.Ltmp5:
0x30f: {  	_ = 	snop;
	(pc) =	sbr.rel @p2 .LBB2_4-.Ltmp5, $4  }
0x310: {  	v2 =	vmul.f32 v6, v2  }
0x311: {  	[tilespmem:v5+s29+$0x0] =	vst.idx.msk $0xffff, v4  }
0x312: {  	[tilespmem:v3+s29+$0x0] =	vst.idx.msk $0xffff, v2  }
0x313: {  	[spmem:s1] =	stream.indirect.scatter.add.f32 [tilespmem:s29], [sflag:$0x3], $0x22, s30, s26, $0xb8;
	[tilespmem:$0x1D588] =	vst v63  }
0x314: {  	_ =	swait.ge [sflag:s31], $0x1100  }
.Ltmp6:
0x315: {  	[sflag:s31] =	ssyncset.done $0x0;
	(pc) =	sbr.rel @p1 .LBB2_13-.Ltmp6, $4  }
0x316: {  	[sflag:s31] =	ssyncadd.s32 $0xFFFFEF00  }
0x317: {  	_ =	swait.ge [sflag:s0], $0x1100  }
0x318: {  	[sflag:s0] =	ssyncset.done $0x0  }
0x319: {  	[sflag:s0] =	ssyncadd.s32 $0xFFFFEF00  }
0x31a: {  	s3 =	simm.s32 $0x0;
	s7 =	rddreg [dreg:$0x7]  }
0x31b: {  	[tilespmem:s3], [sflag:$0x4] =	stream.linear.gather [hbm4b:s7+s3], $0x80, $0x38;
	[tilespmem:$0x1D588] =	vst v63  }
0x31c: {  	_ =	swait.ge [sflag:s22], $0x80  }
0x31d: {  	[sflag:s22] =	ssyncset.done $0x0  }
0x31e: {  	s7 =	simm.s32 $0x80;
	s9 =	rddreg [dreg:$0x8];
	[sflag:s22] =	ssyncadd.s32 $0xFFFFFF80  }
0x31f: {  	[tilespmem:s7], [sflag:$0x4] =	stream.linear.gather [hbm4b:s9+s3], $0x80, $0x38;
	[tilespmem:$0x1D588] =	vst v63  }
0x320: {  	_ =	swait.ge [sflag:s22], $0x80  }
0x321: {  	[sflag:s22] =	ssyncset.done $0x0  }
0x322: {  	[sflag:s22] =	ssyncadd.s32 $0xFFFFFF80  }
0x323: {  	[tilespmem:s24], [sflag:$0x1] =	stream.indirect.gather [hbm4b:s6+s7], $0x20, s3, s7, $0xb8;
	[tilespmem:$0x1D588] =	vst v63  }
0x324: {  	_ =	swait.ge [sflag:s25], $0x1000  }
0x325: {  	[sflag:s25] =	ssyncset.done $0x0  }
0x326: {  	[sflag:s25] =	ssyncadd.s32 $0xFFFFF000  }
0x327: {  	v2 =	vld [tilespmem:s3+$0x0]  }
0x328: {  	v3 =	vld [tilespmem:s7+$0x0];
	_ =	sdelay $0x3  }
0x329: {  	v2 =	vshll.u32 v2, $0x3  }
0x32a: {  	v3 =	vshll.u32 v3, $0x3;
	v4 =	vor.u32 $0x1, v2  }
0x32b: {  	v5 =	vor.u32 $0x2, v3  }
0x32c: {  	v3 =	vor.u32 $0x3, v3;
	_ =	sdelay $0x1  }
0x32d: {  	v2 =	vld.idx.msk [tilespmem:v2+s21+$0x0], $0xffff  }
0x32e: {  	v4 =	vld.idx.msk [tilespmem:v4+s21+$0x0], $0xffff  }
0x32f: {  	v5 =	vld.idx.msk [tilespmem:v5+s21+$0x0], $0xffff  }
0x330: {  	v3 =	vld.idx.msk [tilespmem:v3+s21+$0x0], $0xffff;
	_ =	sdelay $0x3  }
0x331: {  	v2 =	vadd.f32 v5, v2  }
0x332: {  	v3 =	vadd.f32 v3, v4  }
0x333: {  	v4 =	vmul.f32 $2.000000030e-01, v2  }
0x334: {  	vm0 =	vgt.f32 v2, $0.0e+00;
	v5 =	vmul.f32 $2.000000030e-01, v3  }
0x335: {  	vm15 =	vgt.f32 v3, $0.0e+00;
	v2 =	vsel vm0, v2, v4  }
0x336: {  	v3 =	vsel vm15, v3, v5;
	v2 =	vmul.f32 $1.442695020e+00, v2  }
0x337: {  	v3 =	vmul.f32 $1.442695020e+00, v3  }
0x338: {  	(erf) = vpow2.f32 v2  }
0x339: {  	(erf) = vpow2.f32 v3  }
0x33a: {  	v2 =	vor.u32 s3, v1  }
0x33b: {  	v3 =	vmul.u32 $0x28, v2;
	_ =	sdelay $0x1  }
0x33c: {  	v6 =	vadd.s32 $0x20, v3  }
0x33d: {  	v7 =	vadd.s32 $0x21, v3  }
0x33e: {  	v5 =	vshll.u32 v2, $0x5  }
0x33f: {  	v8 =	vor.u32 $0x10, v5  }
0x340: {  	v4 =	vpop (erf)  }
0x341: {  	[tilespmem:v6+s23+$0x0] =	vst.idx.msk $0xffff, v4;
	v2 =	vpop (erf)  }
0x342: {  	[tilespmem:v7+s23+$0x0] =	vst.idx.msk $0xffff, v2  }
0x343: {  	v6 =	vld.idx.msk [tilespmem:v5+s24+$0x0], $0xffff  }
0x344: {  	v7 =	vld.idx.msk [tilespmem:v8+s24+$0x0], $0xffff;
	_ =	sdelay $0x1  }
0x345: {  	v8 =	vadd.s32 $0x10, v3  }
0x346: {  	v9 =	vor.u32 $0x1, v5  }
0x347: {  	v10 =	vor.u32 $0x11, v5;
	v6 =	vmul.f32 v4, v6  }
0x348: {  	v7 =	vmul.f32 v2, v7  }
0x349: {  	[tilespmem:v3+s23+$0x0] =	vst.idx.msk $0xffff, v6  }
0x34a: {  	[tilespmem:v8+s23+$0x0] =	vst.idx.msk $0xffff, v7  }
0x34b: {  	v6 =	vld.idx.msk [tilespmem:v9+s24+$0x0], $0xffff  }
0x34c: {  	v7 =	vld.idx.msk [tilespmem:v10+s24+$0x0], $0xffff  }
0x34d: {  	v8 =	vor.u32 $0x1, v3  }
0x34e: {  	v24 =	vadd.s32 $0x11, v3  }
0x34f: {  	v25 =	vor.u32 $0x2, v5  }
0x350: {  	v11 =	vor.u32 $0x12, v5;
	v6 =	vmul.f32 v6, v4  }
0x351: {  	v7 =	vmul.f32 v7, v2  }
0x352: {  	[tilespmem:v8+s23+$0x0] =	vst.idx.msk $0xffff, v6  }
0x353: {  	[tilespmem:v24+s23+$0x0] =	vst.idx.msk $0xffff, v7  }
0x354: {  	v6 =	vld.idx.msk [tilespmem:v25+s24+$0x0], $0xffff  }
0x355: {  	v7 =	vld.idx.msk [tilespmem:v11+s24+$0x0], $0xffff  }
0x356: {  	v8 =	vor.u32 $0x2, v3  }
0x357: {  	v26 =	vadd.s32 $0x12, v3  }
0x358: {  	v27 =	vor.u32 $0x3, v5  }
0x359: {  	v28 =	vor.u32 $0x13, v5;
	v6 =	vmul.f32 v6, v4  }
0x35a: {  	v7 =	vmul.f32 v7, v2  }
0x35b: {  	[tilespmem:v8+s23+$0x0] =	vst.idx.msk $0xffff, v6  }
0x35c: {  	[tilespmem:v26+s23+$0x0] =	vst.idx.msk $0xffff, v7  }
0x35d: {  	v6 =	vld.idx.msk [tilespmem:v27+s24+$0x0], $0xffff  }
0x35e: {  	v7 =	vld.idx.msk [tilespmem:v28+s24+$0x0], $0xffff  }
0x35f: {  	v8 =	vor.u32 $0x3, v3  }
0x360: {  	v29 =	vadd.s32 $0x13, v3  }
0x361: {  	v30 =	vor.u32 $0x4, v5  }
0x362: {  	v31 =	vor.u32 $0x14, v5;
	v6 =	vmul.f32 v6, v4  }
0x363: {  	v7 =	vmul.f32 v7, v2  }
0x364: {  	[tilespmem:v8+s23+$0x0] =	vst.idx.msk $0xffff, v6  }
0x365: {  	[tilespmem:v29+s23+$0x0] =	vst.idx.msk $0xffff, v7  }
0x366: {  	v6 =	vld.idx.msk [tilespmem:v30+s24+$0x0], $0xffff  }
0x367: {  	v7 =	vld.idx.msk [tilespmem:v31+s24+$0x0], $0xffff  }
0x368: {  	v8 =	vor.u32 $0x4, v3  }
0x369: {  	v32 =	vadd.s32 $0x14, v3  }
0x36a: {  	v33 =	vor.u32 $0x5, v5  }
0x36b: {  	v34 =	vor.u32 $0x15, v5;
	v6 =	vmul.f32 v6, v4  }
0x36c: {  	v7 =	vmul.f32 v7, v2  }
0x36d: {  	[tilespmem:v8+s23+$0x0] =	vst.idx.msk $0xffff, v6  }
0x36e: {  	[tilespmem:v32+s23+$0x0] =	vst.idx.msk $0xffff, v7  }
0x36f: {  	v6 =	vld.idx.msk [tilespmem:v33+s24+$0x0], $0xffff  }
0x370: {  	v7 =	vld.idx.msk [tilespmem:v34+s24+$0x0], $0xffff  }
0x371: {  	v8 =	vor.u32 $0x5, v3  }
0x372: {  	v35 =	vadd.s32 $0x15, v3  }
0x373: {  	v36 =	vor.u32 $0x6, v5  }
0x374: {  	v37 =	vor.u32 $0x16, v5;
	v6 =	vmul.f32 v6, v4  }
0x375: {  	v7 =	vmul.f32 v7, v2  }
0x376: {  	[tilespmem:v8+s23+$0x0] =	vst.idx.msk $0xffff, v6  }
0x377: {  	[tilespmem:v35+s23+$0x0] =	vst.idx.msk $0xffff, v7  }
0x378: {  	v6 =	vld.idx.msk [tilespmem:v36+s24+$0x0], $0xffff  }
0x379: {  	v7 =	vld.idx.msk [tilespmem:v37+s24+$0x0], $0xffff  }
0x37a: {  	v8 =	vor.u32 $0x6, v3  }
0x37b: {  	v38 =	vadd.s32 $0x16, v3  }
0x37c: {  	v39 =	vor.u32 $0x7, v5  }
0x37d: {  	v40 =	vor.u32 $0x17, v5;
	v6 =	vmul.f32 v6, v4  }
0x37e: {  	v7 =	vmul.f32 v7, v2  }
0x37f: {  	[tilespmem:v8+s23+$0x0] =	vst.idx.msk $0xffff, v6  }
0x380: {  	[tilespmem:v38+s23+$0x0] =	vst.idx.msk $0xffff, v7  }
0x381: {  	v6 =	vld.idx.msk [tilespmem:v39+s24+$0x0], $0xffff  }
0x382: {  	v7 =	vld.idx.msk [tilespmem:v40+s24+$0x0], $0xffff  }
0x383: {  	v8 =	vor.u32 $0x7, v3  }
0x384: {  	v41 =	vadd.s32 $0x17, v3  }
0x385: {  	v42 =	vor.u32 $0x8, v5  }
0x386: {  	v43 =	vor.u32 $0x18, v5;
	v6 =	vmul.f32 v6, v4  }
0x387: {  	v7 =	vmul.f32 v7, v2  }
0x388: {  	[tilespmem:v8+s23+$0x0] =	vst.idx.msk $0xffff, v6  }
0x389: {  	[tilespmem:v41+s23+$0x0] =	vst.idx.msk $0xffff, v7  }
0x38a: {  	v6 =	vld.idx.msk [tilespmem:v42+s24+$0x0], $0xffff  }
0x38b: {  	v7 =	vld.idx.msk [tilespmem:v43+s24+$0x0], $0xffff  }
0x38c: {  	v8 =	vadd.s32 $0x8, v3  }
0x38d: {  	v44 =	vadd.s32 $0x18, v3  }
0x38e: {  	v45 =	vor.u32 $0x9, v5  }
0x38f: {  	v46 =	vor.u32 $0x19, v5;
	v6 =	vmul.f32 v6, v4  }
0x390: {  	v7 =	vmul.f32 v7, v2  }
0x391: {  	[tilespmem:v8+s23+$0x0] =	vst.idx.msk $0xffff, v6  }
0x392: {  	[tilespmem:v44+s23+$0x0] =	vst.idx.msk $0xffff, v7  }
0x393: {  	v6 =	vld.idx.msk [tilespmem:v45+s24+$0x0], $0xffff  }
0x394: {  	v7 =	vld.idx.msk [tilespmem:v46+s24+$0x0], $0xffff  }
0x395: {  	v8 =	vadd.s32 $0x9, v3  }
0x396: {  	v47 =	vadd.s32 $0x19, v3  }
0x397: {  	v48 =	vor.u32 $0xA, v5  }
0x398: {  	v49 =	vor.u32 $0x1A, v5;
	v6 =	vmul.f32 v6, v4  }
0x399: {  	v7 =	vmul.f32 v7, v2  }
0x39a: {  	[tilespmem:v8+s23+$0x0] =	vst.idx.msk $0xffff, v6  }
0x39b: {  	[tilespmem:v47+s23+$0x0] =	vst.idx.msk $0xffff, v7  }
0x39c: {  	v6 =	vld.idx.msk [tilespmem:v48+s24+$0x0], $0xffff  }
0x39d: {  	v7 =	vld.idx.msk [tilespmem:v49+s24+$0x0], $0xffff  }
0x39e: {  	v8 =	vadd.s32 $0xA, v3  }
0x39f: {  	v50 =	vadd.s32 $0x1A, v3  }
0x3a0: {  	v51 =	vor.u32 $0xB, v5  }
0x3a1: {  	v52 =	vor.u32 $0x1B, v5;
	v6 =	vmul.f32 v6, v4  }
0x3a2: {  	v7 =	vmul.f32 v7, v2  }
0x3a3: {  	[tilespmem:v8+s23+$0x0] =	vst.idx.msk $0xffff, v6  }
0x3a4: {  	[tilespmem:v50+s23+$0x0] =	vst.idx.msk $0xffff, v7  }
0x3a5: {  	v6 =	vld.idx.msk [tilespmem:v51+s24+$0x0], $0xffff  }
0x3a6: {  	v7 =	vld.idx.msk [tilespmem:v52+s24+$0x0], $0xffff  }
0x3a7: {  	v8 =	vadd.s32 $0xB, v3  }
0x3a8: {  	v53 =	vadd.s32 $0x1B, v3  }
0x3a9: {  	v54 =	vor.u32 $0xC, v5  }
0x3aa: {  	v55 =	vor.u32 $0x1C, v5;
	v6 =	vmul.f32 v6, v4  }
0x3ab: {  	v7 =	vmul.f32 v7, v2  }
0x3ac: {  	[tilespmem:v8+s23+$0x0] =	vst.idx.msk $0xffff, v6  }
0x3ad: {  	[tilespmem:v53+s23+$0x0] =	vst.idx.msk $0xffff, v7  }
0x3ae: {  	v6 =	vld.idx.msk [tilespmem:v54+s24+$0x0], $0xffff  }
0x3af: {  	v7 =	vld.idx.msk [tilespmem:v55+s24+$0x0], $0xffff  }
0x3b0: {  	v8 =	vadd.s32 $0xC, v3  }
0x3b1: {  	v56 =	vadd.s32 $0x1C, v3  }
0x3b2: {  	v57 =	vor.u32 $0xD, v5  }
0x3b3: {  	v58 =	vor.u32 $0x1D, v5;
	v6 =	vmul.f32 v6, v4  }
0x3b4: {  	v7 =	vmul.f32 v7, v2  }
0x3b5: {  	[tilespmem:v8+s23+$0x0] =	vst.idx.msk $0xffff, v6  }
0x3b6: {  	[tilespmem:v56+s23+$0x0] =	vst.idx.msk $0xffff, v7  }
0x3b7: {  	v6 =	vld.idx.msk [tilespmem:v57+s24+$0x0], $0xffff  }
0x3b8: {  	v7 =	vld.idx.msk [tilespmem:v58+s24+$0x0], $0xffff  }
0x3b9: {  	v8 =	vadd.s32 $0xD, v3  }
0x3ba: {  	v59 =	vadd.s32 $0x1D, v3  }
0x3bb: {  	v60 =	vor.u32 $0xE, v5  }
0x3bc: {  	v61 =	vor.u32 $0x1E, v5;
	v6 =	vmul.f32 v6, v4  }
0x3bd: {  	v7 =	vmul.f32 v7, v2  }
0x3be: {  	[tilespmem:v8+s23+$0x0] =	vst.idx.msk $0xffff, v6  }
0x3bf: {  	[tilespmem:v59+s23+$0x0] =	vst.idx.msk $0xffff, v7  }
0x3c0: {  	v6 =	vld.idx.msk [tilespmem:v60+s24+$0x0], $0xffff  }
0x3c1: {  	v7 =	vld.idx.msk [tilespmem:v61+s24+$0x0], $0xffff  }
0x3c2: {  	v8 =	vadd.s32 $0xE, v3  }
0x3c3: {  	v62 =	vadd.s32 $0x1E, v3  }
0x3c4: {  	v63 =	vor.u32 $0xF, v5  }
0x3c5: {  	v5 =	vor.u32 $0x1F, v5;
	v6 =	vmul.f32 v6, v4  }
0x3c6: {  	v7 =	vmul.f32 v7, v2  }
0x3c7: {  	[tilespmem:v8+s23+$0x0] =	vst.idx.msk $0xffff, v6  }
0x3c8: {  	[tilespmem:v62+s23+$0x0] =	vst.idx.msk $0xffff, v7  }
0x3c9: {  	v7 =	vld.idx.msk [tilespmem:v63+s24+$0x0], $0xffff  }
0x3ca: {  	v6 =	vld.idx.msk [tilespmem:v5+s24+$0x0], $0xffff  }
0x3cb: {  	v5 =	vadd.s32 $0xF, v3  }
0x3cc: {  	v3 =	vadd.s32 $0x1F, v3;
	_ =	sdelay $0x1  }
0x3cd: {  	s9 =	simm.s32 $0x10;
	v4 =	vmul.f32 v7, v4  }
.LBB2_11:
0x3ce: {  	p2 =	sne.s32 s9, $0x70;
	v2 =	vmul.f32 v6, v2;
	s3 =	sadd.s32 $0x10, s3;
	s7 =	sadd.s32 $0x10, s7  }
0x3cf: {  	s10 =	smov.u32 s9;
	s9 =	sadd.s32 $0x10, s9;
	[tilespmem:v5+s23+$0x0] =	vst.idx.msk $0xffff, v4  }
0x3d0: {  	[tilespmem:v3+s23+$0x0] =	vst.idx.msk $0xffff, v2  }
0x3d1: {  	v2 =	vld [tilespmem:s3+$0x0]  }
0x3d2: {  	v3 =	vld [tilespmem:s7+$0x0];
	_ =	sdelay $0x3  }
0x3d3: {  	v2 =	vshll.u32 v2, $0x3  }
0x3d4: {  	v4 =	vor.u32 $0x1, v2;
	v3 =	vshll.u32 v3, $0x3  }
0x3d5: {  	v5 =	vor.u32 $0x2, v3;
	v3 =	vor.u32 $0x3, v3;
	_ =	sdelay $0x2  }
0x3d6: {  	v2 =	vld.idx.msk [tilespmem:v2+s21+$0x0], $0xffff  }
0x3d7: {  	v4 =	vld.idx.msk [tilespmem:v4+s21+$0x0], $0xffff  }
0x3d8: {  	v5 =	vld.idx.msk [tilespmem:v5+s21+$0x0], $0xffff  }
0x3d9: {  	v3 =	vld.idx.msk [tilespmem:v3+s21+$0x0], $0xffff;
	_ =	sdelay $0x4  }
0x3da: {  	v2 =	vadd.f32 v5, v2  }
0x3db: {  	v3 =	vadd.f32 v3, v4  }
0x3dc: {  	vm0 =	vgt.f32 v2, $0.0e+00;
	v4 =	vmul.f32 $2.000000030e-01, v2  }
0x3dd: {  	v5 =	vmul.f32 $2.000000030e-01, v3  }
0x3de: {  	v2 =	vsel vm0, v2, v4;
	vm0 =	vgt.f32 v3, $0.0e+00  }
0x3df: {  	v2 =	vmul.f32 $1.442695020e+00, v2;
	v3 =	vsel vm0, v3, v5  }
0x3e0: {  	v4 =	vmul.f32 $1.442695020e+00, v3  }
0x3e1: {  	v5 =	vor.u32 s10, v1;
	(erf) = vpow2.f32 v2  }
0x3e2: {  	v3 =	vmul.u32 $0x28, v5;
	(erf) = vpow2.f32 v4;
	_ =	sdelay $0x1  }
0x3e3: {  	v2 =	vadd.s32 $0x20, v3  }
0x3e4: {  	v6 =	vadd.s32 $0x21, v3;
	_ =	sdelay $0x2  }
0x3e5: {  	v5 =	vshll.u32 v5, $0x5  }
0x3e6: {  	v7 =	vor.u32 $0x10, v5  }
0x3e7: {  	v4 =	vpop (erf)  }
0x3e8: {  	[tilespmem:v2+s23+$0x0] =	vst.idx.msk $0xffff, v4;
	v2 =	vpop (erf)  }
0x3e9: {  	[tilespmem:v6+s23+$0x0] =	vst.idx.msk $0xffff, v2  }
0x3ea: {  	v6 =	vld.idx.msk [tilespmem:v5+s24+$0x0], $0xffff  }
0x3eb: {  	v7 =	vld.idx.msk [tilespmem:v7+s24+$0x0], $0xffff;
	_ =	sdelay $0x2  }
0x3ec: {  	v8 =	vadd.s32 $0x10, v3  }
0x3ed: {  	v9 =	vor.u32 $0x1, v5  }
0x3ee: {  	v10 =	vor.u32 $0x11, v5;
	v6 =	vmul.f32 v4, v6  }
0x3ef: {  	v7 =	vmul.f32 v2, v7  }
0x3f0: {  	[tilespmem:v3+s23+$0x0] =	vst.idx.msk $0xffff, v6  }
0x3f1: {  	[tilespmem:v8+s23+$0x0] =	vst.idx.msk $0xffff, v7  }
0x3f2: {  	v6 =	vld.idx.msk [tilespmem:v9+s24+$0x0], $0xffff  }
0x3f3: {  	v7 =	vld.idx.msk [tilespmem:v10+s24+$0x0], $0xffff;
	_ =	sdelay $0x1  }
0x3f4: {  	v8 =	vor.u32 $0x1, v3  }
0x3f5: {  	v9 =	vadd.s32 $0x11, v3  }
0x3f6: {  	v10 =	vor.u32 $0x2, v5  }
0x3f7: {  	v11 =	vor.u32 $0x12, v5;
	v6 =	vmul.f32 v6, v4  }
0x3f8: {  	v7 =	vmul.f32 v7, v2  }
0x3f9: {  	[tilespmem:v8+s23+$0x0] =	vst.idx.msk $0xffff, v6  }
0x3fa: {  	[tilespmem:v9+s23+$0x0] =	vst.idx.msk $0xffff, v7  }
0x3fb: {  	v6 =	vld.idx.msk [tilespmem:v10+s24+$0x0], $0xffff  }
0x3fc: {  	v7 =	vld.idx.msk [tilespmem:v11+s24+$0x0], $0xffff;
	_ =	sdelay $0x1  }
0x3fd: {  	v8 =	vor.u32 $0x2, v3  }
0x3fe: {  	v9 =	vadd.s32 $0x12, v3  }
0x3ff: {  	v10 =	vor.u32 $0x3, v5  }
0x400: {  	v11 =	vor.u32 $0x13, v5;
	v6 =	vmul.f32 v6, v4  }
0x401: {  	v7 =	vmul.f32 v7, v2  }
0x402: {  	[tilespmem:v8+s23+$0x0] =	vst.idx.msk $0xffff, v6  }
0x403: {  	[tilespmem:v9+s23+$0x0] =	vst.idx.msk $0xffff, v7  }
0x404: {  	v6 =	vld.idx.msk [tilespmem:v10+s24+$0x0], $0xffff  }
0x405: {  	v7 =	vld.idx.msk [tilespmem:v11+s24+$0x0], $0xffff;
	_ =	sdelay $0x1  }
0x406: {  	v8 =	vor.u32 $0x3, v3  }
0x407: {  	v9 =	vadd.s32 $0x13, v3  }
0x408: {  	v10 =	vor.u32 $0x4, v5  }
0x409: {  	v11 =	vor.u32 $0x14, v5;
	v6 =	vmul.f32 v6, v4  }
0x40a: {  	v7 =	vmul.f32 v7, v2  }
0x40b: {  	[tilespmem:v8+s23+$0x0] =	vst.idx.msk $0xffff, v6  }
0x40c: {  	[tilespmem:v9+s23+$0x0] =	vst.idx.msk $0xffff, v7  }
0x40d: {  	v6 =	vld.idx.msk [tilespmem:v10+s24+$0x0], $0xffff  }
0x40e: {  	v8 =	vor.u32 $0x4, v3;
	v7 =	vld.idx.msk [tilespmem:v11+s24+$0x0], $0xffff  }
0x40f: {  	v9 =	vadd.s32 $0x14, v3;
	_ =	sdelay $0x2  }
0x410: {  	v10 =	vor.u32 $0x5, v5  }
0x411: {  	v11 =	vor.u32 $0x15, v5;
	v6 =	vmul.f32 v6, v4  }
0x412: {  	v7 =	vmul.f32 v7, v2  }
0x413: {  	[tilespmem:v8+s23+$0x0] =	vst.idx.msk $0xffff, v6  }
0x414: {  	[tilespmem:v9+s23+$0x0] =	vst.idx.msk $0xffff, v7  }
0x415: {  	v6 =	vld.idx.msk [tilespmem:v10+s24+$0x0], $0xffff  }
0x416: {  	v7 =	vld.idx.msk [tilespmem:v11+s24+$0x0], $0xffff;
	_ =	sdelay $0x1  }
0x417: {  	v8 =	vor.u32 $0x5, v3  }
0x418: {  	v9 =	vadd.s32 $0x15, v3  }
0x419: {  	v10 =	vor.u32 $0x6, v5  }
0x41a: {  	v11 =	vor.u32 $0x16, v5;
	v6 =	vmul.f32 v6, v4  }
0x41b: {  	v7 =	vmul.f32 v7, v2  }
0x41c: {  	[tilespmem:v8+s23+$0x0] =	vst.idx.msk $0xffff, v6  }
0x41d: {  	[tilespmem:v9+s23+$0x0] =	vst.idx.msk $0xffff, v7  }
0x41e: {  	v6 =	vld.idx.msk [tilespmem:v10+s24+$0x0], $0xffff  }
0x41f: {  	v7 =	vld.idx.msk [tilespmem:v11+s24+$0x0], $0xffff;
	_ =	sdelay $0x1  }
0x420: {  	v8 =	vor.u32 $0x6, v3  }
0x421: {  	v9 =	vadd.s32 $0x16, v3  }
0x422: {  	v10 =	vor.u32 $0x7, v5  }
0x423: {  	v11 =	vor.u32 $0x17, v5;
	v6 =	vmul.f32 v6, v4  }
0x424: {  	v7 =	vmul.f32 v7, v2  }
0x425: {  	[tilespmem:v8+s23+$0x0] =	vst.idx.msk $0xffff, v6  }
0x426: {  	[tilespmem:v9+s23+$0x0] =	vst.idx.msk $0xffff, v7  }
0x427: {  	v6 =	vld.idx.msk [tilespmem:v10+s24+$0x0], $0xffff  }
0x428: {  	v7 =	vld.idx.msk [tilespmem:v11+s24+$0x0], $0xffff;
	_ =	sdelay $0x1  }
0x429: {  	v8 =	vor.u32 $0x7, v3  }
0x42a: {  	v9 =	vadd.s32 $0x17, v3  }
0x42b: {  	v10 =	vor.u32 $0x8, v5  }
0x42c: {  	v11 =	vor.u32 $0x18, v5;
	v6 =	vmul.f32 v6, v4  }
0x42d: {  	v7 =	vmul.f32 v7, v2  }
0x42e: {  	[tilespmem:v8+s23+$0x0] =	vst.idx.msk $0xffff, v6  }
0x42f: {  	[tilespmem:v9+s23+$0x0] =	vst.idx.msk $0xffff, v7  }
0x430: {  	v6 =	vld.idx.msk [tilespmem:v10+s24+$0x0], $0xffff  }
0x431: {  	v7 =	vld.idx.msk [tilespmem:v11+s24+$0x0], $0xffff;
	_ =	sdelay $0x1  }
0x432: {  	v8 =	vadd.s32 $0x8, v3  }
0x433: {  	v9 =	vadd.s32 $0x18, v3  }
0x434: {  	v10 =	vor.u32 $0x9, v5  }
0x435: {  	v11 =	vor.u32 $0x19, v5;
	v6 =	vmul.f32 v6, v4  }
0x436: {  	v7 =	vmul.f32 v7, v2  }
0x437: {  	[tilespmem:v8+s23+$0x0] =	vst.idx.msk $0xffff, v6  }
0x438: {  	[tilespmem:v9+s23+$0x0] =	vst.idx.msk $0xffff, v7  }
0x439: {  	v6 =	vld.idx.msk [tilespmem:v10+s24+$0x0], $0xffff  }
0x43a: {  	v7 =	vld.idx.msk [tilespmem:v11+s24+$0x0], $0xffff;
	_ =	sdelay $0x1  }
0x43b: {  	v8 =	vadd.s32 $0x9, v3  }
0x43c: {  	v9 =	vadd.s32 $0x19, v3  }
0x43d: {  	v10 =	vor.u32 $0xA, v5  }
0x43e: {  	v11 =	vor.u32 $0x1A, v5;
	v6 =	vmul.f32 v6, v4  }
0x43f: {  	v7 =	vmul.f32 v7, v2  }
0x440: {  	[tilespmem:v8+s23+$0x0] =	vst.idx.msk $0xffff, v6  }
0x441: {  	[tilespmem:v9+s23+$0x0] =	vst.idx.msk $0xffff, v7  }
0x442: {  	v6 =	vld.idx.msk [tilespmem:v10+s24+$0x0], $0xffff  }
0x443: {  	v7 =	vld.idx.msk [tilespmem:v11+s24+$0x0], $0xffff;
	_ =	sdelay $0x1  }
0x444: {  	v8 =	vadd.s32 $0xA, v3  }
0x445: {  	v9 =	vadd.s32 $0x1A, v3  }
0x446: {  	v10 =	vor.u32 $0xB, v5  }
0x447: {  	v11 =	vor.u32 $0x1B, v5;
	v6 =	vmul.f32 v6, v4  }
0x448: {  	v7 =	vmul.f32 v7, v2  }
0x449: {  	[tilespmem:v8+s23+$0x0] =	vst.idx.msk $0xffff, v6  }
0x44a: {  	[tilespmem:v9+s23+$0x0] =	vst.idx.msk $0xffff, v7  }
0x44b: {  	v6 =	vld.idx.msk [tilespmem:v10+s24+$0x0], $0xffff  }
0x44c: {  	v7 =	vld.idx.msk [tilespmem:v11+s24+$0x0], $0xffff;
	_ =	sdelay $0x1  }
0x44d: {  	v8 =	vadd.s32 $0xB, v3  }
0x44e: {  	v9 =	vadd.s32 $0x1B, v3  }
0x44f: {  	v10 =	vor.u32 $0xC, v5  }
0x450: {  	v11 =	vor.u32 $0x1C, v5;
	v6 =	vmul.f32 v6, v4  }
0x451: {  	v7 =	vmul.f32 v7, v2  }
0x452: {  	[tilespmem:v8+s23+$0x0] =	vst.idx.msk $0xffff, v6  }
0x453: {  	[tilespmem:v9+s23+$0x0] =	vst.idx.msk $0xffff, v7  }
0x454: {  	v6 =	vld.idx.msk [tilespmem:v10+s24+$0x0], $0xffff  }
0x455: {  	v7 =	vld.idx.msk [tilespmem:v11+s24+$0x0], $0xffff;
	_ =	sdelay $0x1  }
0x456: {  	v8 =	vadd.s32 $0xC, v3  }
0x457: {  	v9 =	vadd.s32 $0x1C, v3  }
0x458: {  	v10 =	vor.u32 $0xD, v5  }
0x459: {  	v11 =	vor.u32 $0x1D, v5;
	v6 =	vmul.f32 v6, v4  }
0x45a: {  	v7 =	vmul.f32 v7, v2  }
0x45b: {  	[tilespmem:v8+s23+$0x0] =	vst.idx.msk $0xffff, v6  }
0x45c: {  	[tilespmem:v9+s23+$0x0] =	vst.idx.msk $0xffff, v7  }
0x45d: {  	v6 =	vld.idx.msk [tilespmem:v10+s24+$0x0], $0xffff  }
0x45e: {  	v7 =	vld.idx.msk [tilespmem:v11+s24+$0x0], $0xffff;
	_ =	sdelay $0x1  }
0x45f: {  	v8 =	vadd.s32 $0xD, v3  }
0x460: {  	v9 =	vadd.s32 $0x1D, v3  }
0x461: {  	v10 =	vor.u32 $0xE, v5  }
0x462: {  	v11 =	vor.u32 $0x1E, v5;
	v6 =	vmul.f32 v6, v4  }
0x463: {  	v7 =	vmul.f32 v7, v2  }
0x464: {  	[tilespmem:v8+s23+$0x0] =	vst.idx.msk $0xffff, v6  }
0x465: {  	[tilespmem:v9+s23+$0x0] =	vst.idx.msk $0xffff, v7  }
0x466: {  	v6 =	vld.idx.msk [tilespmem:v10+s24+$0x0], $0xffff  }
0x467: {  	v7 =	vld.idx.msk [tilespmem:v11+s24+$0x0], $0xffff;
	_ =	sdelay $0x1  }
0x468: {  	v8 =	vadd.s32 $0xE, v3  }
0x469: {  	v9 =	vadd.s32 $0x1E, v3  }
0x46a: {  	v10 =	vor.u32 $0xF, v5  }
0x46b: {  	v5 =	vor.u32 $0x1F, v5;
	v6 =	vmul.f32 v6, v4  }
0x46c: {  	v7 =	vmul.f32 v7, v2  }
0x46d: {  	[tilespmem:v8+s23+$0x0] =	vst.idx.msk $0xffff, v6  }
0x46e: {  	[tilespmem:v9+s23+$0x0] =	vst.idx.msk $0xffff, v7  }
0x46f: {  	v7 =	vld.idx.msk [tilespmem:v10+s24+$0x0], $0xffff  }
0x470: {  	v6 =	vld.idx.msk [tilespmem:v5+s24+$0x0], $0xffff  }
.Ltmp7:
0x471: {  	(pc) =	sbr.rel @p2 .LBB2_11-.Ltmp7, $3  }
0x472: {  	v5 =	vadd.s32 $0xF, v3  }
0x473: {  	v3 =	vadd.s32 $0x1F, v3;
	_ =	sdelay $0x1  }
0x474: {  	v4 =	vmul.f32 v7, v4  }
0x475: {  	_ =	sdelay $0x2  }
0x476: {  	v2 =	vmul.f32 v6, v2  }
0x477: {  	[tilespmem:v5+s23+$0x0] =	vst.idx.msk $0xffff, v4  }
.Ltmp8:
0x478: {  	[tilespmem:v3+s23+$0x0] =	vst.idx.msk $0xffff, v2;
	(pc) =	sbr.rel .LBB2_13-.Ltmp8, $4  }
0x479: {  	[spmem:s1] =	stream.indirect.scatter.add.f32 [tilespmem:s23], [sflag:$0x4], $0x22, s26, s26, $0xb8;
	[tilespmem:$0x1D588] =	vst v63  }
0x47a: {  	_ =	swait.ge [sflag:s22], $0x1100  }
0x47b: {  	[sflag:s22] =	ssyncset.done $0x0  }
0x47c: {  	[sflag:s22] =	ssyncadd.s32 $0xFFFFEF00  }
.LBB2_14:
0x47d: {  	_ =	sfence.sel $0x180000  }
0x47e: {  	[bflag:$0x0] =	sbarrier.arrive $0xFFFF  }
0x47f: {  	_ =	strace $0x90000047  }
0x480: {  	s0 =	stileid.u32;
	[bflag:$0x2] =	sbarrier.arrive $0xFFFF  }
0x481: {  	p0 =	sne.s32 s0, $0x0;
	s0 =	rddreg [dreg:$0x2]  }
0x482: {  	s0 =	sadd.s32 @!p0 $0x100000, s0  }
0x483: {  	[sflag:s0] =	ssyncadd.tile.s32 @!p0 $0x1;
	_ =	shalt  }
.Lfunc_end2:
_tile_overlayer_lowered:
.L_overlay_start_2:
0x484: {  	(tag) =	ssettag $0x2  }
0x485: {  	s0 =	rddreg [dreg:$0x0];
	s2 =	stileid.u32  }
0x486: {  	s1 =	rddreg [dreg:$0x1];
	p0 =	sne.s32 s2, $0x0  }
0x487: {  	s3 =	rddreg [dreg:$0x2];
	[bflag:$0x3] =	sbarrier.arrive $0xFFFF;
	s2 =	simm.s32 @!p0 $0x1C04  }
0x488: {  	[timem:s3], [sflag:s2] =	dma.local @!p0 [hbm:s0], s1  }
0x489: {  	s0 =	simm.s32 @!p0 $0x4  }
0x48a: {  	_ =	swait.ge @!p0 [sflag:s0], s1  }
0x48b: {  	s1 =	ssub.s32 @!p0 $0x0, s1;
	[sflag:s0] =	ssyncset.done @!p0 $0x0  }
0x48c: {  	[sflag:s0] =	ssyncadd.s32 @!p0 s1  }
0x48d: {  	[bflag:$0x3] =	sbarrier.arrive $0xFFFF  }
0x48e: {  	_ =	shalt  }

</sc_bundles>
